<compile_context>
chip_gen: v7x
topology: tpu7x:2x2x1
jax: 0.10.2.dev20260603
libtpu: 0.0.44.dev20260713+nightly
codegen_flags: <defaults>
</compile_context>

<pallas_src>
import dataclasses
import functools

import jax
import jax.numpy as jnp
from jax import lax
from jax.experimental import pallas as pl
from jax.experimental.pallas import tpu as pltpu
from jax.experimental.pallas import tpu_sc as plsc

L = 16
NC = 2
NS = 16
NW = NC * NS
BATCH = 32
S_OUT = 10000
SEG_PER = 320
SEG_TOT = NW * SEG_PER


def _sload(ref, idx):
    return ref[pl.ds(idx, L)][0]


def _sc_body(x_hbm, ids_hbm, wb_hbm, rowb_hbm, out_hbm, wout_hbm,
             xs, ids_v, ws, wb_v, rowb_v, acc, cnt):
    n, d = x_hbm.shape
    nchunk = d // L
    cid = lax.axis_index("c")
    sid = lax.axis_index("s")
    wid = cid * NS + sid

    pltpu.sync_copy(wb_hbm, wb_v.at[pl.ds(0, d + 8)])
    pltpu.sync_copy(rowb_hbm, rowb_v.at[pl.ds(0, NW + 8)])
    bias = _sload(wb_v, d)
    zero16 = jnp.zeros((L,), jnp.float32)
    lane = lax.iota(jnp.int32, L)
    w_chunks = [wb_v[pl.ds(c * L, L)] for c in range(nchunk)]

    @pl.loop(0, SEG_PER)
    def _zero(s):
        for c in range(nchunk):
            acc[s, pl.ds(c * L, L)] = zero16
        cnt[s, :] = zero16

    rstart = _sload(rowb_v, wid)
    rend = _sload(rowb_v, wid + 1)
    seg_lo = wid * SEG_PER
    b0 = rstart // BATCH
    b1 = (rend + BATCH - 1) // BATCH

    def batch_body(bi, carry):
        base = bi * BATCH
        pltpu.sync_copy(x_hbm.at[pl.ds(base, BATCH), :], xs)
        pltpu.sync_copy(ids_hbm.at[pl.ds(base, BATCH)], ids_v.at[pl.ds(0, BATCH)])

        for g in range(BATCH // L):
            def row_dot(k, tvec, g=g):
                i = g * L + k
                dvec = zero16
                for c in range(nchunk):
                    dvec = dvec + xs[i, pl.ds(c * L, L)] * w_chunks[c]
                t = jnp.sum(dvec) + bias
                return jnp.where(lane == k, t, tvec)

            tvec = lax.fori_loop(0, L, row_dot, zero16)
            wv = 1.0 / (1.0 + jnp.exp(-tvec))
            ws[pl.ds(g * L, L)] = wv

        @pl.when(base >= rstart)
        def _own():
            pltpu.sync_copy(ws.at[pl.ds(0, BATCH)], wout_hbm.at[pl.ds(base, BATCH)])

        i_lo = jnp.maximum(rstart - base, 0)
        i_hi = jnp.minimum(rend - base, BATCH)

        def acc_row(i, carry2):
            ls = _sload(ids_v, i) - seg_lo
            wrow = jnp.full((L,), _sload(ws, i))
            for c in range(nchunk):
                acc[ls, pl.ds(c * L, L)] += wrow * xs[i, pl.ds(c * L, L)]
            cnt[ls, :] += 1.0
            return carry2

        lax.fori_loop(i_lo, i_hi, acc_row, 0)
        return carry

    lax.fori_loop(b0, b1, batch_body, 0)

    @pl.loop(0, SEG_PER)
    def _div(s):
        inv = 1.0 / cnt[s, :]
        for c in range(nchunk):
            acc[s, pl.ds(c * L, L)] = acc[s, pl.ds(c * L, L)] * inv

    pltpu.sync_copy(acc, out_hbm.at[pl.ds(seg_lo, SEG_PER), :])


def kernel(x, supercase_indexes, W, b):
    n, d = x.shape
    ids = supercase_indexes.astype(jnp.int32)
    wb = jnp.concatenate(
        [W.reshape(-1).astype(jnp.float32), b.reshape(-1).astype(jnp.float32),
         jnp.zeros((7,), jnp.float32)])
    qs = jnp.arange(NW + 1, dtype=jnp.int32) * SEG_PER
    rowb = jnp.searchsorted(ids, qs).astype(jnp.int32)
    rowb = jnp.concatenate([rowb, jnp.zeros((7,), jnp.int32)])

    mesh = plsc.VectorSubcoreMesh(core_axis_name="c", subcore_axis_name="s")
    cp = pltpu.CompilerParams()
    if "needs_layout_passes" in pltpu.CompilerParams.__dataclass_fields__:
        cp = dataclasses.replace(cp, needs_layout_passes=False)
    if "use_tc_tiling_on_sc" in pltpu.CompilerParams.__dataclass_fields__:
        cp = dataclasses.replace(cp, use_tc_tiling_on_sc=False)
    run = pl.kernel(
        _sc_body,
        compiler_params=cp,
        out_type=[
            jax.ShapeDtypeStruct((SEG_TOT, d), jnp.float32),
            jax.ShapeDtypeStruct((n,), jnp.float32),
        ],
        mesh=mesh,
        scratch_types=[
            pltpu.VMEM((BATCH, d), jnp.float32),
            pltpu.VMEM((BATCH + L,), jnp.int32),
            pltpu.VMEM((BATCH + L,), jnp.float32),
            pltpu.VMEM((d + 8 + L,), jnp.float32),
            pltpu.VMEM((NW + 8 + L,), jnp.int32),
            pltpu.VMEM((SEG_PER, d), jnp.float32),
            pltpu.VMEM((SEG_PER, L), jnp.float32),
        ],
    )
    out_pad, wout = run(x, ids, wb, rowb)
    return out_pad[:S_OUT], wout.reshape(n, 1)

# --- scband reference (transcript-rebuilt; emitter-appended) ---
"""Pipeline reference for scband-weighted-avg-pool-reducer-73108933313221 (READ-ONLY COPY).

The authoritative reference and input builder live on the scoring server;
editing this copy changes nothing except your own understanding.
"""

import jax, jax.numpy as jnp
import numpy as np

N = 160000
D = 256
S = 10000

def setup_inputs(seed: int = 0) -> dict:
    key = jax.random.key(seed)
    k1, k2, k3, k4 = jax.random.split(key, 4)
    x = jax.random.normal(k1, (N, D), dtype=jnp.float32)
    # sorted segment ids in [0, S); guarantee every segment non-empty so the
    # bincount-based average never divides by zero (matches realistic bag data)
    base = jnp.arange(S, dtype=jnp.int32)
    extra = jax.random.randint(k2, (N - S,), 0, S, dtype=jnp.int32)
    supercase_indexes = jnp.sort(jnp.concatenate([base, extra]))
    # nn.Linear(D, 1) parameters
    bound = 1.0 / np.sqrt(D)
    W = jax.random.uniform(k3, (1, D), minval=-bound, maxval=bound, dtype=jnp.float32)
    b = jax.random.uniform(k4, (1,), minval=-bound, maxval=bound, dtype=jnp.float32)
    return {"x": x, "supercase_indexes": supercase_indexes, "W": W, "b": b}

def reference(x, supercase_indexes, W, b):
    # weights = sigmoid(Linear(x))
    weights = jax.nn.sigmoid(x @ W.T + b)          # [N, 1]
    xw = x * weights                                # [N, D]
    # average_group_pool: bincount + index_add + divide
    counts = jnp.bincount(supercase_indexes, length=S)  # [S]
    supercase_repr = jnp.zeros((S, x.shape[1]), dtype=x.dtype).at[supercase_indexes].add(xw)
    supercase_repr = supercase_repr / counts.astype(jnp.float32)[:, None]
    return (supercase_repr, weights)

if __name__ == "__main__":
    import jax
    _d = setup_inputs()
    print(jax.jit(kernel)(*tuple(_d.values())))

</pallas_src>

<mosaic_0001>
#map = affine_map<(d0, d1) -> (0, 0)>
#map1 = affine_map<(d0, d1) -> (0)>
module attributes {stable_mosaic.version = 14 : i64} {
  func.func @_sc_body(%arg0: i32, %arg1: i32, %arg2: memref<160000x256xf32, #tpu.memory_space<hbm>>, %arg3: memref<160000xi32, #tpu.memory_space<hbm>>, %arg4: memref<264xf32, #tpu.memory_space<hbm>>, %arg5: memref<40xi32, #tpu.memory_space<hbm>>, %arg6: memref<10240x256xf32, #tpu.memory_space<hbm>>, %arg7: memref<160000xf32, #tpu.memory_space<hbm>>, %arg8: memref<32x256xf32, #tpu.memory_space<vmem>>, %arg9: memref<48xi32, #tpu.memory_space<vmem>>, %arg10: memref<48xf32, #tpu.memory_space<vmem>>, %arg11: memref<280xf32, #tpu.memory_space<vmem>>, %arg12: memref<56xi32, #tpu.memory_space<vmem>>, %arg13: memref<320x256xf32, #tpu.memory_space<vmem>>, %arg14: memref<320x16xf32, #tpu.memory_space<vmem>>) attributes {dimension_semantics = [#tpu.dimension_semantics<core_parallel>, #tpu.dimension_semantics<subcore_parallel>], iteration_bounds = array<i64: 2, 16>, scalar_prefetch = 0 : i64, scratch_operands = 7 : i64, tpu.core_type = #tpu.core_type<sc_vector_subcore>, window_params = [{transform_indices = #map}, {transform_indices = #map1}, {transform_indices = #map1}, {transform_indices = #map1}, {transform_indices = #map}, {transform_indices = #map1}]} {
    %mul3A = arith.constant 16 : i32
    %mul3A_0 = arith.muli %arg0, %mul3A : i32
    %add3A = arith.addi %mul3A_0, %arg1 : i32
    "tpu.region"() ({
      %run_scoped3A = tpu.sem_alloc : memref<!tpu.dma_semaphore, #tpu.memory_space<semaphore_mem>>
      %dma_start3A = arith.constant 0 : i32
      %dma_start3A_108 = tpu.memref_slice %arg11[%dma_start3A] : memref<280xf32, #tpu.memory_space<vmem>> -> memref<264xf32, #tpu.memory_space<vmem>>
      %dma_start3A_109 = arith.constant 0 : i32
      %dma_start3A_110 = tpu.memref_slice %arg11[%dma_start3A_109] : memref<280xf32, #tpu.memory_space<vmem>> -> memref<264xf32, #tpu.memory_space<vmem>>
      tpu.enqueue_dma source(%arg4 : memref<264xf32, #tpu.memory_space<hbm>>) target(%dma_start3A_110 : memref<264xf32, #tpu.memory_space<vmem>>) target_semaphore(%run_scoped3A : memref<!tpu.dma_semaphore, #tpu.memory_space<semaphore_mem>>)
      %dma_wait3A = arith.constant 0 : i32
      %dma_wait3A_111 = tpu.memref_slice %arg11[%dma_wait3A] : memref<280xf32, #tpu.memory_space<vmem>> -> memref<264xf32, #tpu.memory_space<vmem>>
      %dma_wait3A_112 = arith.constant 0 : i32
      %dma_wait3A_113 = tpu.memref_slice %arg11[%dma_wait3A_112] : memref<280xf32, #tpu.memory_space<vmem>> -> memref<264xf32, #tpu.memory_space<vmem>>
      tpu.wait_dma2 semaphore(%run_scoped3A : memref<!tpu.dma_semaphore, #tpu.memory_space<semaphore_mem>>) src(%arg4 : memref<264xf32, #tpu.memory_space<hbm>>) dst(%dma_wait3A_113 : memref<264xf32, #tpu.memory_space<vmem>>)
      tpu.yield
    }) : () -> ()
    "tpu.region"() ({
      %run_scoped3A = tpu.sem_alloc : memref<!tpu.dma_semaphore, #tpu.memory_space<semaphore_mem>>
      %dma_start3A = arith.constant 0 : i32
      %dma_start3A_108 = tpu.memref_slice %arg12[%dma_start3A] : memref<56xi32, #tpu.memory_space<vmem>> -> memref<40xi32, #tpu.memory_space<vmem>>
      %dma_start3A_109 = arith.constant 0 : i32
      %dma_start3A_110 = tpu.memref_slice %arg12[%dma_start3A_109] : memref<56xi32, #tpu.memory_space<vmem>> -> memref<40xi32, #tpu.memory_space<vmem>>
      tpu.enqueue_dma source(%arg5 : memref<40xi32, #tpu.memory_space<hbm>>) target(%dma_start3A_110 : memref<40xi32, #tpu.memory_space<vmem>>) target_semaphore(%run_scoped3A : memref<!tpu.dma_semaphore, #tpu.memory_space<semaphore_mem>>)
      %dma_wait3A = arith.constant 0 : i32
      %dma_wait3A_111 = tpu.memref_slice %arg12[%dma_wait3A] : memref<56xi32, #tpu.memory_space<vmem>> -> memref<40xi32, #tpu.memory_space<vmem>>
      %dma_wait3A_112 = arith.constant 0 : i32
      %dma_wait3A_113 = tpu.memref_slice %arg12[%dma_wait3A_112] : memref<56xi32, #tpu.memory_space<vmem>> -> memref<40xi32, #tpu.memory_space<vmem>>
      tpu.wait_dma2 semaphore(%run_scoped3A : memref<!tpu.dma_semaphore, #tpu.memory_space<semaphore_mem>>) src(%arg5 : memref<40xi32, #tpu.memory_space<hbm>>) dst(%dma_wait3A_113 : memref<40xi32, #tpu.memory_space<vmem>>)
      tpu.yield
    }) : () -> ()
    %get3A = arith.constant 256 : index
    %get3A_1 = tpu.vector_load %arg11[%get3A] {strides = array<i32>} : memref<280xf32, #tpu.memory_space<vmem>>, vector<16xf32>,
    %slice3A = vector.extract_strided_slice %get3A_1 {offsets = [0], sizes = [1], strides = [1]} : vector<16xf32> to vector<1xf32>
    %squeeze3A = vector.extract %slice3A[0] : f32 from vector<1xf32>
    %broadcast_in_dim3A = arith.constant 0.000000e+00 : f32
    %broadcast_in_dim3A_2 = vector.broadcast %broadcast_in_dim3A : f32 to vector<16xf32>
    %iota3A = tpu.iota {dimensions = array<i32: 0>} : vector<16xi32>
    %get3A_3 = arith.constant 0 : index
    %get3A_4 = tpu.vector_load %arg11[%get3A_3] {strides = array<i32>} : memref<280xf32, #tpu.memory_space<vmem>>, vector<16xf32>,
    %get3A_5 = arith.constant 16 : index
    %get3A_6 = tpu.vector_load %arg11[%get3A_5] {strides = array<i32>} : memref<280xf32, #tpu.memory_space<vmem>>, vector<16xf32>,
    %get3A_7 = arith.constant 32 : index
    %get3A_8 = tpu.vector_load %arg11[%get3A_7] {strides = array<i32>} : memref<280xf32, #tpu.memory_space<vmem>>, vector<16xf32>,
    %get3A_9 = arith.constant 48 : index
    %get3A_10 = tpu.vector_load %arg11[%get3A_9] {strides = array<i32>} : memref<280xf32, #tpu.memory_space<vmem>>, vector<16xf32>,
    %get3A_11 = arith.constant 64 : index
    %get3A_12 = tpu.vector_load %arg11[%get3A_11] {strides = array<i32>} : memref<280xf32, #tpu.memory_space<vmem>>, vector<16xf32>,
    %get3A_13 = arith.constant 80 : index
    %get3A_14 = tpu.vector_load %arg11[%get3A_13] {strides = array<i32>} : memref<280xf32, #tpu.memory_space<vmem>>, vector<16xf32>,
    %get3A_15 = arith.constant 96 : index
    %get3A_16 = tpu.vector_load %arg11[%get3A_15] {strides = array<i32>} : memref<280xf32, #tpu.memory_space<vmem>>, vector<16xf32>,
    %get3A_17 = arith.constant 112 : index
    %get3A_18 = tpu.vector_load %arg11[%get3A_17] {strides = array<i32>} : memref<280xf32, #tpu.memory_space<vmem>>, vector<16xf32>,
    %get3A_19 = arith.constant 128 : index
    %get3A_20 = tpu.vector_load %arg11[%get3A_19] {strides = array<i32>} : memref<280xf32, #tpu.memory_space<vmem>>, vector<16xf32>,
    %get3A_21 = arith.constant 144 : index
    %get3A_22 = tpu.vector_load %arg11[%get3A_21] {strides = array<i32>} : memref<280xf32, #tpu.memory_space<vmem>>, vector<16xf32>,
    %get3A_23 = arith.constant 160 : index
    %get3A_24 = tpu.vector_load %arg11[%get3A_23] {strides = array<i32>} : memref<280xf32, #tpu.memory_space<vmem>>, vector<16xf32>,
    %get3A_25 = arith.constant 176 : index
    %get3A_26 = tpu.vector_load %arg11[%get3A_25] {strides = array<i32>} : memref<280xf32, #tpu.memory_space<vmem>>, vector<16xf32>,
    %get3A_27 = arith.constant 192 : index
    %get3A_28 = tpu.vector_load %arg11[%get3A_27] {strides = array<i32>} : memref<280xf32, #tpu.memory_space<vmem>>, vector<16xf32>,
    %get3A_29 = arith.constant 208 : index
    %get3A_30 = tpu.vector_load %arg11[%get3A_29] {strides = array<i32>} : memref<280xf32, #tpu.memory_space<vmem>>, vector<16xf32>,
    %get3A_31 = arith.constant 224 : index
    %get3A_32 = tpu.vector_load %arg11[%get3A_31] {strides = array<i32>} : memref<280xf32, #tpu.memory_space<vmem>>, vector<16xf32>,
    %get3A_33 = arith.constant 240 : index
    %get3A_34 = tpu.vector_load %arg11[%get3A_33] {strides = array<i32>} : memref<280xf32, #tpu.memory_space<vmem>>, vector<16xf32>,
    %scan3A = arith.constant 0 : i32
    %scan3A_35 = arith.constant 320 : i32
    %scan3A_36 = arith.addi %scan3A, %scan3A_35 : i32
    %scan3A_37 = arith.constant 1 : i32
    scf.for %scan3A_108 = %scan3A to %scan3A_36 step %scan3A_37  : i32 {
      %mul3A_109 = arith.constant 1 : i32
      %mul3A_110 = arith.muli %scan3A_108, %mul3A_109 : i32
      %add3A_111 = arith.constant 0 : i32
      %add3A_112 = arith.addi %add3A_111, %mul3A_110 : i32
      %swap3A = arith.index_cast %add3A_112 : i32 to index
      %swap3A_113 = arith.constant 0 : index
      %swap3A_114 = tpu.vector_load %arg13[%swap3A, %swap3A_113] {strides = array<i32>} : memref<320x256xf32, #tpu.memory_space<vmem>>, vector<16xf32>,
      tpu.vector_store %arg13[%swap3A, %swap3A_113], %broadcast_in_dim3A_2 {strides = array<i32>} : memref<320x256xf32, #tpu.memory_space<vmem>>, vector<16xf32>,
      %swap3A_115 = arith.index_cast %add3A_112 : i32 to index
      %swap3A_116 = arith.constant 16 : index
      %swap3A_117 = tpu.vector_load %arg13[%swap3A_115, %swap3A_116] {strides = array<i32>} : memref<320x256xf32, #tpu.memory_space<vmem>>, vector<16xf32>,
      tpu.vector_store %arg13[%swap3A_115, %swap3A_116], %broadcast_in_dim3A_2 {strides = array<i32>} : memref<320x256xf32, #tpu.memory_space<vmem>>, vector<16xf32>,
      %swap3A_118 = arith.index_cast %add3A_112 : i32 to index
      %swap3A_119 = arith.constant 32 : index
      %swap3A_120 = tpu.vector_load %arg13[%swap3A_118, %swap3A_119] {strides = array<i32>} : memref<320x256xf32, #tpu.memory_space<vmem>>, vector<16xf32>,
      tpu.vector_store %arg13[%swap3A_118, %swap3A_119], %broadcast_in_dim3A_2 {strides = array<i32>} : memref<320x256xf32, #tpu.memory_space<vmem>>, vector<16xf32>,
      %swap3A_121 = arith.index_cast %add3A_112 : i32 to index
      %swap3A_122 = arith.constant 48 : index
      %swap3A_123 = tpu.vector_load %arg13[%swap3A_121, %swap3A_122] {strides = array<i32>} : memref<320x256xf32, #tpu.memory_space<vmem>>, vector<16xf32>,
      tpu.vector_store %arg13[%swap3A_121, %swap3A_122], %broadcast_in_dim3A_2 {strides = array<i32>} : memref<320x256xf32, #tpu.memory_space<vmem>>, vector<16xf32>,
      %swap3A_124 = arith.index_cast %add3A_112 : i32 to index
      %swap3A_125 = arith.constant 64 : index
      %swap3A_126 = tpu.vector_load %arg13[%swap3A_124, %swap3A_125] {strides = array<i32>} : memref<320x256xf32, #tpu.memory_space<vmem>>, vector<16xf32>,
      tpu.vector_store %arg13[%swap3A_124, %swap3A_125], %broadcast_in_dim3A_2 {strides = array<i32>} : memref<320x256xf32, #tpu.memory_space<vmem>>, vector<16xf32>,
      %swap3A_127 = arith.index_cast %add3A_112 : i32 to index
      %swap3A_128 = arith.constant 80 : index
      %swap3A_129 = tpu.vector_load %arg13[%swap3A_127, %swap3A_128] {strides = array<i32>} : memref<320x256xf32, #tpu.memory_space<vmem>>, vector<16xf32>,
      tpu.vector_store %arg13[%swap3A_127, %swap3A_128], %broadcast_in_dim3A_2 {strides = array<i32>} : memref<320x256xf32, #tpu.memory_space<vmem>>, vector<16xf32>,
      %swap3A_130 = arith.index_cast %add3A_112 : i32 to index
      %swap3A_131 = arith.constant 96 : index
      %swap3A_132 = tpu.vector_load %arg13[%swap3A_130, %swap3A_131] {strides = array<i32>} : memref<320x256xf32, #tpu.memory_space<vmem>>, vector<16xf32>,
      tpu.vector_store %arg13[%swap3A_130, %swap3A_131], %broadcast_in_dim3A_2 {strides = array<i32>} : memref<320x256xf32, #tpu.memory_space<vmem>>, vector<16xf32>,
      %swap3A_133 = arith.index_cast %add3A_112 : i32 to index
      %swap3A_134 = arith.constant 112 : index
      %swap3A_135 = tpu.vector_load %arg13[%swap3A_133, %swap3A_134] {strides = array<i32>} : memref<320x256xf32, #tpu.memory_space<vmem>>, vector<16xf32>,
      tpu.vector_store %arg13[%swap3A_133, %swap3A_134], %broadcast_in_dim3A_2 {strides = array<i32>} : memref<320x256xf32, #tpu.memory_space<vmem>>, vector<16xf32>,
      %swap3A_136 = arith.index_cast %add3A_112 : i32 to index
      %swap3A_137 = arith.constant 128 : index
      %swap3A_138 = tpu.vector_load %arg13[%swap3A_136, %swap3A_137] {strides = array<i32>} : memref<320x256xf32, #tpu.memory_space<vmem>>, vector<16xf32>,
      tpu.vector_store %arg13[%swap3A_136, %swap3A_137], %broadcast_in_dim3A_2 {strides = array<i32>} : memref<320x256xf32, #tpu.memory_space<vmem>>, vector<16xf32>,
      %swap3A_139 = arith.index_cast %add3A_112 : i32 to index
      %swap3A_140 = arith.constant 144 : index
      %swap3A_141 = tpu.vector_load %arg13[%swap3A_139, %swap3A_140] {strides = array<i32>} : memref<320x256xf32, #tpu.memory_space<vmem>>, vector<16xf32>,
      tpu.vector_store %arg13[%swap3A_139, %swap3A_140], %broadcast_in_dim3A_2 {strides = array<i32>} : memref<320x256xf32, #tpu.memory_space<vmem>>, vector<16xf32>,
      %swap3A_142 = arith.index_cast %add3A_112 : i32 to index
      %swap3A_143 = arith.constant 160 : index
      %swap3A_144 = tpu.vector_load %arg13[%swap3A_142, %swap3A_143] {strides = array<i32>} : memref<320x256xf32, #tpu.memory_space<vmem>>, vector<16xf32>,
      tpu.vector_store %arg13[%swap3A_142, %swap3A_143], %broadcast_in_dim3A_2 {strides = array<i32>} : memref<320x256xf32, #tpu.memory_space<vmem>>, vector<16xf32>,
      %swap3A_145 = arith.index_cast %add3A_112 : i32 to index
      %swap3A_146 = arith.constant 176 : index
      %swap3A_147 = tpu.vector_load %arg13[%swap3A_145, %swap3A_146] {strides = array<i32>} : memref<320x256xf32, #tpu.memory_space<vmem>>, vector<16xf32>,
      tpu.vector_store %arg13[%swap3A_145, %swap3A_146], %broadcast_in_dim3A_2 {strides = array<i32>} : memref<320x256xf32, #tpu.memory_space<vmem>>, vector<16xf32>,
      %swap3A_148 = arith.index_cast %add3A_112 : i32 to index
      %swap3A_149 = arith.constant 192 : index
      %swap3A_150 = tpu.vector_load %arg13[%swap3A_148, %swap3A_149] {strides = array<i32>} : memref<320x256xf32, #tpu.memory_space<vmem>>, vector<16xf32>,
      tpu.vector_store %arg13[%swap3A_148, %swap3A_149], %broadcast_in_dim3A_2 {strides = array<i32>} : memref<320x256xf32, #tpu.memory_space<vmem>>, vector<16xf32>,
      %swap3A_151 = arith.index_cast %add3A_112 : i32 to index
      %swap3A_152 = arith.constant 208 : index
      %swap3A_153 = tpu.vector_load %arg13[%swap3A_151, %swap3A_152] {strides = array<i32>} : memref<320x256xf32, #tpu.memory_space<vmem>>, vector<16xf32>,
      tpu.vector_store %arg13[%swap3A_151, %swap3A_152], %broadcast_in_dim3A_2 {strides = array<i32>} : memref<320x256xf32, #tpu.memory_space<vmem>>, vector<16xf32>,
      %swap3A_154 = arith.index_cast %add3A_112 : i32 to index
      %swap3A_155 = arith.constant 224 : index
      %swap3A_156 = tpu.vector_load %arg13[%swap3A_154, %swap3A_155] {strides = array<i32>} : memref<320x256xf32, #tpu.memory_space<vmem>>, vector<16xf32>,
      tpu.vector_store %arg13[%swap3A_154, %swap3A_155], %broadcast_in_dim3A_2 {strides = array<i32>} : memref<320x256xf32, #tpu.memory_space<vmem>>, vector<16xf32>,
      %swap3A_157 = arith.index_cast %add3A_112 : i32 to index
      %swap3A_158 = arith.constant 240 : index
      %swap3A_159 = tpu.vector_load %arg13[%swap3A_157, %swap3A_158] {strides = array<i32>} : memref<320x256xf32, #tpu.memory_space<vmem>>, vector<16xf32>,
      tpu.vector_store %arg13[%swap3A_157, %swap3A_158], %broadcast_in_dim3A_2 {strides = array<i32>} : memref<320x256xf32, #tpu.memory_space<vmem>>, vector<16xf32>,
      %swap3A_160 = arith.index_cast %add3A_112 : i32 to index
      %swap3A_161 = arith.constant 0 : index
      %swap3A_162 = tpu.vector_load %arg14[%swap3A_160, %swap3A_161] {strides = array<i32>} : memref<320x16xf32, #tpu.memory_space<vmem>>, vector<16xf32>,
      tpu.vector_store %arg14[%swap3A_160, %swap3A_161], %broadcast_in_dim3A_2 {strides = array<i32>} : memref<320x16xf32, #tpu.memory_space<vmem>>, vector<16xf32>,
    }
    %scan3A_38 = arith.constant 320 : i32
    %get3A_39 = arith.index_cast %add3A : i32 to index
    %get3A_40 = tpu.vector_load %arg12[%get3A_39] {strides = array<i32>} : memref<56xi32, #tpu.memory_space<vmem>>, vector<16xi32>,
    %slice3A_41 = vector.extract_strided_slice %get3A_40 {offsets = [0], sizes = [1], strides = [1]} : vector<16xi32> to vector<1xi32>
    %squeeze3A_42 = vector.extract %slice3A_41[0] : i32 from vector<1xi32>
    %add3A_43 = arith.constant 1 : i32
    %add3A_44 = arith.addi %add3A, %add3A_43 : i32
    %get3A_45 = arith.index_cast %add3A_44 : i32 to index
    %get3A_46 = tpu.vector_load %arg12[%get3A_45] {strides = array<i32>} : memref<56xi32, #tpu.memory_space<vmem>>, vector<16xi32>,
    %slice3A_47 = vector.extract_strided_slice %get3A_46 {offsets = [0], sizes = [1], strides = [1]} : vector<16xi32> to vector<1xi32>
    %squeeze3A_48 = vector.extract %slice3A_47[0] : i32 from vector<1xi32>
    %mul3A_49 = arith.constant 320 : i32
    %mul3A_50 = arith.muli %add3A, %mul3A_49 : i32
    %jit3A = arith.constant 32 : i32
    %div3A = arith.divsi %squeeze3A_42, %jit3A : i32
    %sign3A = arith.constant 0 : i32
    %sign3A_51 = arith.cmpi sgt, %squeeze3A_42, %sign3A : i32
    %sign3A_52 = arith.extui %sign3A_51 : i1 to i32
    %sign3A_53 = arith.constant 0 : i32
    %sign3A_54 = arith.cmpi slt, %squeeze3A_42, %sign3A_53 : i32
    %sign3A_55 = arith.extui %sign3A_54 : i1 to i32
    %sign3A_56 = arith.subi %sign3A_52, %sign3A_55 : i32
    %sign3A_57 = arith.constant 0 : i32
    %sign3A_58 = arith.cmpi sgt, %jit3A, %sign3A_57 : i32
    %sign3A_59 = arith.extui %sign3A_58 : i1 to i32
    %sign3A_60 = arith.constant 0 : i32
    %sign3A_61 = arith.cmpi slt, %jit3A, %sign3A_60 : i32
    %sign3A_62 = arith.extui %sign3A_61 : i1 to i32
    %sign3A_63 = arith.subi %sign3A_59, %sign3A_62 : i32
    %ne3A = arith.cmpi ne, %sign3A_56, %sign3A_63 : i32
    %rem3A = arith.remsi %squeeze3A_42, %jit3A : i32
    %ne3A_64 = arith.constant 0 : i32
    %ne3A_65 = arith.cmpi ne, %rem3A, %ne3A_64 : i32
    %and3A = arith.andi %ne3A, %ne3A_65 : i1
    %sub3A = arith.constant 1 : i32
    %sub3A_66 = arith.subi %div3A, %sub3A : i32
    %select_n3A = arith.select %and3A, %sub3A_66, %div3A : i32
    %add3A_67 = arith.constant 32 : i32
    %add3A_68 = arith.addi %squeeze3A_48, %add3A_67 : i32
    %sub3A_69 = arith.constant 1 : i32
    %sub3A_70 = arith.subi %add3A_68, %sub3A_69 : i32
    %jit3A_71 = arith.constant 32 : i32
    %div3A_72 = arith.divsi %sub3A_70, %jit3A_71 : i32
    %sign3A_73 = arith.constant 0 : i32
    %sign3A_74 = arith.cmpi sgt, %sub3A_70, %sign3A_73 : i32
    %sign3A_75 = arith.extui %sign3A_74 : i1 to i32
    %sign3A_76 = arith.constant 0 : i32
    %sign3A_77 = arith.cmpi slt, %sub3A_70, %sign3A_76 : i32
    %sign3A_78 = arith.extui %sign3A_77 : i1 to i32
    %sign3A_79 = arith.subi %sign3A_75, %sign3A_78 : i32
    %sign3A_80 = arith.constant 0 : i32
    %sign3A_81 = arith.cmpi sgt, %jit3A_71, %sign3A_80 : i32
    %sign3A_82 = arith.extui %sign3A_81 : i1 to i32
    %sign3A_83 = arith.constant 0 : i32
    %sign3A_84 = arith.cmpi slt, %jit3A_71, %sign3A_83 : i32
    %sign3A_85 = arith.extui %sign3A_84 : i1 to i32
    %sign3A_86 = arith.subi %sign3A_82, %sign3A_85 : i32
    %ne3A_87 = arith.cmpi ne, %sign3A_79, %sign3A_86 : i32
    %rem3A_88 = arith.remsi %sub3A_70, %jit3A_71 : i32
    %ne3A_89 = arith.constant 0 : i32
    %ne3A_90 = arith.cmpi ne, %rem3A_88, %ne3A_89 : i32
    %and3A_91 = arith.andi %ne3A_87, %ne3A_90 : i1
    %sub3A_92 = arith.constant 1 : i32
    %sub3A_93 = arith.subi %div3A_72, %sub3A_92 : i32
    %select_n3A_94 = arith.select %and3A_91, %sub3A_93, %div3A_72 : i32
    %while3A = arith.constant 0 : i32
    %while3A_95 = arith.subi %select_n3A_94, %select_n3A : i32
    %while3A_96 = arith.addi %select_n3A, %while3A_95 : i32
    %while3A_97 = arith.constant 1 : i32
    %while3A_98 = arith.divsi %while3A_95, %while3A_97 : i32
    %while3A_99 = arith.muli %while3A_98, %while3A_97 : i32
    %while3A_100 = arith.addi %select_n3A, %while3A_99 : i32
    %while3A_101 = arith.constant 1 : i32
    scf.for %while3A_108 = %select_n3A to %while3A_100 step %while3A_101  : i32 {
      %mul3A_109 = arith.constant 32 : i32
      %mul3A_110 = arith.muli %while3A_108, %mul3A_109 : i32
      "tpu.region"() ({
        %run_scoped3A = tpu.sem_alloc : memref<!tpu.dma_semaphore, #tpu.memory_space<semaphore_mem>>
        %dma_start3A = arith.constant 0 : i32
        %dma_start3A_158 = tpu.memref_slice %arg2[%mul3A_110, %dma_start3A] : memref<160000x256xf32, #tpu.memory_space<hbm>> -> memref<32x256xf32, #tpu.memory_space<hbm>>
        %dma_start3A_159 = arith.constant 0 : i32
        %dma_start3A_160 = tpu.memref_slice %arg2[%mul3A_110, %dma_start3A_159] : memref<160000x256xf32, #tpu.memory_space<hbm>> -> memref<32x256xf32, #tpu.memory_space<hbm>>
        tpu.enqueue_dma source(%dma_start3A_160 : memref<32x256xf32, #tpu.memory_space<hbm>>) target(%arg8 : memref<32x256xf32, #tpu.memory_space<vmem>>) target_semaphore(%run_scoped3A : memref<!tpu.dma_semaphore, #tpu.memory_space<semaphore_mem>>)
        %dma_wait3A = arith.constant 0 : i32
        %dma_wait3A_161 = tpu.memref_slice %arg2[%mul3A_110, %dma_wait3A] : memref<160000x256xf32, #tpu.memory_space<hbm>> -> memref<32x256xf32, #tpu.memory_space<hbm>>
        %dma_wait3A_162 = arith.constant 0 : i32
        %dma_wait3A_163 = tpu.memref_slice %arg2[%mul3A_110, %dma_wait3A_162] : memref<160000x256xf32, #tpu.memory_space<hbm>> -> memref<32x256xf32, #tpu.memory_space<hbm>>
        tpu.wait_dma2 semaphore(%run_scoped3A : memref<!tpu.dma_semaphore, #tpu.memory_space<semaphore_mem>>) src(%dma_wait3A_163 : memref<32x256xf32, #tpu.memory_space<hbm>>) dst(%arg8 : memref<32x256xf32, #tpu.memory_space<vmem>>)
        tpu.yield
      }) : () -> ()
      "tpu.region"() ({
        %run_scoped3A = tpu.sem_alloc : memref<!tpu.dma_semaphore, #tpu.memory_space<semaphore_mem>>
        %dma_start3A = arith.constant 0 : i32
        %dma_start3A_158 = tpu.memref_slice %arg9[%dma_start3A] : memref<48xi32, #tpu.memory_space<vmem>> -> memref<32xi32, #tpu.memory_space<vmem>>
        %dma_start3A_159 = tpu.memref_slice %arg3[%mul3A_110] : memref<160000xi32, #tpu.memory_space<hbm>> -> memref<32xi32, #tpu.memory_space<hbm>>
        %dma_start3A_160 = arith.constant 0 : i32
        %dma_start3A_161 = tpu.memref_slice %arg9[%dma_start3A_160] : memref<48xi32, #tpu.memory_space<vmem>> -> memref<32xi32, #tpu.memory_space<vmem>>
        %dma_start3A_162 = tpu.memref_slice %arg3[%mul3A_110] : memref<160000xi32, #tpu.memory_space<hbm>> -> memref<32xi32, #tpu.memory_space<hbm>>
        tpu.enqueue_dma source(%dma_start3A_162 : memref<32xi32, #tpu.memory_space<hbm>>) target(%dma_start3A_161 : memref<32xi32, #tpu.memory_space<vmem>>) target_semaphore(%run_scoped3A : memref<!tpu.dma_semaphore, #tpu.memory_space<semaphore_mem>>)
        %dma_wait3A = arith.constant 0 : i32
        %dma_wait3A_163 = tpu.memref_slice %arg9[%dma_wait3A] : memref<48xi32, #tpu.memory_space<vmem>> -> memref<32xi32, #tpu.memory_space<vmem>>
        %dma_wait3A_164 = tpu.memref_slice %arg3[%mul3A_110] : memref<160000xi32, #tpu.memory_space<hbm>> -> memref<32xi32, #tpu.memory_space<hbm>>
        %dma_wait3A_165 = arith.constant 0 : i32
        %dma_wait3A_166 = tpu.memref_slice %arg9[%dma_wait3A_165] : memref<48xi32, #tpu.memory_space<vmem>> -> memref<32xi32, #tpu.memory_space<vmem>>
        %dma_wait3A_167 = tpu.memref_slice %arg3[%mul3A_110] : memref<160000xi32, #tpu.memory_space<hbm>> -> memref<32xi32, #tpu.memory_space<hbm>>
        tpu.wait_dma2 semaphore(%run_scoped3A : memref<!tpu.dma_semaphore, #tpu.memory_space<semaphore_mem>>) src(%dma_wait3A_167 : memref<32xi32, #tpu.memory_space<hbm>>) dst(%dma_wait3A_166 : memref<32xi32, #tpu.memory_space<vmem>>)
        tpu.yield
      }) : () -> ()
      %scan3A_111 = arith.constant 0 : i32
      %scan3A_112 = arith.constant 16 : i32
      %scan3A_113 = arith.addi %scan3A_111, %scan3A_112 : i32
      %scan3A_114 = arith.constant 1 : i32
      %scan3A_115 = scf.for %scan3A_158 = %scan3A_111 to %scan3A_113 step %scan3A_114 iter_args(%scan3A_159 = %broadcast_in_dim3A_2) -> (vector<16xf32>)  : i32 {
        %add3A_160 = arith.constant 0 : i32
        %add3A_161 = arith.addi %add3A_160, %scan3A_158 : i32
        %get3A_162 = arith.index_cast %add3A_161 : i32 to index
        %get3A_163 = arith.constant 0 : index
        %get3A_164 = tpu.vector_load %arg8[%get3A_162, %get3A_163] {strides = array<i32>} : memref<32x256xf32, #tpu.memory_space<vmem>>, vector<16xf32>,
        %mul3A_165 = arith.mulf %get3A_164, %get3A_4 : vector<16xf32>
        %add3A_166 = arith.addf %broadcast_in_dim3A_2, %mul3A_165 : vector<16xf32>
        %get3A_167 = arith.index_cast %add3A_161 : i32 to index
        %get3A_168 = arith.constant 16 : index
        %get3A_169 = tpu.vector_load %arg8[%get3A_167, %get3A_168] {strides = array<i32>} : memref<32x256xf32, #tpu.memory_space<vmem>>, vector<16xf32>,
        %mul3A_170 = arith.mulf %get3A_169, %get3A_6 : vector<16xf32>
        %add3A_171 = arith.addf %add3A_166, %mul3A_170 : vector<16xf32>
        %get3A_172 = arith.index_cast %add3A_161 : i32 to index
        %get3A_173 = arith.constant 32 : index
        %get3A_174 = tpu.vector_load %arg8[%get3A_172, %get3A_173] {strides = array<i32>} : memref<32x256xf32, #tpu.memory_space<vmem>>, vector<16xf32>,
        %mul3A_175 = arith.mulf %get3A_174, %get3A_8 : vector<16xf32>
        %add3A_176 = arith.addf %add3A_171, %mul3A_175 : vector<16xf32>
        %get3A_177 = arith.index_cast %add3A_161 : i32 to index
        %get3A_178 = arith.constant 48 : index
        %get3A_179 = tpu.vector_load %arg8[%get3A_177, %get3A_178] {strides = array<i32>} : memref<32x256xf32, #tpu.memory_space<vmem>>, vector<16xf32>,
        %mul3A_180 = arith.mulf %get3A_179, %get3A_10 : vector<16xf32>
        %add3A_181 = arith.addf %add3A_176, %mul3A_180 : vector<16xf32>
        %get3A_182 = arith.index_cast %add3A_161 : i32 to index
        %get3A_183 = arith.constant 64 : index
        %get3A_184 = tpu.vector_load %arg8[%get3A_182, %get3A_183] {strides = array<i32>} : memref<32x256xf32, #tpu.memory_space<vmem>>, vector<16xf32>,
        %mul3A_185 = arith.mulf %get3A_184, %get3A_12 : vector<16xf32>
        %add3A_186 = arith.addf %add3A_181, %mul3A_185 : vector<16xf32>
        %get3A_187 = arith.index_cast %add3A_161 : i32 to index
        %get3A_188 = arith.constant 80 : index
        %get3A_189 = tpu.vector_load %arg8[%get3A_187, %get3A_188] {strides = array<i32>} : memref<32x256xf32, #tpu.memory_space<vmem>>, vector<16xf32>,
        %mul3A_190 = arith.mulf %get3A_189, %get3A_14 : vector<16xf32>
        %add3A_191 = arith.addf %add3A_186, %mul3A_190 : vector<16xf32>
        %get3A_192 = arith.index_cast %add3A_161 : i32 to index
        %get3A_193 = arith.constant 96 : index
        %get3A_194 = tpu.vector_load %arg8[%get3A_192, %get3A_193] {strides = array<i32>} : memref<32x256xf32, #tpu.memory_space<vmem>>, vector<16xf32>,
        %mul3A_195 = arith.mulf %get3A_194, %get3A_16 : vector<16xf32>
        %add3A_196 = arith.addf %add3A_191, %mul3A_195 : vector<16xf32>
        %get3A_197 = arith.index_cast %add3A_161 : i32 to index
        %get3A_198 = arith.constant 112 : index
        %get3A_199 = tpu.vector_load %arg8[%get3A_197, %get3A_198] {strides = array<i32>} : memref<32x256xf32, #tpu.memory_space<vmem>>, vector<16xf32>,
        %mul3A_200 = arith.mulf %get3A_199, %get3A_18 : vector<16xf32>
        %add3A_201 = arith.addf %add3A_196, %mul3A_200 : vector<16xf32>
        %get3A_202 = arith.index_cast %add3A_161 : i32 to index
        %get3A_203 = arith.constant 128 : index
        %get3A_204 = tpu.vector_load %arg8[%get3A_202, %get3A_203] {strides = array<i32>} : memref<32x256xf32, #tpu.memory_space<vmem>>, vector<16xf32>,
        %mul3A_205 = arith.mulf %get3A_204, %get3A_20 : vector<16xf32>
        %add3A_206 = arith.addf %add3A_201, %mul3A_205 : vector<16xf32>
        %get3A_207 = arith.index_cast %add3A_161 : i32 to index
        %get3A_208 = arith.constant 144 : index
        %get3A_209 = tpu.vector_load %arg8[%get3A_207, %get3A_208] {strides = array<i32>} : memref<32x256xf32, #tpu.memory_space<vmem>>, vector<16xf32>,
        %mul3A_210 = arith.mulf %get3A_209, %get3A_22 : vector<16xf32>
        %add3A_211 = arith.addf %add3A_206, %mul3A_210 : vector<16xf32>
        %get3A_212 = arith.index_cast %add3A_161 : i32 to index
        %get3A_213 = arith.constant 160 : index
        %get3A_214 = tpu.vector_load %arg8[%get3A_212, %get3A_213] {strides = array<i32>} : memref<32x256xf32, #tpu.memory_space<vmem>>, vector<16xf32>,
        %mul3A_215 = arith.mulf %get3A_214, %get3A_24 : vector<16xf32>
        %add3A_216 = arith.addf %add3A_211, %mul3A_215 : vector<16xf32>
        %get3A_217 = arith.index_cast %add3A_161 : i32 to index
        %get3A_218 = arith.constant 176 : index
        %get3A_219 = tpu.vector_load %arg8[%get3A_217, %get3A_218] {strides = array<i32>} : memref<32x256xf32, #tpu.memory_space<vmem>>, vector<16xf32>,
        %mul3A_220 = arith.mulf %get3A_219, %get3A_26 : vector<16xf32>
        %add3A_221 = arith.addf %add3A_216, %mul3A_220 : vector<16xf32>
        %get3A_222 = arith.index_cast %add3A_161 : i32 to index
        %get3A_223 = arith.constant 192 : index
        %get3A_224 = tpu.vector_load %arg8[%get3A_222, %get3A_223] {strides = array<i32>} : memref<32x256xf32, #tpu.memory_space<vmem>>, vector<16xf32>,
        %mul3A_225 = arith.mulf %get3A_224, %get3A_28 : vector<16xf32>
        %add3A_226 = arith.addf %add3A_221, %mul3A_225 : vector<16xf32>
        %get3A_227 = arith.index_cast %add3A_161 : i32 to index
        %get3A_228 = arith.constant 208 : index
        %get3A_229 = tpu.vector_load %arg8[%get3A_227, %get3A_228] {strides = array<i32>} : memref<32x256xf32, #tpu.memory_space<vmem>>, vector<16xf32>,
        %mul3A_230 = arith.mulf %get3A_229, %get3A_30 : vector<16xf32>
        %add3A_231 = arith.addf %add3A_226, %mul3A_230 : vector<16xf32>
        %get3A_232 = arith.index_cast %add3A_161 : i32 to index
        %get3A_233 = arith.constant 224 : index
        %get3A_234 = tpu.vector_load %arg8[%get3A_232, %get3A_233] {strides = array<i32>} : memref<32x256xf32, #tpu.memory_space<vmem>>, vector<16xf32>,
        %mul3A_235 = arith.mulf %get3A_234, %get3A_32 : vector<16xf32>
        %add3A_236 = arith.addf %add3A_231, %mul3A_235 : vector<16xf32>
        %get3A_237 = arith.index_cast %add3A_161 : i32 to index
        %get3A_238 = arith.constant 240 : index
        %get3A_239 = tpu.vector_load %arg8[%get3A_237, %get3A_238] {strides = array<i32>} : memref<32x256xf32, #tpu.memory_space<vmem>>, vector<16xf32>,
        %mul3A_240 = arith.mulf %get3A_239, %get3A_34 : vector<16xf32>
        %add3A_241 = arith.addf %add3A_236, %mul3A_240 : vector<16xf32>
        %reduce_sum3A = arith.constant true
        %reduce_sum3A_242 = vector.broadcast %reduce_sum3A : i1 to vector<16xi1>
        %reduce_sum3A_243 = tpu.scan <sum>, %add3A_241 masked %reduce_sum3A_242 : vector<16xf32>, vector<16xi1> -> vector<16xf32>
        %reduce_sum3A_244 = vector.extract %reduce_sum3A_243[15] : f32 from vector<16xf32>
        %add3A_245 = arith.addf %reduce_sum3A_244, %squeeze3A : f32
        %eq3A = vector.broadcast %scan3A_158 : i32 to vector<16xi32>
        %eq3A_246 = arith.cmpi eq, %iota3A, %eq3A : vector<16xi32>
        %broadcast_in_dim3A_247 = vector.broadcast %add3A_245 : f32 to vector<16xf32>
        %select_n3A_248 = arith.select %eq3A_246, %broadcast_in_dim3A_247, %scan3A_159 : vector<16xi1>, vector<16xf32>
        scf.yield %select_n3A_248 : vector<16xf32>
      }
      %scan3A_116 = arith.constant 16 : i32
      %neg3A = arith.constant 0.000000e+00 : f32
      %neg3A_117 = vector.broadcast %neg3A : f32 to vector<16xf32>
      %neg3A_118 = arith.subf %neg3A_117, %scan3A_115 : vector<16xf32>
      %exp3A = math.exp %neg3A_118 : vector<16xf32>
      %add3A_119 = arith.constant 1.000000e+00 : f32
      %add3A_120 = vector.broadcast %add3A_119 : f32 to vector<16xf32>
      %add3A_121 = arith.addf %add3A_120, %exp3A : vector<16xf32>
      %div3A_122 = arith.constant 1.000000e+00 : f32
      %div3A_123 = vector.broadcast %div3A_122 : f32 to vector<16xf32>
      %div3A_124 = arith.divf %div3A_123, %add3A_121 : vector<16xf32>
      %swap3A = arith.constant 0 : index
      %swap3A_125 = tpu.vector_load %arg10[%swap3A] {strides = array<i32>} : memref<48xf32, #tpu.memory_space<vmem>>, vector<16xf32>,
      tpu.vector_store %arg10[%swap3A], %div3A_124 {strides = array<i32>} : memref<48xf32, #tpu.memory_space<vmem>>, vector<16xf32>,
      %scan3A_126 = arith.constant 0 : i32
      %scan3A_127 = arith.constant 16 : i32
      %scan3A_128 = arith.addi %scan3A_126, %scan3A_127 : i32
      %scan3A_129 = arith.constant 1 : i32
      %scan3A_130 = scf.for %scan3A_158 = %scan3A_126 to %scan3A_128 step %scan3A_129 iter_args(%scan3A_159 = %broadcast_in_dim3A_2) -> (vector<16xf32>)  : i32 {
        %add3A_160 = arith.constant 16 : i32
        %add3A_161 = arith.addi %add3A_160, %scan3A_158 : i32
        %get3A_162 = arith.index_cast %add3A_161 : i32 to index
        %get3A_163 = arith.constant 0 : index
        %get3A_164 = tpu.vector_load %arg8[%get3A_162, %get3A_163] {strides = array<i32>} : memref<32x256xf32, #tpu.memory_space<vmem>>, vector<16xf32>,
        %mul3A_165 = arith.mulf %get3A_164, %get3A_4 : vector<16xf32>
        %add3A_166 = arith.addf %broadcast_in_dim3A_2, %mul3A_165 : vector<16xf32>
        %get3A_167 = arith.index_cast %add3A_161 : i32 to index
        %get3A_168 = arith.constant 16 : index
        %get3A_169 = tpu.vector_load %arg8[%get3A_167, %get3A_168] {strides = array<i32>} : memref<32x256xf32, #tpu.memory_space<vmem>>, vector<16xf32>,
        %mul3A_170 = arith.mulf %get3A_169, %get3A_6 : vector<16xf32>
        %add3A_171 = arith.addf %add3A_166, %mul3A_170 : vector<16xf32>
        %get3A_172 = arith.index_cast %add3A_161 : i32 to index
        %get3A_173 = arith.constant 32 : index
        %get3A_174 = tpu.vector_load %arg8[%get3A_172, %get3A_173] {strides = array<i32>} : memref<32x256xf32, #tpu.memory_space<vmem>>, vector<16xf32>,
        %mul3A_175 = arith.mulf %get3A_174, %get3A_8 : vector<16xf32>
        %add3A_176 = arith.addf %add3A_171, %mul3A_175 : vector<16xf32>
        %get3A_177 = arith.index_cast %add3A_161 : i32 to index
        %get3A_178 = arith.constant 48 : index
        %get3A_179 = tpu.vector_load %arg8[%get3A_177, %get3A_178] {strides = array<i32>} : memref<32x256xf32, #tpu.memory_space<vmem>>, vector<16xf32>,
        %mul3A_180 = arith.mulf %get3A_179, %get3A_10 : vector<16xf32>
        %add3A_181 = arith.addf %add3A_176, %mul3A_180 : vector<16xf32>
        %get3A_182 = arith.index_cast %add3A_161 : i32 to index
        %get3A_183 = arith.constant 64 : index
        %get3A_184 = tpu.vector_load %arg8[%get3A_182, %get3A_183] {strides = array<i32>} : memref<32x256xf32, #tpu.memory_space<vmem>>, vector<16xf32>,
        %mul3A_185 = arith.mulf %get3A_184, %get3A_12 : vector<16xf32>
        %add3A_186 = arith.addf %add3A_181, %mul3A_185 : vector<16xf32>
        %get3A_187 = arith.index_cast %add3A_161 : i32 to index
        %get3A_188 = arith.constant 80 : index
        %get3A_189 = tpu.vector_load %arg8[%get3A_187, %get3A_188] {strides = array<i32>} : memref<32x256xf32, #tpu.memory_space<vmem>>, vector<16xf32>,
        %mul3A_190 = arith.mulf %get3A_189, %get3A_14 : vector<16xf32>
        %add3A_191 = arith.addf %add3A_186, %mul3A_190 : vector<16xf32>
        %get3A_192 = arith.index_cast %add3A_161 : i32 to index
        %get3A_193 = arith.constant 96 : index
        %get3A_194 = tpu.vector_load %arg8[%get3A_192, %get3A_193] {strides = array<i32>} : memref<32x256xf32, #tpu.memory_space<vmem>>, vector<16xf32>,
        %mul3A_195 = arith.mulf %get3A_194, %get3A_16 : vector<16xf32>
        %add3A_196 = arith.addf %add3A_191, %mul3A_195 : vector<16xf32>
        %get3A_197 = arith.index_cast %add3A_161 : i32 to index
        %get3A_198 = arith.constant 112 : index
        %get3A_199 = tpu.vector_load %arg8[%get3A_197, %get3A_198] {strides = array<i32>} : memref<32x256xf32, #tpu.memory_space<vmem>>, vector<16xf32>,
        %mul3A_200 = arith.mulf %get3A_199, %get3A_18 : vector<16xf32>
        %add3A_201 = arith.addf %add3A_196, %mul3A_200 : vector<16xf32>
        %get3A_202 = arith.index_cast %add3A_161 : i32 to index
        %get3A_203 = arith.constant 128 : index
        %get3A_204 = tpu.vector_load %arg8[%get3A_202, %get3A_203] {strides = array<i32>} : memref<32x256xf32, #tpu.memory_space<vmem>>, vector<16xf32>,
        %mul3A_205 = arith.mulf %get3A_204, %get3A_20 : vector<16xf32>
        %add3A_206 = arith.addf %add3A_201, %mul3A_205 : vector<16xf32>
        %get3A_207 = arith.index_cast %add3A_161 : i32 to index
        %get3A_208 = arith.constant 144 : index
        %get3A_209 = tpu.vector_load %arg8[%get3A_207, %get3A_208] {strides = array<i32>} : memref<32x256xf32, #tpu.memory_space<vmem>>, vector<16xf32>,
        %mul3A_210 = arith.mulf %get3A_209, %get3A_22 : vector<16xf32>
        %add3A_211 = arith.addf %add3A_206, %mul3A_210 : vector<16xf32>
        %get3A_212 = arith.index_cast %add3A_161 : i32 to index
        %get3A_213 = arith.constant 160 : index
        %get3A_214 = tpu.vector_load %arg8[%get3A_212, %get3A_213] {strides = array<i32>} : memref<32x256xf32, #tpu.memory_space<vmem>>, vector<16xf32>,
        %mul3A_215 = arith.mulf %get3A_214, %get3A_24 : vector<16xf32>
        %add3A_216 = arith.addf %add3A_211, %mul3A_215 : vector<16xf32>
        %get3A_217 = arith.index_cast %add3A_161 : i32 to index
        %get3A_218 = arith.constant 176 : index
        %get3A_219 = tpu.vector_load %arg8[%get3A_217, %get3A_218] {strides = array<i32>} : memref<32x256xf32, #tpu.memory_space<vmem>>, vector<16xf32>,
        %mul3A_220 = arith.mulf %get3A_219, %get3A_26 : vector<16xf32>
        %add3A_221 = arith.addf %add3A_216, %mul3A_220 : vector<16xf32>
        %get3A_222 = arith.index_cast %add3A_161 : i32 to index
        %get3A_223 = arith.constant 192 : index
        %get3A_224 = tpu.vector_load %arg8[%get3A_222, %get3A_223] {strides = array<i32>} : memref<32x256xf32, #tpu.memory_space<vmem>>, vector<16xf32>,
        %mul3A_225 = arith.mulf %get3A_224, %get3A_28 : vector<16xf32>
        %add3A_226 = arith.addf %add3A_221, %mul3A_225 : vector<16xf32>
        %get3A_227 = arith.index_cast %add3A_161 : i32 to index
        %get3A_228 = arith.constant 208 : index
        %get3A_229 = tpu.vector_load %arg8[%get3A_227, %get3A_228] {strides = array<i32>} : memref<32x256xf32, #tpu.memory_space<vmem>>, vector<16xf32>,
        %mul3A_230 = arith.mulf %get3A_229, %get3A_30 : vector<16xf32>
        %add3A_231 = arith.addf %add3A_226, %mul3A_230 : vector<16xf32>
        %get3A_232 = arith.index_cast %add3A_161 : i32 to index
        %get3A_233 = arith.constant 224 : index
        %get3A_234 = tpu.vector_load %arg8[%get3A_232, %get3A_233] {strides = array<i32>} : memref<32x256xf32, #tpu.memory_space<vmem>>, vector<16xf32>,
        %mul3A_235 = arith.mulf %get3A_234, %get3A_32 : vector<16xf32>
        %add3A_236 = arith.addf %add3A_231, %mul3A_235 : vector<16xf32>
        %get3A_237 = arith.index_cast %add3A_161 : i32 to index
        %get3A_238 = arith.constant 240 : index
        %get3A_239 = tpu.vector_load %arg8[%get3A_237, %get3A_238] {strides = array<i32>} : memref<32x256xf32, #tpu.memory_space<vmem>>, vector<16xf32>,
        %mul3A_240 = arith.mulf %get3A_239, %get3A_34 : vector<16xf32>
        %add3A_241 = arith.addf %add3A_236, %mul3A_240 : vector<16xf32>
        %reduce_sum3A = arith.constant true
        %reduce_sum3A_242 = vector.broadcast %reduce_sum3A : i1 to vector<16xi1>
        %reduce_sum3A_243 = tpu.scan <sum>, %add3A_241 masked %reduce_sum3A_242 : vector<16xf32>, vector<16xi1> -> vector<16xf32>
        %reduce_sum3A_244 = vector.extract %reduce_sum3A_243[15] : f32 from vector<16xf32>
        %add3A_245 = arith.addf %reduce_sum3A_244, %squeeze3A : f32
        %eq3A = vector.broadcast %scan3A_158 : i32 to vector<16xi32>
        %eq3A_246 = arith.cmpi eq, %iota3A, %eq3A : vector<16xi32>
        %broadcast_in_dim3A_247 = vector.broadcast %add3A_245 : f32 to vector<16xf32>
        %select_n3A_248 = arith.select %eq3A_246, %broadcast_in_dim3A_247, %scan3A_159 : vector<16xi1>, vector<16xf32>
        scf.yield %select_n3A_248 : vector<16xf32>
      }
      %scan3A_131 = arith.constant 16 : i32
      %neg3A_132 = arith.constant 0.000000e+00 : f32
      %neg3A_133 = vector.broadcast %neg3A_132 : f32 to vector<16xf32>
      %neg3A_134 = arith.subf %neg3A_133, %scan3A_130 : vector<16xf32>
      %exp3A_135 = math.exp %neg3A_134 : vector<16xf32>
      %add3A_136 = arith.constant 1.000000e+00 : f32
      %add3A_137 = vector.broadcast %add3A_136 : f32 to vector<16xf32>
      %add3A_138 = arith.addf %add3A_137, %exp3A_135 : vector<16xf32>
      %div3A_139 = arith.constant 1.000000e+00 : f32
      %div3A_140 = vector.broadcast %div3A_139 : f32 to vector<16xf32>
      %div3A_141 = arith.divf %div3A_140, %add3A_138 : vector<16xf32>
      %swap3A_142 = arith.constant 16 : index
      %swap3A_143 = tpu.vector_load %arg10[%swap3A_142] {strides = array<i32>} : memref<48xf32, #tpu.memory_space<vmem>>, vector<16xf32>,
      tpu.vector_store %arg10[%swap3A_142], %div3A_141 {strides = array<i32>} : memref<48xf32, #tpu.memory_space<vmem>>, vector<16xf32>,
      %ge3A = arith.cmpi sge, %mul3A_110, %squeeze3A_42 : i32
      %convert_element_type3A = arith.extui %ge3A : i1 to i32
      %cond3A = arith.constant 0 : i32
      %cond3A_144 = arith.cmpi ne, %convert_element_type3A, %cond3A : i32
      scf.if %cond3A_144 {
        "tpu.region"() ({
          %run_scoped3A = tpu.sem_alloc : memref<!tpu.dma_semaphore, #tpu.memory_space<semaphore_mem>>
          %dma_start3A = arith.constant 0 : i32
          %dma_start3A_158 = tpu.memref_slice %arg10[%dma_start3A] : memref<48xf32, #tpu.memory_space<vmem>> -> memref<32xf32, #tpu.memory_space<vmem>>
          %dma_start3A_159 = tpu.memref_slice %arg7[%mul3A_110] : memref<160000xf32, #tpu.memory_space<hbm>> -> memref<32xf32, #tpu.memory_space<hbm>>
          %dma_start3A_160 = tpu.memref_slice %arg7[%mul3A_110] : memref<160000xf32, #tpu.memory_space<hbm>> -> memref<32xf32, #tpu.memory_space<hbm>>
          %dma_start3A_161 = arith.constant 0 : i32
          %dma_start3A_162 = tpu.memref_slice %arg10[%dma_start3A_161] : memref<48xf32, #tpu.memory_space<vmem>> -> memref<32xf32, #tpu.memory_space<vmem>>
          tpu.enqueue_dma source(%dma_start3A_162 : memref<32xf32, #tpu.memory_space<vmem>>) target(%dma_start3A_160 : memref<32xf32, #tpu.memory_space<hbm>>) target_semaphore(%run_scoped3A : memref<!tpu.dma_semaphore, #tpu.memory_space<semaphore_mem>>)
          %dma_wait3A = arith.constant 0 : i32
          %dma_wait3A_163 = tpu.memref_slice %arg10[%dma_wait3A] : memref<48xf32, #tpu.memory_space<vmem>> -> memref<32xf32, #tpu.memory_space<vmem>>
          %dma_wait3A_164 = tpu.memref_slice %arg7[%mul3A_110] : memref<160000xf32, #tpu.memory_space<hbm>> -> memref<32xf32, #tpu.memory_space<hbm>>
          %dma_wait3A_165 = tpu.memref_slice %arg7[%mul3A_110] : memref<160000xf32, #tpu.memory_space<hbm>> -> memref<32xf32, #tpu.memory_space<hbm>>
          %dma_wait3A_166 = arith.constant 0 : i32
          %dma_wait3A_167 = tpu.memref_slice %arg10[%dma_wait3A_166] : memref<48xf32, #tpu.memory_space<vmem>> -> memref<32xf32, #tpu.memory_space<vmem>>
          tpu.wait_dma2 semaphore(%run_scoped3A : memref<!tpu.dma_semaphore, #tpu.memory_space<semaphore_mem>>) src(%dma_wait3A_167 : memref<32xf32, #tpu.memory_space<vmem>>) dst(%dma_wait3A_165 : memref<32xf32, #tpu.memory_space<hbm>>)
          tpu.yield
        }) : () -> ()
      } else {
      }
      %sub3A_145 = arith.subi %squeeze3A_42, %mul3A_110 : i32
      %max3A = arith.constant 0 : i32
      %max3A_146 = arith.maxsi %sub3A_145, %max3A : i32
      %sub3A_147 = arith.subi %squeeze3A_48, %mul3A_110 : i32
      %min3A = arith.constant 32 : i32
      %min3A_148 = arith.minsi %sub3A_147, %min3A : i32
      %while3A_149 = arith.constant 0 : i32
      %while3A_150 = arith.subi %min3A_148, %max3A_146 : i32
      %while3A_151 = arith.addi %max3A_146, %while3A_150 : i32
      %while3A_152 = arith.constant 1 : i32
      %while3A_153 = arith.divsi %while3A_150, %while3A_152 : i32
      %while3A_154 = arith.muli %while3A_153, %while3A_152 : i32
      %while3A_155 = arith.addi %max3A_146, %while3A_154 : i32
      %while3A_156 = arith.constant 1 : i32
      scf.for %while3A_158 = %max3A_146 to %while3A_155 step %while3A_156  : i32 {
        %get3A_159 = arith.index_cast %while3A_158 : i32 to index
        %get3A_160 = tpu.vector_load %arg9[%get3A_159] {strides = array<i32>} : memref<48xi32, #tpu.memory_space<vmem>>, vector<16xi32>,
        %slice3A_161 = vector.extract_strided_slice %get3A_160 {offsets = [0], sizes = [1], strides = [1]} : vector<16xi32> to vector<1xi32>
        %squeeze3A_162 = vector.extract %slice3A_161[0] : i32 from vector<1xi32>
        %sub3A_163 = arith.subi %squeeze3A_162, %mul3A_50 : i32
        %get3A_164 = arith.index_cast %while3A_158 : i32 to index
        %get3A_165 = tpu.vector_load %arg10[%get3A_164] {strides = array<i32>} : memref<48xf32, #tpu.memory_space<vmem>>, vector<16xf32>,
        %slice3A_166 = vector.extract_strided_slice %get3A_165 {offsets = [0], sizes = [1], strides = [1]} : vector<16xf32> to vector<1xf32>
        %squeeze3A_167 = vector.extract %slice3A_166[0] : f32 from vector<1xf32>
        %broadcast_in_dim3A_168 = vector.broadcast %squeeze3A_167 : f32 to vector<16xf32>
        %get3A_169 = arith.index_cast %sub3A_163 : i32 to index
        %get3A_170 = arith.constant 0 : index
        %get3A_171 = tpu.vector_load %arg13[%get3A_169, %get3A_170] {strides = array<i32>} : memref<320x256xf32, #tpu.memory_space<vmem>>, vector<16xf32>,
        %get3A_172 = arith.index_cast %while3A_158 : i32 to index
        %get3A_173 = arith.constant 0 : index
        %get3A_174 = tpu.vector_load %arg8[%get3A_172, %get3A_173] {strides = array<i32>} : memref<32x256xf32, #tpu.memory_space<vmem>>, vector<16xf32>,
        %mul3A_175 = arith.mulf %broadcast_in_dim3A_168, %get3A_174 : vector<16xf32>
        %add3A_176 = arith.addf %get3A_171, %mul3A_175 : vector<16xf32>
        %swap3A_177 = arith.index_cast %sub3A_163 : i32 to index
        %swap3A_178 = arith.constant 0 : index
        %swap3A_179 = tpu.vector_load %arg13[%swap3A_177, %swap3A_178] {strides = array<i32>} : memref<320x256xf32, #tpu.memory_space<vmem>>, vector<16xf32>,
        tpu.vector_store %arg13[%swap3A_177, %swap3A_178], %add3A_176 {strides = array<i32>} : memref<320x256xf32, #tpu.memory_space<vmem>>, vector<16xf32>,
        %get3A_180 = arith.index_cast %sub3A_163 : i32 to index
        %get3A_181 = arith.constant 16 : index
        %get3A_182 = tpu.vector_load %arg13[%get3A_180, %get3A_181] {strides = array<i32>} : memref<320x256xf32, #tpu.memory_space<vmem>>, vector<16xf32>,
        %get3A_183 = arith.index_cast %while3A_158 : i32 to index
        %get3A_184 = arith.constant 16 : index
        %get3A_185 = tpu.vector_load %arg8[%get3A_183, %get3A_184] {strides = array<i32>} : memref<32x256xf32, #tpu.memory_space<vmem>>, vector<16xf32>,
        %mul3A_186 = arith.mulf %broadcast_in_dim3A_168, %get3A_185 : vector<16xf32>
        %add3A_187 = arith.addf %get3A_182, %mul3A_186 : vector<16xf32>
        %swap3A_188 = arith.index_cast %sub3A_163 : i32 to index
        %swap3A_189 = arith.constant 16 : index
        %swap3A_190 = tpu.vector_load %arg13[%swap3A_188, %swap3A_189] {strides = array<i32>} : memref<320x256xf32, #tpu.memory_space<vmem>>, vector<16xf32>,
        tpu.vector_store %arg13[%swap3A_188, %swap3A_189], %add3A_187 {strides = array<i32>} : memref<320x256xf32, #tpu.memory_space<vmem>>, vector<16xf32>,
        %get3A_191 = arith.index_cast %sub3A_163 : i32 to index
        %get3A_192 = arith.constant 32 : index
        %get3A_193 = tpu.vector_load %arg13[%get3A_191, %get3A_192] {strides = array<i32>} : memref<320x256xf32, #tpu.memory_space<vmem>>, vector<16xf32>,
        %get3A_194 = arith.index_cast %while3A_158 : i32 to index
        %get3A_195 = arith.constant 32 : index
        %get3A_196 = tpu.vector_load %arg8[%get3A_194, %get3A_195] {strides = array<i32>} : memref<32x256xf32, #tpu.memory_space<vmem>>, vector<16xf32>,
        %mul3A_197 = arith.mulf %broadcast_in_dim3A_168, %get3A_196 : vector<16xf32>
        %add3A_198 = arith.addf %get3A_193, %mul3A_197 : vector<16xf32>
        %swap3A_199 = arith.index_cast %sub3A_163 : i32 to index
        %swap3A_200 = arith.constant 32 : index
        %swap3A_201 = tpu.vector_load %arg13[%swap3A_199, %swap3A_200] {strides = array<i32>} : memref<320x256xf32, #tpu.memory_space<vmem>>, vector<16xf32>,
        tpu.vector_store %arg13[%swap3A_199, %swap3A_200], %add3A_198 {strides = array<i32>} : memref<320x256xf32, #tpu.memory_space<vmem>>, vector<16xf32>,
        %get3A_202 = arith.index_cast %sub3A_163 : i32 to index
        %get3A_203 = arith.constant 48 : index
        %get3A_204 = tpu.vector_load %arg13[%get3A_202, %get3A_203] {strides = array<i32>} : memref<320x256xf32, #tpu.memory_space<vmem>>, vector<16xf32>,
        %get3A_205 = arith.index_cast %while3A_158 : i32 to index
        %get3A_206 = arith.constant 48 : index
        %get3A_207 = tpu.vector_load %arg8[%get3A_205, %get3A_206] {strides = array<i32>} : memref<32x256xf32, #tpu.memory_space<vmem>>, vector<16xf32>,
        %mul3A_208 = arith.mulf %broadcast_in_dim3A_168, %get3A_207 : vector<16xf32>
        %add3A_209 = arith.addf %get3A_204, %mul3A_208 : vector<16xf32>
        %swap3A_210 = arith.index_cast %sub3A_163 : i32 to index
        %swap3A_211 = arith.constant 48 : index
        %swap3A_212 = tpu.vector_load %arg13[%swap3A_210, %swap3A_211] {strides = array<i32>} : memref<320x256xf32, #tpu.memory_space<vmem>>, vector<16xf32>,
        tpu.vector_store %arg13[%swap3A_210, %swap3A_211], %add3A_209 {strides = array<i32>} : memref<320x256xf32, #tpu.memory_space<vmem>>, vector<16xf32>,
        %get3A_213 = arith.index_cast %sub3A_163 : i32 to index
        %get3A_214 = arith.constant 64 : index
        %get3A_215 = tpu.vector_load %arg13[%get3A_213, %get3A_214] {strides = array<i32>} : memref<320x256xf32, #tpu.memory_space<vmem>>, vector<16xf32>,
        %get3A_216 = arith.index_cast %while3A_158 : i32 to index
        %get3A_217 = arith.constant 64 : index
        %get3A_218 = tpu.vector_load %arg8[%get3A_216, %get3A_217] {strides = array<i32>} : memref<32x256xf32, #tpu.memory_space<vmem>>, vector<16xf32>,
        %mul3A_219 = arith.mulf %broadcast_in_dim3A_168, %get3A_218 : vector<16xf32>
        %add3A_220 = arith.addf %get3A_215, %mul3A_219 : vector<16xf32>
        %swap3A_221 = arith.index_cast %sub3A_163 : i32 to index
        %swap3A_222 = arith.constant 64 : index
        %swap3A_223 = tpu.vector_load %arg13[%swap3A_221, %swap3A_222] {strides = array<i32>} : memref<320x256xf32, #tpu.memory_space<vmem>>, vector<16xf32>,
        tpu.vector_store %arg13[%swap3A_221, %swap3A_222], %add3A_220 {strides = array<i32>} : memref<320x256xf32, #tpu.memory_space<vmem>>, vector<16xf32>,
        %get3A_224 = arith.index_cast %sub3A_163 : i32 to index
        %get3A_225 = arith.constant 80 : index
        %get3A_226 = tpu.vector_load %arg13[%get3A_224, %get3A_225] {strides = array<i32>} : memref<320x256xf32, #tpu.memory_space<vmem>>, vector<16xf32>,
        %get3A_227 = arith.index_cast %while3A_158 : i32 to index
        %get3A_228 = arith.constant 80 : index
        %get3A_229 = tpu.vector_load %arg8[%get3A_227, %get3A_228] {strides = array<i32>} : memref<32x256xf32, #tpu.memory_space<vmem>>, vector<16xf32>,
        %mul3A_230 = arith.mulf %broadcast_in_dim3A_168, %get3A_229 : vector<16xf32>
        %add3A_231 = arith.addf %get3A_226, %mul3A_230 : vector<16xf32>
        %swap3A_232 = arith.index_cast %sub3A_163 : i32 to index
        %swap3A_233 = arith.constant 80 : index
        %swap3A_234 = tpu.vector_load %arg13[%swap3A_232, %swap3A_233] {strides = array<i32>} : memref<320x256xf32, #tpu.memory_space<vmem>>, vector<16xf32>,
        tpu.vector_store %arg13[%swap3A_232, %swap3A_233], %add3A_231 {strides = array<i32>} : memref<320x256xf32, #tpu.memory_space<vmem>>, vector<16xf32>,
        %get3A_235 = arith.index_cast %sub3A_163 : i32 to index
        %get3A_236 = arith.constant 96 : index
        %get3A_237 = tpu.vector_load %arg13[%get3A_235, %get3A_236] {strides = array<i32>} : memref<320x256xf32, #tpu.memory_space<vmem>>, vector<16xf32>,
        %get3A_238 = arith.index_cast %while3A_158 : i32 to index
        %get3A_239 = arith.constant 96 : index
        %get3A_240 = tpu.vector_load %arg8[%get3A_238, %get3A_239] {strides = array<i32>} : memref<32x256xf32, #tpu.memory_space<vmem>>, vector<16xf32>,
        %mul3A_241 = arith.mulf %broadcast_in_dim3A_168, %get3A_240 : vector<16xf32>
        %add3A_242 = arith.addf %get3A_237, %mul3A_241 : vector<16xf32>
        %swap3A_243 = arith.index_cast %sub3A_163 : i32 to index
        %swap3A_244 = arith.constant 96 : index
        %swap3A_245 = tpu.vector_load %arg13[%swap3A_243, %swap3A_244] {strides = array<i32>} : memref<320x256xf32, #tpu.memory_space<vmem>>, vector<16xf32>,
        tpu.vector_store %arg13[%swap3A_243, %swap3A_244], %add3A_242 {strides = array<i32>} : memref<320x256xf32, #tpu.memory_space<vmem>>, vector<16xf32>,
        %get3A_246 = arith.index_cast %sub3A_163 : i32 to index
        %get3A_247 = arith.constant 112 : index
        %get3A_248 = tpu.vector_load %arg13[%get3A_246, %get3A_247] {strides = array<i32>} : memref<320x256xf32, #tpu.memory_space<vmem>>, vector<16xf32>,
        %get3A_249 = arith.index_cast %while3A_158 : i32 to index
        %get3A_250 = arith.constant 112 : index
        %get3A_251 = tpu.vector_load %arg8[%get3A_249, %get3A_250] {strides = array<i32>} : memref<32x256xf32, #tpu.memory_space<vmem>>, vector<16xf32>,
        %mul3A_252 = arith.mulf %broadcast_in_dim3A_168, %get3A_251 : vector<16xf32>
        %add3A_253 = arith.addf %get3A_248, %mul3A_252 : vector<16xf32>
        %swap3A_254 = arith.index_cast %sub3A_163 : i32 to index
        %swap3A_255 = arith.constant 112 : index
        %swap3A_256 = tpu.vector_load %arg13[%swap3A_254, %swap3A_255] {strides = array<i32>} : memref<320x256xf32, #tpu.memory_space<vmem>>, vector<16xf32>,
        tpu.vector_store %arg13[%swap3A_254, %swap3A_255], %add3A_253 {strides = array<i32>} : memref<320x256xf32, #tpu.memory_space<vmem>>, vector<16xf32>,
        %get3A_257 = arith.index_cast %sub3A_163 : i32 to index
        %get3A_258 = arith.constant 128 : index
        %get3A_259 = tpu.vector_load %arg13[%get3A_257, %get3A_258] {strides = array<i32>} : memref<320x256xf32, #tpu.memory_space<vmem>>, vector<16xf32>,
        %get3A_260 = arith.index_cast %while3A_158 : i32 to index
        %get3A_261 = arith.constant 128 : index
        %get3A_262 = tpu.vector_load %arg8[%get3A_260, %get3A_261] {strides = array<i32>} : memref<32x256xf32, #tpu.memory_space<vmem>>, vector<16xf32>,
        %mul3A_263 = arith.mulf %broadcast_in_dim3A_168, %get3A_262 : vector<16xf32>
        %add3A_264 = arith.addf %get3A_259, %mul3A_263 : vector<16xf32>
        %swap3A_265 = arith.index_cast %sub3A_163 : i32 to index
        %swap3A_266 = arith.constant 128 : index
        %swap3A_267 = tpu.vector_load %arg13[%swap3A_265, %swap3A_266] {strides = array<i32>} : memref<320x256xf32, #tpu.memory_space<vmem>>, vector<16xf32>,
        tpu.vector_store %arg13[%swap3A_265, %swap3A_266], %add3A_264 {strides = array<i32>} : memref<320x256xf32, #tpu.memory_space<vmem>>, vector<16xf32>,
        %get3A_268 = arith.index_cast %sub3A_163 : i32 to index
        %get3A_269 = arith.constant 144 : index
        %get3A_270 = tpu.vector_load %arg13[%get3A_268, %get3A_269] {strides = array<i32>} : memref<320x256xf32, #tpu.memory_space<vmem>>, vector<16xf32>,
        %get3A_271 = arith.index_cast %while3A_158 : i32 to index
        %get3A_272 = arith.constant 144 : index
        %get3A_273 = tpu.vector_load %arg8[%get3A_271, %get3A_272] {strides = array<i32>} : memref<32x256xf32, #tpu.memory_space<vmem>>, vector<16xf32>,
        %mul3A_274 = arith.mulf %broadcast_in_dim3A_168, %get3A_273 : vector<16xf32>
        %add3A_275 = arith.addf %get3A_270, %mul3A_274 : vector<16xf32>
        %swap3A_276 = arith.index_cast %sub3A_163 : i32 to index
        %swap3A_277 = arith.constant 144 : index
        %swap3A_278 = tpu.vector_load %arg13[%swap3A_276, %swap3A_277] {strides = array<i32>} : memref<320x256xf32, #tpu.memory_space<vmem>>, vector<16xf32>,
        tpu.vector_store %arg13[%swap3A_276, %swap3A_277], %add3A_275 {strides = array<i32>} : memref<320x256xf32, #tpu.memory_space<vmem>>, vector<16xf32>,
        %get3A_279 = arith.index_cast %sub3A_163 : i32 to index
        %get3A_280 = arith.constant 160 : index
        %get3A_281 = tpu.vector_load %arg13[%get3A_279, %get3A_280] {strides = array<i32>} : memref<320x256xf32, #tpu.memory_space<vmem>>, vector<16xf32>,
        %get3A_282 = arith.index_cast %while3A_158 : i32 to index
        %get3A_283 = arith.constant 160 : index
        %get3A_284 = tpu.vector_load %arg8[%get3A_282, %get3A_283] {strides = array<i32>} : memref<32x256xf32, #tpu.memory_space<vmem>>, vector<16xf32>,
        %mul3A_285 = arith.mulf %broadcast_in_dim3A_168, %get3A_284 : vector<16xf32>
        %add3A_286 = arith.addf %get3A_281, %mul3A_285 : vector<16xf32>
        %swap3A_287 = arith.index_cast %sub3A_163 : i32 to index
        %swap3A_288 = arith.constant 160 : index
        %swap3A_289 = tpu.vector_load %arg13[%swap3A_287, %swap3A_288] {strides = array<i32>} : memref<320x256xf32, #tpu.memory_space<vmem>>, vector<16xf32>,
        tpu.vector_store %arg13[%swap3A_287, %swap3A_288], %add3A_286 {strides = array<i32>} : memref<320x256xf32, #tpu.memory_space<vmem>>, vector<16xf32>,
        %get3A_290 = arith.index_cast %sub3A_163 : i32 to index
        %get3A_291 = arith.constant 176 : index
        %get3A_292 = tpu.vector_load %arg13[%get3A_290, %get3A_291] {strides = array<i32>} : memref<320x256xf32, #tpu.memory_space<vmem>>, vector<16xf32>,
        %get3A_293 = arith.index_cast %while3A_158 : i32 to index
        %get3A_294 = arith.constant 176 : index
        %get3A_295 = tpu.vector_load %arg8[%get3A_293, %get3A_294] {strides = array<i32>} : memref<32x256xf32, #tpu.memory_space<vmem>>, vector<16xf32>,
        %mul3A_296 = arith.mulf %broadcast_in_dim3A_168, %get3A_295 : vector<16xf32>
        %add3A_297 = arith.addf %get3A_292, %mul3A_296 : vector<16xf32>
        %swap3A_298 = arith.index_cast %sub3A_163 : i32 to index
        %swap3A_299 = arith.constant 176 : index
        %swap3A_300 = tpu.vector_load %arg13[%swap3A_298, %swap3A_299] {strides = array<i32>} : memref<320x256xf32, #tpu.memory_space<vmem>>, vector<16xf32>,
        tpu.vector_store %arg13[%swap3A_298, %swap3A_299], %add3A_297 {strides = array<i32>} : memref<320x256xf32, #tpu.memory_space<vmem>>, vector<16xf32>,
        %get3A_301 = arith.index_cast %sub3A_163 : i32 to index
        %get3A_302 = arith.constant 192 : index
        %get3A_303 = tpu.vector_load %arg13[%get3A_301, %get3A_302] {strides = array<i32>} : memref<320x256xf32, #tpu.memory_space<vmem>>, vector<16xf32>,
        %get3A_304 = arith.index_cast %while3A_158 : i32 to index
        %get3A_305 = arith.constant 192 : index
        %get3A_306 = tpu.vector_load %arg8[%get3A_304, %get3A_305] {strides = array<i32>} : memref<32x256xf32, #tpu.memory_space<vmem>>, vector<16xf32>,
        %mul3A_307 = arith.mulf %broadcast_in_dim3A_168, %get3A_306 : vector<16xf32>
        %add3A_308 = arith.addf %get3A_303, %mul3A_307 : vector<16xf32>
        %swap3A_309 = arith.index_cast %sub3A_163 : i32 to index
        %swap3A_310 = arith.constant 192 : index
        %swap3A_311 = tpu.vector_load %arg13[%swap3A_309, %swap3A_310] {strides = array<i32>} : memref<320x256xf32, #tpu.memory_space<vmem>>, vector<16xf32>,
        tpu.vector_store %arg13[%swap3A_309, %swap3A_310], %add3A_308 {strides = array<i32>} : memref<320x256xf32, #tpu.memory_space<vmem>>, vector<16xf32>,
        %get3A_312 = arith.index_cast %sub3A_163 : i32 to index
        %get3A_313 = arith.constant 208 : index
        %get3A_314 = tpu.vector_load %arg13[%get3A_312, %get3A_313] {strides = array<i32>} : memref<320x256xf32, #tpu.memory_space<vmem>>, vector<16xf32>,
        %get3A_315 = arith.index_cast %while3A_158 : i32 to index
        %get3A_316 = arith.constant 208 : index
        %get3A_317 = tpu.vector_load %arg8[%get3A_315, %get3A_316] {strides = array<i32>} : memref<32x256xf32, #tpu.memory_space<vmem>>, vector<16xf32>,
        %mul3A_318 = arith.mulf %broadcast_in_dim3A_168, %get3A_317 : vector<16xf32>
        %add3A_319 = arith.addf %get3A_314, %mul3A_318 : vector<16xf32>
        %swap3A_320 = arith.index_cast %sub3A_163 : i32 to index
        %swap3A_321 = arith.constant 208 : index
        %swap3A_322 = tpu.vector_load %arg13[%swap3A_320, %swap3A_321] {strides = array<i32>} : memref<320x256xf32, #tpu.memory_space<vmem>>, vector<16xf32>,
        tpu.vector_store %arg13[%swap3A_320, %swap3A_321], %add3A_319 {strides = array<i32>} : memref<320x256xf32, #tpu.memory_space<vmem>>, vector<16xf32>,
        %get3A_323 = arith.index_cast %sub3A_163 : i32 to index
        %get3A_324 = arith.constant 224 : index
        %get3A_325 = tpu.vector_load %arg13[%get3A_323, %get3A_324] {strides = array<i32>} : memref<320x256xf32, #tpu.memory_space<vmem>>, vector<16xf32>,
        %get3A_326 = arith.index_cast %while3A_158 : i32 to index
        %get3A_327 = arith.constant 224 : index
        %get3A_328 = tpu.vector_load %arg8[%get3A_326, %get3A_327] {strides = array<i32>} : memref<32x256xf32, #tpu.memory_space<vmem>>, vector<16xf32>,
        %mul3A_329 = arith.mulf %broadcast_in_dim3A_168, %get3A_328 : vector<16xf32>
        %add3A_330 = arith.addf %get3A_325, %mul3A_329 : vector<16xf32>
        %swap3A_331 = arith.index_cast %sub3A_163 : i32 to index
        %swap3A_332 = arith.constant 224 : index
        %swap3A_333 = tpu.vector_load %arg13[%swap3A_331, %swap3A_332] {strides = array<i32>} : memref<320x256xf32, #tpu.memory_space<vmem>>, vector<16xf32>,
        tpu.vector_store %arg13[%swap3A_331, %swap3A_332], %add3A_330 {strides = array<i32>} : memref<320x256xf32, #tpu.memory_space<vmem>>, vector<16xf32>,
        %get3A_334 = arith.index_cast %sub3A_163 : i32 to index
        %get3A_335 = arith.constant 240 : index
        %get3A_336 = tpu.vector_load %arg13[%get3A_334, %get3A_335] {strides = array<i32>} : memref<320x256xf32, #tpu.memory_space<vmem>>, vector<16xf32>,
        %get3A_337 = arith.index_cast %while3A_158 : i32 to index
        %get3A_338 = arith.constant 240 : index
        %get3A_339 = tpu.vector_load %arg8[%get3A_337, %get3A_338] {strides = array<i32>} : memref<32x256xf32, #tpu.memory_space<vmem>>, vector<16xf32>,
        %mul3A_340 = arith.mulf %broadcast_in_dim3A_168, %get3A_339 : vector<16xf32>
        %add3A_341 = arith.addf %get3A_336, %mul3A_340 : vector<16xf32>
        %swap3A_342 = arith.index_cast %sub3A_163 : i32 to index
        %swap3A_343 = arith.constant 240 : index
        %swap3A_344 = tpu.vector_load %arg13[%swap3A_342, %swap3A_343] {strides = array<i32>} : memref<320x256xf32, #tpu.memory_space<vmem>>, vector<16xf32>,
        tpu.vector_store %arg13[%swap3A_342, %swap3A_343], %add3A_341 {strides = array<i32>} : memref<320x256xf32, #tpu.memory_space<vmem>>, vector<16xf32>,
        %get3A_345 = arith.index_cast %sub3A_163 : i32 to index
        %get3A_346 = arith.constant 0 : index
        %get3A_347 = tpu.vector_load %arg14[%get3A_345, %get3A_346] {strides = array<i32>} : memref<320x16xf32, #tpu.memory_space<vmem>>, vector<16xf32>,
        %add3A_348 = arith.constant 1.000000e+00 : f32
        %add3A_349 = vector.broadcast %add3A_348 : f32 to vector<16xf32>
        %add3A_350 = arith.addf %get3A_347, %add3A_349 : vector<16xf32>
        %swap3A_351 = arith.index_cast %sub3A_163 : i32 to index
        %swap3A_352 = arith.constant 0 : index
        %swap3A_353 = tpu.vector_load %arg14[%swap3A_351, %swap3A_352] {strides = array<i32>} : memref<320x16xf32, #tpu.memory_space<vmem>>, vector<16xf32>,
        tpu.vector_store %arg14[%swap3A_351, %swap3A_352], %add3A_350 {strides = array<i32>} : memref<320x16xf32, #tpu.memory_space<vmem>>, vector<16xf32>,
      }
      %while3A_157 = arith.constant 1 : i32
      scf.for %while3A_158 = %while3A_155 to %while3A_151 step %while3A_157  : i32 {
        %get3A_159 = arith.index_cast %while3A_158 : i32 to index
        %get3A_160 = tpu.vector_load %arg9[%get3A_159] {strides = array<i32>} : memref<48xi32, #tpu.memory_space<vmem>>, vector<16xi32>,
        %slice3A_161 = vector.extract_strided_slice %get3A_160 {offsets = [0], sizes = [1], strides = [1]} : vector<16xi32> to vector<1xi32>
        %squeeze3A_162 = vector.extract %slice3A_161[0] : i32 from vector<1xi32>
        %sub3A_163 = arith.subi %squeeze3A_162, %mul3A_50 : i32
        %get3A_164 = arith.index_cast %while3A_158 : i32 to index
        %get3A_165 = tpu.vector_load %arg10[%get3A_164] {strides = array<i32>} : memref<48xf32, #tpu.memory_space<vmem>>, vector<16xf32>,
        %slice3A_166 = vector.extract_strided_slice %get3A_165 {offsets = [0], sizes = [1], strides = [1]} : vector<16xf32> to vector<1xf32>
        %squeeze3A_167 = vector.extract %slice3A_166[0] : f32 from vector<1xf32>
        %broadcast_in_dim3A_168 = vector.broadcast %squeeze3A_167 : f32 to vector<16xf32>
        %get3A_169 = arith.index_cast %sub3A_163 : i32 to index
        %get3A_170 = arith.constant 0 : index
        %get3A_171 = tpu.vector_load %arg13[%get3A_169, %get3A_170] {strides = array<i32>} : memref<320x256xf32, #tpu.memory_space<vmem>>, vector<16xf32>,
        %get3A_172 = arith.index_cast %while3A_158 : i32 to index
        %get3A_173 = arith.constant 0 : index
        %get3A_174 = tpu.vector_load %arg8[%get3A_172, %get3A_173] {strides = array<i32>} : memref<32x256xf32, #tpu.memory_space<vmem>>, vector<16xf32>,
        %mul3A_175 = arith.mulf %broadcast_in_dim3A_168, %get3A_174 : vector<16xf32>
        %add3A_176 = arith.addf %get3A_171, %mul3A_175 : vector<16xf32>
        %swap3A_177 = arith.index_cast %sub3A_163 : i32 to index
        %swap3A_178 = arith.constant 0 : index
        %swap3A_179 = tpu.vector_load %arg13[%swap3A_177, %swap3A_178] {strides = array<i32>} : memref<320x256xf32, #tpu.memory_space<vmem>>, vector<16xf32>,
        tpu.vector_store %arg13[%swap3A_177, %swap3A_178], %add3A_176 {strides = array<i32>} : memref<320x256xf32, #tpu.memory_space<vmem>>, vector<16xf32>,
        %get3A_180 = arith.index_cast %sub3A_163 : i32 to index
        %get3A_181 = arith.constant 16 : index
        %get3A_182 = tpu.vector_load %arg13[%get3A_180, %get3A_181] {strides = array<i32>} : memref<320x256xf32, #tpu.memory_space<vmem>>, vector<16xf32>,
        %get3A_183 = arith.index_cast %while3A_158 : i32 to index
        %get3A_184 = arith.constant 16 : index
        %get3A_185 = tpu.vector_load %arg8[%get3A_183, %get3A_184] {strides = array<i32>} : memref<32x256xf32, #tpu.memory_space<vmem>>, vector<16xf32>,
        %mul3A_186 = arith.mulf %broadcast_in_dim3A_168, %get3A_185 : vector<16xf32>
        %add3A_187 = arith.addf %get3A_182, %mul3A_186 : vector<16xf32>
        %swap3A_188 = arith.index_cast %sub3A_163 : i32 to index
        %swap3A_189 = arith.constant 16 : index
        %swap3A_190 = tpu.vector_load %arg13[%swap3A_188, %swap3A_189] {strides = array<i32>} : memref<320x256xf32, #tpu.memory_space<vmem>>, vector<16xf32>,
        tpu.vector_store %arg13[%swap3A_188, %swap3A_189], %add3A_187 {strides = array<i32>} : memref<320x256xf32, #tpu.memory_space<vmem>>, vector<16xf32>,
        %get3A_191 = arith.index_cast %sub3A_163 : i32 to index
        %get3A_192 = arith.constant 32 : index
        %get3A_193 = tpu.vector_load %arg13[%get3A_191, %get3A_192] {strides = array<i32>} : memref<320x256xf32, #tpu.memory_space<vmem>>, vector<16xf32>,
        %get3A_194 = arith.index_cast %while3A_158 : i32 to index
        %get3A_195 = arith.constant 32 : index
        %get3A_196 = tpu.vector_load %arg8[%get3A_194, %get3A_195] {strides = array<i32>} : memref<32x256xf32, #tpu.memory_space<vmem>>, vector<16xf32>,
        %mul3A_197 = arith.mulf %broadcast_in_dim3A_168, %get3A_196 : vector<16xf32>
        %add3A_198 = arith.addf %get3A_193, %mul3A_197 : vector<16xf32>
        %swap3A_199 = arith.index_cast %sub3A_163 : i32 to index
        %swap3A_200 = arith.constant 32 : index
        %swap3A_201 = tpu.vector_load %arg13[%swap3A_199, %swap3A_200] {strides = array<i32>} : memref<320x256xf32, #tpu.memory_space<vmem>>, vector<16xf32>,
        tpu.vector_store %arg13[%swap3A_199, %swap3A_200], %add3A_198 {strides = array<i32>} : memref<320x256xf32, #tpu.memory_space<vmem>>, vector<16xf32>,
        %get3A_202 = arith.index_cast %sub3A_163 : i32 to index
        %get3A_203 = arith.constant 48 : index
        %get3A_204 = tpu.vector_load %arg13[%get3A_202, %get3A_203] {strides = array<i32>} : memref<320x256xf32, #tpu.memory_space<vmem>>, vector<16xf32>,
        %get3A_205 = arith.index_cast %while3A_158 : i32 to index
        %get3A_206 = arith.constant 48 : index
        %get3A_207 = tpu.vector_load %arg8[%get3A_205, %get3A_206] {strides = array<i32>} : memref<32x256xf32, #tpu.memory_space<vmem>>, vector<16xf32>,
        %mul3A_208 = arith.mulf %broadcast_in_dim3A_168, %get3A_207 : vector<16xf32>
        %add3A_209 = arith.addf %get3A_204, %mul3A_208 : vector<16xf32>
        %swap3A_210 = arith.index_cast %sub3A_163 : i32 to index
        %swap3A_211 = arith.constant 48 : index
        %swap3A_212 = tpu.vector_load %arg13[%swap3A_210, %swap3A_211] {strides = array<i32>} : memref<320x256xf32, #tpu.memory_space<vmem>>, vector<16xf32>,
        tpu.vector_store %arg13[%swap3A_210, %swap3A_211], %add3A_209 {strides = array<i32>} : memref<320x256xf32, #tpu.memory_space<vmem>>, vector<16xf32>,
        %get3A_213 = arith.index_cast %sub3A_163 : i32 to index
        %get3A_214 = arith.constant 64 : index
        %get3A_215 = tpu.vector_load %arg13[%get3A_213, %get3A_214] {strides = array<i32>} : memref<320x256xf32, #tpu.memory_space<vmem>>, vector<16xf32>,
        %get3A_216 = arith.index_cast %while3A_158 : i32 to index
        %get3A_217 = arith.constant 64 : index
        %get3A_218 = tpu.vector_load %arg8[%get3A_216, %get3A_217] {strides = array<i32>} : memref<32x256xf32, #tpu.memory_space<vmem>>, vector<16xf32>,
        %mul3A_219 = arith.mulf %broadcast_in_dim3A_168, %get3A_218 : vector<16xf32>
        %add3A_220 = arith.addf %get3A_215, %mul3A_219 : vector<16xf32>
        %swap3A_221 = arith.index_cast %sub3A_163 : i32 to index
        %swap3A_222 = arith.constant 64 : index
        %swap3A_223 = tpu.vector_load %arg13[%swap3A_221, %swap3A_222] {strides = array<i32>} : memref<320x256xf32, #tpu.memory_space<vmem>>, vector<16xf32>,
        tpu.vector_store %arg13[%swap3A_221, %swap3A_222], %add3A_220 {strides = array<i32>} : memref<320x256xf32, #tpu.memory_space<vmem>>, vector<16xf32>,
        %get3A_224 = arith.index_cast %sub3A_163 : i32 to index
        %get3A_225 = arith.constant 80 : index
        %get3A_226 = tpu.vector_load %arg13[%get3A_224, %get3A_225] {strides = array<i32>} : memref<320x256xf32, #tpu.memory_space<vmem>>, vector<16xf32>,
        %get3A_227 = arith.index_cast %while3A_158 : i32 to index
        %get3A_228 = arith.constant 80 : index
        %get3A_229 = tpu.vector_load %arg8[%get3A_227, %get3A_228] {strides = array<i32>} : memref<32x256xf32, #tpu.memory_space<vmem>>, vector<16xf32>,
        %mul3A_230 = arith.mulf %broadcast_in_dim3A_168, %get3A_229 : vector<16xf32>
        %add3A_231 = arith.addf %get3A_226, %mul3A_230 : vector<16xf32>
        %swap3A_232 = arith.index_cast %sub3A_163 : i32 to index
        %swap3A_233 = arith.constant 80 : index
        %swap3A_234 = tpu.vector_load %arg13[%swap3A_232, %swap3A_233] {strides = array<i32>} : memref<320x256xf32, #tpu.memory_space<vmem>>, vector<16xf32>,
        tpu.vector_store %arg13[%swap3A_232, %swap3A_233], %add3A_231 {strides = array<i32>} : memref<320x256xf32, #tpu.memory_space<vmem>>, vector<16xf32>,
        %get3A_235 = arith.index_cast %sub3A_163 : i32 to index
        %get3A_236 = arith.constant 96 : index
        %get3A_237 = tpu.vector_load %arg13[%get3A_235, %get3A_236] {strides = array<i32>} : memref<320x256xf32, #tpu.memory_space<vmem>>, vector<16xf32>,
        %get3A_238 = arith.index_cast %while3A_158 : i32 to index
        %get3A_239 = arith.constant 96 : index
        %get3A_240 = tpu.vector_load %arg8[%get3A_238, %get3A_239] {strides = array<i32>} : memref<32x256xf32, #tpu.memory_space<vmem>>, vector<16xf32>,
        %mul3A_241 = arith.mulf %broadcast_in_dim3A_168, %get3A_240 : vector<16xf32>
        %add3A_242 = arith.addf %get3A_237, %mul3A_241 : vector<16xf32>
        %swap3A_243 = arith.index_cast %sub3A_163 : i32 to index
        %swap3A_244 = arith.constant 96 : index
        %swap3A_245 = tpu.vector_load %arg13[%swap3A_243, %swap3A_244] {strides = array<i32>} : memref<320x256xf32, #tpu.memory_space<vmem>>, vector<16xf32>,
        tpu.vector_store %arg13[%swap3A_243, %swap3A_244], %add3A_242 {strides = array<i32>} : memref<320x256xf32, #tpu.memory_space<vmem>>, vector<16xf32>,
        %get3A_246 = arith.index_cast %sub3A_163 : i32 to index
        %get3A_247 = arith.constant 112 : index
        %get3A_248 = tpu.vector_load %arg13[%get3A_246, %get3A_247] {strides = array<i32>} : memref<320x256xf32, #tpu.memory_space<vmem>>, vector<16xf32>,
        %get3A_249 = arith.index_cast %while3A_158 : i32 to index
        %get3A_250 = arith.constant 112 : index
        %get3A_251 = tpu.vector_load %arg8[%get3A_249, %get3A_250] {strides = array<i32>} : memref<32x256xf32, #tpu.memory_space<vmem>>, vector<16xf32>,
        %mul3A_252 = arith.mulf %broadcast_in_dim3A_168, %get3A_251 : vector<16xf32>
        %add3A_253 = arith.addf %get3A_248, %mul3A_252 : vector<16xf32>
        %swap3A_254 = arith.index_cast %sub3A_163 : i32 to index
        %swap3A_255 = arith.constant 112 : index
        %swap3A_256 = tpu.vector_load %arg13[%swap3A_254, %swap3A_255] {strides = array<i32>} : memref<320x256xf32, #tpu.memory_space<vmem>>, vector<16xf32>,
        tpu.vector_store %arg13[%swap3A_254, %swap3A_255], %add3A_253 {strides = array<i32>} : memref<320x256xf32, #tpu.memory_space<vmem>>, vector<16xf32>,
        %get3A_257 = arith.index_cast %sub3A_163 : i32 to index
        %get3A_258 = arith.constant 128 : index
        %get3A_259 = tpu.vector_load %arg13[%get3A_257, %get3A_258] {strides = array<i32>} : memref<320x256xf32, #tpu.memory_space<vmem>>, vector<16xf32>,
        %get3A_260 = arith.index_cast %while3A_158 : i32 to index
        %get3A_261 = arith.constant 128 : index
        %get3A_262 = tpu.vector_load %arg8[%get3A_260, %get3A_261] {strides = array<i32>} : memref<32x256xf32, #tpu.memory_space<vmem>>, vector<16xf32>,
        %mul3A_263 = arith.mulf %broadcast_in_dim3A_168, %get3A_262 : vector<16xf32>
        %add3A_264 = arith.addf %get3A_259, %mul3A_263 : vector<16xf32>
        %swap3A_265 = arith.index_cast %sub3A_163 : i32 to index
        %swap3A_266 = arith.constant 128 : index
        %swap3A_267 = tpu.vector_load %arg13[%swap3A_265, %swap3A_266] {strides = array<i32>} : memref<320x256xf32, #tpu.memory_space<vmem>>, vector<16xf32>,
        tpu.vector_store %arg13[%swap3A_265, %swap3A_266], %add3A_264 {strides = array<i32>} : memref<320x256xf32, #tpu.memory_space<vmem>>, vector<16xf32>,
        %get3A_268 = arith.index_cast %sub3A_163 : i32 to index
        %get3A_269 = arith.constant 144 : index
        %get3A_270 = tpu.vector_load %arg13[%get3A_268, %get3A_269] {strides = array<i32>} : memref<320x256xf32, #tpu.memory_space<vmem>>, vector<16xf32>,
        %get3A_271 = arith.index_cast %while3A_158 : i32 to index
        %get3A_272 = arith.constant 144 : index
        %get3A_273 = tpu.vector_load %arg8[%get3A_271, %get3A_272] {strides = array<i32>} : memref<32x256xf32, #tpu.memory_space<vmem>>, vector<16xf32>,
        %mul3A_274 = arith.mulf %broadcast_in_dim3A_168, %get3A_273 : vector<16xf32>
        %add3A_275 = arith.addf %get3A_270, %mul3A_274 : vector<16xf32>
        %swap3A_276 = arith.index_cast %sub3A_163 : i32 to index
        %swap3A_277 = arith.constant 144 : index
        %swap3A_278 = tpu.vector_load %arg13[%swap3A_276, %swap3A_277] {strides = array<i32>} : memref<320x256xf32, #tpu.memory_space<vmem>>, vector<16xf32>,
        tpu.vector_store %arg13[%swap3A_276, %swap3A_277], %add3A_275 {strides = array<i32>} : memref<320x256xf32, #tpu.memory_space<vmem>>, vector<16xf32>,
        %get3A_279 = arith.index_cast %sub3A_163 : i32 to index
        %get3A_280 = arith.constant 160 : index
        %get3A_281 = tpu.vector_load %arg13[%get3A_279, %get3A_280] {strides = array<i32>} : memref<320x256xf32, #tpu.memory_space<vmem>>, vector<16xf32>,
        %get3A_282 = arith.index_cast %while3A_158 : i32 to index
        %get3A_283 = arith.constant 160 : index
        %get3A_284 = tpu.vector_load %arg8[%get3A_282, %get3A_283] {strides = array<i32>} : memref<32x256xf32, #tpu.memory_space<vmem>>, vector<16xf32>,
        %mul3A_285 = arith.mulf %broadcast_in_dim3A_168, %get3A_284 : vector<16xf32>
        %add3A_286 = arith.addf %get3A_281, %mul3A_285 : vector<16xf32>
        %swap3A_287 = arith.index_cast %sub3A_163 : i32 to index
        %swap3A_288 = arith.constant 160 : index
        %swap3A_289 = tpu.vector_load %arg13[%swap3A_287, %swap3A_288] {strides = array<i32>} : memref<320x256xf32, #tpu.memory_space<vmem>>, vector<16xf32>,
        tpu.vector_store %arg13[%swap3A_287, %swap3A_288], %add3A_286 {strides = array<i32>} : memref<320x256xf32, #tpu.memory_space<vmem>>, vector<16xf32>,
        %get3A_290 = arith.index_cast %sub3A_163 : i32 to index
        %get3A_291 = arith.constant 176 : index
        %get3A_292 = tpu.vector_load %arg13[%get3A_290, %get3A_291] {strides = array<i32>} : memref<320x256xf32, #tpu.memory_space<vmem>>, vector<16xf32>,
        %get3A_293 = arith.index_cast %while3A_158 : i32 to index
        %get3A_294 = arith.constant 176 : index
        %get3A_295 = tpu.vector_load %arg8[%get3A_293, %get3A_294] {strides = array<i32>} : memref<32x256xf32, #tpu.memory_space<vmem>>, vector<16xf32>,
        %mul3A_296 = arith.mulf %broadcast_in_dim3A_168, %get3A_295 : vector<16xf32>
        %add3A_297 = arith.addf %get3A_292, %mul3A_296 : vector<16xf32>
        %swap3A_298 = arith.index_cast %sub3A_163 : i32 to index
        %swap3A_299 = arith.constant 176 : index
        %swap3A_300 = tpu.vector_load %arg13[%swap3A_298, %swap3A_299] {strides = array<i32>} : memref<320x256xf32, #tpu.memory_space<vmem>>, vector<16xf32>,
        tpu.vector_store %arg13[%swap3A_298, %swap3A_299], %add3A_297 {strides = array<i32>} : memref<320x256xf32, #tpu.memory_space<vmem>>, vector<16xf32>,
        %get3A_301 = arith.index_cast %sub3A_163 : i32 to index
        %get3A_302 = arith.constant 192 : index
        %get3A_303 = tpu.vector_load %arg13[%get3A_301, %get3A_302] {strides = array<i32>} : memref<320x256xf32, #tpu.memory_space<vmem>>, vector<16xf32>,
        %get3A_304 = arith.index_cast %while3A_158 : i32 to index
        %get3A_305 = arith.constant 192 : index
        %get3A_306 = tpu.vector_load %arg8[%get3A_304, %get3A_305] {strides = array<i32>} : memref<32x256xf32, #tpu.memory_space<vmem>>, vector<16xf32>,
        %mul3A_307 = arith.mulf %broadcast_in_dim3A_168, %get3A_306 : vector<16xf32>
        %add3A_308 = arith.addf %get3A_303, %mul3A_307 : vector<16xf32>
        %swap3A_309 = arith.index_cast %sub3A_163 : i32 to index
        %swap3A_310 = arith.constant 192 : index
        %swap3A_311 = tpu.vector_load %arg13[%swap3A_309, %swap3A_310] {strides = array<i32>} : memref<320x256xf32, #tpu.memory_space<vmem>>, vector<16xf32>,
        tpu.vector_store %arg13[%swap3A_309, %swap3A_310], %add3A_308 {strides = array<i32>} : memref<320x256xf32, #tpu.memory_space<vmem>>, vector<16xf32>,
        %get3A_312 = arith.index_cast %sub3A_163 : i32 to index
        %get3A_313 = arith.constant 208 : index
        %get3A_314 = tpu.vector_load %arg13[%get3A_312, %get3A_313] {strides = array<i32>} : memref<320x256xf32, #tpu.memory_space<vmem>>, vector<16xf32>,
        %get3A_315 = arith.index_cast %while3A_158 : i32 to index
        %get3A_316 = arith.constant 208 : index
        %get3A_317 = tpu.vector_load %arg8[%get3A_315, %get3A_316] {strides = array<i32>} : memref<32x256xf32, #tpu.memory_space<vmem>>, vector<16xf32>,
        %mul3A_318 = arith.mulf %broadcast_in_dim3A_168, %get3A_317 : vector<16xf32>
        %add3A_319 = arith.addf %get3A_314, %mul3A_318 : vector<16xf32>
        %swap3A_320 = arith.index_cast %sub3A_163 : i32 to index
        %swap3A_321 = arith.constant 208 : index
        %swap3A_322 = tpu.vector_load %arg13[%swap3A_320, %swap3A_321] {strides = array<i32>} : memref<320x256xf32, #tpu.memory_space<vmem>>, vector<16xf32>,
        tpu.vector_store %arg13[%swap3A_320, %swap3A_321], %add3A_319 {strides = array<i32>} : memref<320x256xf32, #tpu.memory_space<vmem>>, vector<16xf32>,
        %get3A_323 = arith.index_cast %sub3A_163 : i32 to index
        %get3A_324 = arith.constant 224 : index
        %get3A_325 = tpu.vector_load %arg13[%get3A_323, %get3A_324] {strides = array<i32>} : memref<320x256xf32, #tpu.memory_space<vmem>>, vector<16xf32>,
        %get3A_326 = arith.index_cast %while3A_158 : i32 to index
        %get3A_327 = arith.constant 224 : index
        %get3A_328 = tpu.vector_load %arg8[%get3A_326, %get3A_327] {strides = array<i32>} : memref<32x256xf32, #tpu.memory_space<vmem>>, vector<16xf32>,
        %mul3A_329 = arith.mulf %broadcast_in_dim3A_168, %get3A_328 : vector<16xf32>
        %add3A_330 = arith.addf %get3A_325, %mul3A_329 : vector<16xf32>
        %swap3A_331 = arith.index_cast %sub3A_163 : i32 to index
        %swap3A_332 = arith.constant 224 : index
        %swap3A_333 = tpu.vector_load %arg13[%swap3A_331, %swap3A_332] {strides = array<i32>} : memref<320x256xf32, #tpu.memory_space<vmem>>, vector<16xf32>,
        tpu.vector_store %arg13[%swap3A_331, %swap3A_332], %add3A_330 {strides = array<i32>} : memref<320x256xf32, #tpu.memory_space<vmem>>, vector<16xf32>,
        %get3A_334 = arith.index_cast %sub3A_163 : i32 to index
        %get3A_335 = arith.constant 240 : index
        %get3A_336 = tpu.vector_load %arg13[%get3A_334, %get3A_335] {strides = array<i32>} : memref<320x256xf32, #tpu.memory_space<vmem>>, vector<16xf32>,
        %get3A_337 = arith.index_cast %while3A_158 : i32 to index
        %get3A_338 = arith.constant 240 : index
        %get3A_339 = tpu.vector_load %arg8[%get3A_337, %get3A_338] {strides = array<i32>} : memref<32x256xf32, #tpu.memory_space<vmem>>, vector<16xf32>,
        %mul3A_340 = arith.mulf %broadcast_in_dim3A_168, %get3A_339 : vector<16xf32>
        %add3A_341 = arith.addf %get3A_336, %mul3A_340 : vector<16xf32>
        %swap3A_342 = arith.index_cast %sub3A_163 : i32 to index
        %swap3A_343 = arith.constant 240 : index
        %swap3A_344 = tpu.vector_load %arg13[%swap3A_342, %swap3A_343] {strides = array<i32>} : memref<320x256xf32, #tpu.memory_space<vmem>>, vector<16xf32>,
        tpu.vector_store %arg13[%swap3A_342, %swap3A_343], %add3A_341 {strides = array<i32>} : memref<320x256xf32, #tpu.memory_space<vmem>>, vector<16xf32>,
        %get3A_345 = arith.index_cast %sub3A_163 : i32 to index
        %get3A_346 = arith.constant 0 : index
        %get3A_347 = tpu.vector_load %arg14[%get3A_345, %get3A_346] {strides = array<i32>} : memref<320x16xf32, #tpu.memory_space<vmem>>, vector<16xf32>,
        %add3A_348 = arith.constant 1.000000e+00 : f32
        %add3A_349 = vector.broadcast %add3A_348 : f32 to vector<16xf32>
        %add3A_350 = arith.addf %get3A_347, %add3A_349 : vector<16xf32>
        %swap3A_351 = arith.index_cast %sub3A_163 : i32 to index
        %swap3A_352 = arith.constant 0 : index
        %swap3A_353 = tpu.vector_load %arg14[%swap3A_351, %swap3A_352] {strides = array<i32>} : memref<320x16xf32, #tpu.memory_space<vmem>>, vector<16xf32>,
        tpu.vector_store %arg14[%swap3A_351, %swap3A_352], %add3A_350 {strides = array<i32>} : memref<320x16xf32, #tpu.memory_space<vmem>>, vector<16xf32>,
      }
    }
    %while3A_102 = arith.constant 1 : i32
    scf.for %while3A_108 = %while3A_100 to %while3A_96 step %while3A_102  : i32 {
      %mul3A_109 = arith.constant 32 : i32
      %mul3A_110 = arith.muli %while3A_108, %mul3A_109 : i32
      "tpu.region"() ({
        %run_scoped3A = tpu.sem_alloc : memref<!tpu.dma_semaphore, #tpu.memory_space<semaphore_mem>>
        %dma_start3A = arith.constant 0 : i32
        %dma_start3A_158 = tpu.memref_slice %arg2[%mul3A_110, %dma_start3A] : memref<160000x256xf32, #tpu.memory_space<hbm>> -> memref<32x256xf32, #tpu.memory_space<hbm>>
        %dma_start3A_159 = arith.constant 0 : i32
        %dma_start3A_160 = tpu.memref_slice %arg2[%mul3A_110, %dma_start3A_159] : memref<160000x256xf32, #tpu.memory_space<hbm>> -> memref<32x256xf32, #tpu.memory_space<hbm>>
        tpu.enqueue_dma source(%dma_start3A_160 : memref<32x256xf32, #tpu.memory_space<hbm>>) target(%arg8 : memref<32x256xf32, #tpu.memory_space<vmem>>) target_semaphore(%run_scoped3A : memref<!tpu.dma_semaphore, #tpu.memory_space<semaphore_mem>>)
        %dma_wait3A = arith.constant 0 : i32
        %dma_wait3A_161 = tpu.memref_slice %arg2[%mul3A_110, %dma_wait3A] : memref<160000x256xf32, #tpu.memory_space<hbm>> -> memref<32x256xf32, #tpu.memory_space<hbm>>
        %dma_wait3A_162 = arith.constant 0 : i32
        %dma_wait3A_163 = tpu.memref_slice %arg2[%mul3A_110, %dma_wait3A_162] : memref<160000x256xf32, #tpu.memory_space<hbm>> -> memref<32x256xf32, #tpu.memory_space<hbm>>
        tpu.wait_dma2 semaphore(%run_scoped3A : memref<!tpu.dma_semaphore, #tpu.memory_space<semaphore_mem>>) src(%dma_wait3A_163 : memref<32x256xf32, #tpu.memory_space<hbm>>) dst(%arg8 : memref<32x256xf32, #tpu.memory_space<vmem>>)
        tpu.yield
      }) : () -> ()
      "tpu.region"() ({
        %run_scoped3A = tpu.sem_alloc : memref<!tpu.dma_semaphore, #tpu.memory_space<semaphore_mem>>
        %dma_start3A = arith.constant 0 : i32
        %dma_start3A_158 = tpu.memref_slice %arg9[%dma_start3A] : memref<48xi32, #tpu.memory_space<vmem>> -> memref<32xi32, #tpu.memory_space<vmem>>
        %dma_start3A_159 = tpu.memref_slice %arg3[%mul3A_110] : memref<160000xi32, #tpu.memory_space<hbm>> -> memref<32xi32, #tpu.memory_space<hbm>>
        %dma_start3A_160 = arith.constant 0 : i32
        %dma_start3A_161 = tpu.memref_slice %arg9[%dma_start3A_160] : memref<48xi32, #tpu.memory_space<vmem>> -> memref<32xi32, #tpu.memory_space<vmem>>
        %dma_start3A_162 = tpu.memref_slice %arg3[%mul3A_110] : memref<160000xi32, #tpu.memory_space<hbm>> -> memref<32xi32, #tpu.memory_space<hbm>>
        tpu.enqueue_dma source(%dma_start3A_162 : memref<32xi32, #tpu.memory_space<hbm>>) target(%dma_start3A_161 : memref<32xi32, #tpu.memory_space<vmem>>) target_semaphore(%run_scoped3A : memref<!tpu.dma_semaphore, #tpu.memory_space<semaphore_mem>>)
        %dma_wait3A = arith.constant 0 : i32
        %dma_wait3A_163 = tpu.memref_slice %arg9[%dma_wait3A] : memref<48xi32, #tpu.memory_space<vmem>> -> memref<32xi32, #tpu.memory_space<vmem>>
        %dma_wait3A_164 = tpu.memref_slice %arg3[%mul3A_110] : memref<160000xi32, #tpu.memory_space<hbm>> -> memref<32xi32, #tpu.memory_space<hbm>>
        %dma_wait3A_165 = arith.constant 0 : i32
        %dma_wait3A_166 = tpu.memref_slice %arg9[%dma_wait3A_165] : memref<48xi32, #tpu.memory_space<vmem>> -> memref<32xi32, #tpu.memory_space<vmem>>
        %dma_wait3A_167 = tpu.memref_slice %arg3[%mul3A_110] : memref<160000xi32, #tpu.memory_space<hbm>> -> memref<32xi32, #tpu.memory_space<hbm>>
        tpu.wait_dma2 semaphore(%run_scoped3A : memref<!tpu.dma_semaphore, #tpu.memory_space<semaphore_mem>>) src(%dma_wait3A_167 : memref<32xi32, #tpu.memory_space<hbm>>) dst(%dma_wait3A_166 : memref<32xi32, #tpu.memory_space<vmem>>)
        tpu.yield
      }) : () -> ()
      %scan3A_111 = arith.constant 0 : i32
      %scan3A_112 = arith.constant 16 : i32
      %scan3A_113 = arith.addi %scan3A_111, %scan3A_112 : i32
      %scan3A_114 = arith.constant 1 : i32
      %scan3A_115 = scf.for %scan3A_158 = %scan3A_111 to %scan3A_113 step %scan3A_114 iter_args(%scan3A_159 = %broadcast_in_dim3A_2) -> (vector<16xf32>)  : i32 {
        %add3A_160 = arith.constant 0 : i32
        %add3A_161 = arith.addi %add3A_160, %scan3A_158 : i32
        %get3A_162 = arith.index_cast %add3A_161 : i32 to index
        %get3A_163 = arith.constant 0 : index
        %get3A_164 = tpu.vector_load %arg8[%get3A_162, %get3A_163] {strides = array<i32>} : memref<32x256xf32, #tpu.memory_space<vmem>>, vector<16xf32>,
        %mul3A_165 = arith.mulf %get3A_164, %get3A_4 : vector<16xf32>
        %add3A_166 = arith.addf %broadcast_in_dim3A_2, %mul3A_165 : vector<16xf32>
        %get3A_167 = arith.index_cast %add3A_161 : i32 to index
        %get3A_168 = arith.constant 16 : index
        %get3A_169 = tpu.vector_load %arg8[%get3A_167, %get3A_168] {strides = array<i32>} : memref<32x256xf32, #tpu.memory_space<vmem>>, vector<16xf32>,
        %mul3A_170 = arith.mulf %get3A_169, %get3A_6 : vector<16xf32>
        %add3A_171 = arith.addf %add3A_166, %mul3A_170 : vector<16xf32>
        %get3A_172 = arith.index_cast %add3A_161 : i32 to index
        %get3A_173 = arith.constant 32 : index
        %get3A_174 = tpu.vector_load %arg8[%get3A_172, %get3A_173] {strides = array<i32>} : memref<32x256xf32, #tpu.memory_space<vmem>>, vector<16xf32>,
        %mul3A_175 = arith.mulf %get3A_174, %get3A_8 : vector<16xf32>
        %add3A_176 = arith.addf %add3A_171, %mul3A_175 : vector<16xf32>
        %get3A_177 = arith.index_cast %add3A_161 : i32 to index
        %get3A_178 = arith.constant 48 : index
        %get3A_179 = tpu.vector_load %arg8[%get3A_177, %get3A_178] {strides = array<i32>} : memref<32x256xf32, #tpu.memory_space<vmem>>, vector<16xf32>,
        %mul3A_180 = arith.mulf %get3A_179, %get3A_10 : vector<16xf32>
        %add3A_181 = arith.addf %add3A_176, %mul3A_180 : vector<16xf32>
        %get3A_182 = arith.index_cast %add3A_161 : i32 to index
        %get3A_183 = arith.constant 64 : index
        %get3A_184 = tpu.vector_load %arg8[%get3A_182, %get3A_183] {strides = array<i32>} : memref<32x256xf32, #tpu.memory_space<vmem>>, vector<16xf32>,
        %mul3A_185 = arith.mulf %get3A_184, %get3A_12 : vector<16xf32>
        %add3A_186 = arith.addf %add3A_181, %mul3A_185 : vector<16xf32>
        %get3A_187 = arith.index_cast %add3A_161 : i32 to index
        %get3A_188 = arith.constant 80 : index
        %get3A_189 = tpu.vector_load %arg8[%get3A_187, %get3A_188] {strides = array<i32>} : memref<32x256xf32, #tpu.memory_space<vmem>>, vector<16xf32>,
        %mul3A_190 = arith.mulf %get3A_189, %get3A_14 : vector<16xf32>
        %add3A_191 = arith.addf %add3A_186, %mul3A_190 : vector<16xf32>
        %get3A_192 = arith.index_cast %add3A_161 : i32 to index
        %get3A_193 = arith.constant 96 : index
        %get3A_194 = tpu.vector_load %arg8[%get3A_192, %get3A_193] {strides = array<i32>} : memref<32x256xf32, #tpu.memory_space<vmem>>, vector<16xf32>,
        %mul3A_195 = arith.mulf %get3A_194, %get3A_16 : vector<16xf32>
        %add3A_196 = arith.addf %add3A_191, %mul3A_195 : vector<16xf32>
        %get3A_197 = arith.index_cast %add3A_161 : i32 to index
        %get3A_198 = arith.constant 112 : index
        %get3A_199 = tpu.vector_load %arg8[%get3A_197, %get3A_198] {strides = array<i32>} : memref<32x256xf32, #tpu.memory_space<vmem>>, vector<16xf32>,
        %mul3A_200 = arith.mulf %get3A_199, %get3A_18 : vector<16xf32>
        %add3A_201 = arith.addf %add3A_196, %mul3A_200 : vector<16xf32>
        %get3A_202 = arith.index_cast %add3A_161 : i32 to index
        %get3A_203 = arith.constant 128 : index
        %get3A_204 = tpu.vector_load %arg8[%get3A_202, %get3A_203] {strides = array<i32>} : memref<32x256xf32, #tpu.memory_space<vmem>>, vector<16xf32>,
        %mul3A_205 = arith.mulf %get3A_204, %get3A_20 : vector<16xf32>
        %add3A_206 = arith.addf %add3A_201, %mul3A_205 : vector<16xf32>
        %get3A_207 = arith.index_cast %add3A_161 : i32 to index
        %get3A_208 = arith.constant 144 : index
        %get3A_209 = tpu.vector_load %arg8[%get3A_207, %get3A_208] {strides = array<i32>} : memref<32x256xf32, #tpu.memory_space<vmem>>, vector<16xf32>,
        %mul3A_210 = arith.mulf %get3A_209, %get3A_22 : vector<16xf32>
        %add3A_211 = arith.addf %add3A_206, %mul3A_210 : vector<16xf32>
        %get3A_212 = arith.index_cast %add3A_161 : i32 to index
        %get3A_213 = arith.constant 160 : index
        %get3A_214 = tpu.vector_load %arg8[%get3A_212, %get3A_213] {strides = array<i32>} : memref<32x256xf32, #tpu.memory_space<vmem>>, vector<16xf32>,
        %mul3A_215 = arith.mulf %get3A_214, %get3A_24 : vector<16xf32>
        %add3A_216 = arith.addf %add3A_211, %mul3A_215 : vector<16xf32>
        %get3A_217 = arith.index_cast %add3A_161 : i32 to index
        %get3A_218 = arith.constant 176 : index
        %get3A_219 = tpu.vector_load %arg8[%get3A_217, %get3A_218] {strides = array<i32>} : memref<32x256xf32, #tpu.memory_space<vmem>>, vector<16xf32>,
        %mul3A_220 = arith.mulf %get3A_219, %get3A_26 : vector<16xf32>
        %add3A_221 = arith.addf %add3A_216, %mul3A_220 : vector<16xf32>
        %get3A_222 = arith.index_cast %add3A_161 : i32 to index
        %get3A_223 = arith.constant 192 : index
        %get3A_224 = tpu.vector_load %arg8[%get3A_222, %get3A_223] {strides = array<i32>} : memref<32x256xf32, #tpu.memory_space<vmem>>, vector<16xf32>,
        %mul3A_225 = arith.mulf %get3A_224, %get3A_28 : vector<16xf32>
        %add3A_226 = arith.addf %add3A_221, %mul3A_225 : vector<16xf32>
        %get3A_227 = arith.index_cast %add3A_161 : i32 to index
        %get3A_228 = arith.constant 208 : index
        %get3A_229 = tpu.vector_load %arg8[%get3A_227, %get3A_228] {strides = array<i32>} : memref<32x256xf32, #tpu.memory_space<vmem>>, vector<16xf32>,
        %mul3A_230 = arith.mulf %get3A_229, %get3A_30 : vector<16xf32>
        %add3A_231 = arith.addf %add3A_226, %mul3A_230 : vector<16xf32>
        %get3A_232 = arith.index_cast %add3A_161 : i32 to index
        %get3A_233 = arith.constant 224 : index
        %get3A_234 = tpu.vector_load %arg8[%get3A_232, %get3A_233] {strides = array<i32>} : memref<32x256xf32, #tpu.memory_space<vmem>>, vector<16xf32>,
        %mul3A_235 = arith.mulf %get3A_234, %get3A_32 : vector<16xf32>
        %add3A_236 = arith.addf %add3A_231, %mul3A_235 : vector<16xf32>
        %get3A_237 = arith.index_cast %add3A_161 : i32 to index
        %get3A_238 = arith.constant 240 : index
        %get3A_239 = tpu.vector_load %arg8[%get3A_237, %get3A_238] {strides = array<i32>} : memref<32x256xf32, #tpu.memory_space<vmem>>, vector<16xf32>,
        %mul3A_240 = arith.mulf %get3A_239, %get3A_34 : vector<16xf32>
        %add3A_241 = arith.addf %add3A_236, %mul3A_240 : vector<16xf32>
        %reduce_sum3A = arith.constant true
        %reduce_sum3A_242 = vector.broadcast %reduce_sum3A : i1 to vector<16xi1>
        %reduce_sum3A_243 = tpu.scan <sum>, %add3A_241 masked %reduce_sum3A_242 : vector<16xf32>, vector<16xi1> -> vector<16xf32>
        %reduce_sum3A_244 = vector.extract %reduce_sum3A_243[15] : f32 from vector<16xf32>
        %add3A_245 = arith.addf %reduce_sum3A_244, %squeeze3A : f32
        %eq3A = vector.broadcast %scan3A_158 : i32 to vector<16xi32>
        %eq3A_246 = arith.cmpi eq, %iota3A, %eq3A : vector<16xi32>
        %broadcast_in_dim3A_247 = vector.broadcast %add3A_245 : f32 to vector<16xf32>
        %select_n3A_248 = arith.select %eq3A_246, %broadcast_in_dim3A_247, %scan3A_159 : vector<16xi1>, vector<16xf32>
        scf.yield %select_n3A_248 : vector<16xf32>
      }
      %scan3A_116 = arith.constant 16 : i32
      %neg3A = arith.constant 0.000000e+00 : f32
      %neg3A_117 = vector.broadcast %neg3A : f32 to vector<16xf32>
      %neg3A_118 = arith.subf %neg3A_117, %scan3A_115 : vector<16xf32>
      %exp3A = math.exp %neg3A_118 : vector<16xf32>
      %add3A_119 = arith.constant 1.000000e+00 : f32
      %add3A_120 = vector.broadcast %add3A_119 : f32 to vector<16xf32>
      %add3A_121 = arith.addf %add3A_120, %exp3A : vector<16xf32>
      %div3A_122 = arith.constant 1.000000e+00 : f32
      %div3A_123 = vector.broadcast %div3A_122 : f32 to vector<16xf32>
      %div3A_124 = arith.divf %div3A_123, %add3A_121 : vector<16xf32>
      %swap3A = arith.constant 0 : index
      %swap3A_125 = tpu.vector_load %arg10[%swap3A] {strides = array<i32>} : memref<48xf32, #tpu.memory_space<vmem>>, vector<16xf32>,
      tpu.vector_store %arg10[%swap3A], %div3A_124 {strides = array<i32>} : memref<48xf32, #tpu.memory_space<vmem>>, vector<16xf32>,
      %scan3A_126 = arith.constant 0 : i32
      %scan3A_127 = arith.constant 16 : i32
      %scan3A_128 = arith.addi %scan3A_126, %scan3A_127 : i32
      %scan3A_129 = arith.constant 1 : i32
      %scan3A_130 = scf.for %scan3A_158 = %scan3A_126 to %scan3A_128 step %scan3A_129 iter_args(%scan3A_159 = %broadcast_in_dim3A_2) -> (vector<16xf32>)  : i32 {
        %add3A_160 = arith.constant 16 : i32
        %add3A_161 = arith.addi %add3A_160, %scan3A_158 : i32
        %get3A_162 = arith.index_cast %add3A_161 : i32 to index
        %get3A_163 = arith.constant 0 : index
        %get3A_164 = tpu.vector_load %arg8[%get3A_162, %get3A_163] {strides = array<i32>} : memref<32x256xf32, #tpu.memory_space<vmem>>, vector<16xf32>,
        %mul3A_165 = arith.mulf %get3A_164, %get3A_4 : vector<16xf32>
        %add3A_166 = arith.addf %broadcast_in_dim3A_2, %mul3A_165 : vector<16xf32>
        %get3A_167 = arith.index_cast %add3A_161 : i32 to index
        %get3A_168 = arith.constant 16 : index
        %get3A_169 = tpu.vector_load %arg8[%get3A_167, %get3A_168] {strides = array<i32>} : memref<32x256xf32, #tpu.memory_space<vmem>>, vector<16xf32>,
        %mul3A_170 = arith.mulf %get3A_169, %get3A_6 : vector<16xf32>
        %add3A_171 = arith.addf %add3A_166, %mul3A_170 : vector<16xf32>
        %get3A_172 = arith.index_cast %add3A_161 : i32 to index
        %get3A_173 = arith.constant 32 : index
        %get3A_174 = tpu.vector_load %arg8[%get3A_172, %get3A_173] {strides = array<i32>} : memref<32x256xf32, #tpu.memory_space<vmem>>, vector<16xf32>,
        %mul3A_175 = arith.mulf %get3A_174, %get3A_8 : vector<16xf32>
        %add3A_176 = arith.addf %add3A_171, %mul3A_175 : vector<16xf32>
        %get3A_177 = arith.index_cast %add3A_161 : i32 to index
        %get3A_178 = arith.constant 48 : index
        %get3A_179 = tpu.vector_load %arg8[%get3A_177, %get3A_178] {strides = array<i32>} : memref<32x256xf32, #tpu.memory_space<vmem>>, vector<16xf32>,
        %mul3A_180 = arith.mulf %get3A_179, %get3A_10 : vector<16xf32>
        %add3A_181 = arith.addf %add3A_176, %mul3A_180 : vector<16xf32>
        %get3A_182 = arith.index_cast %add3A_161 : i32 to index
        %get3A_183 = arith.constant 64 : index
        %get3A_184 = tpu.vector_load %arg8[%get3A_182, %get3A_183] {strides = array<i32>} : memref<32x256xf32, #tpu.memory_space<vmem>>, vector<16xf32>,
        %mul3A_185 = arith.mulf %get3A_184, %get3A_12 : vector<16xf32>
        %add3A_186 = arith.addf %add3A_181, %mul3A_185 : vector<16xf32>
        %get3A_187 = arith.index_cast %add3A_161 : i32 to index
        %get3A_188 = arith.constant 80 : index
        %get3A_189 = tpu.vector_load %arg8[%get3A_187, %get3A_188] {strides = array<i32>} : memref<32x256xf32, #tpu.memory_space<vmem>>, vector<16xf32>,
        %mul3A_190 = arith.mulf %get3A_189, %get3A_14 : vector<16xf32>
        %add3A_191 = arith.addf %add3A_186, %mul3A_190 : vector<16xf32>
        %get3A_192 = arith.index_cast %add3A_161 : i32 to index
        %get3A_193 = arith.constant 96 : index
        %get3A_194 = tpu.vector_load %arg8[%get3A_192, %get3A_193] {strides = array<i32>} : memref<32x256xf32, #tpu.memory_space<vmem>>, vector<16xf32>,
        %mul3A_195 = arith.mulf %get3A_194, %get3A_16 : vector<16xf32>
        %add3A_196 = arith.addf %add3A_191, %mul3A_195 : vector<16xf32>
        %get3A_197 = arith.index_cast %add3A_161 : i32 to index
        %get3A_198 = arith.constant 112 : index
        %get3A_199 = tpu.vector_load %arg8[%get3A_197, %get3A_198] {strides = array<i32>} : memref<32x256xf32, #tpu.memory_space<vmem>>, vector<16xf32>,
        %mul3A_200 = arith.mulf %get3A_199, %get3A_18 : vector<16xf32>
        %add3A_201 = arith.addf %add3A_196, %mul3A_200 : vector<16xf32>
        %get3A_202 = arith.index_cast %add3A_161 : i32 to index
        %get3A_203 = arith.constant 128 : index
        %get3A_204 = tpu.vector_load %arg8[%get3A_202, %get3A_203] {strides = array<i32>} : memref<32x256xf32, #tpu.memory_space<vmem>>, vector<16xf32>,
        %mul3A_205 = arith.mulf %get3A_204, %get3A_20 : vector<16xf32>
        %add3A_206 = arith.addf %add3A_201, %mul3A_205 : vector<16xf32>
        %get3A_207 = arith.index_cast %add3A_161 : i32 to index
        %get3A_208 = arith.constant 144 : index
        %get3A_209 = tpu.vector_load %arg8[%get3A_207, %get3A_208] {strides = array<i32>} : memref<32x256xf32, #tpu.memory_space<vmem>>, vector<16xf32>,
        %mul3A_210 = arith.mulf %get3A_209, %get3A_22 : vector<16xf32>
        %add3A_211 = arith.addf %add3A_206, %mul3A_210 : vector<16xf32>
        %get3A_212 = arith.index_cast %add3A_161 : i32 to index
        %get3A_213 = arith.constant 160 : index
        %get3A_214 = tpu.vector_load %arg8[%get3A_212, %get3A_213] {strides = array<i32>} : memref<32x256xf32, #tpu.memory_space<vmem>>, vector<16xf32>,
        %mul3A_215 = arith.mulf %get3A_214, %get3A_24 : vector<16xf32>
        %add3A_216 = arith.addf %add3A_211, %mul3A_215 : vector<16xf32>
        %get3A_217 = arith.index_cast %add3A_161 : i32 to index
        %get3A_218 = arith.constant 176 : index
        %get3A_219 = tpu.vector_load %arg8[%get3A_217, %get3A_218] {strides = array<i32>} : memref<32x256xf32, #tpu.memory_space<vmem>>, vector<16xf32>,
        %mul3A_220 = arith.mulf %get3A_219, %get3A_26 : vector<16xf32>
        %add3A_221 = arith.addf %add3A_216, %mul3A_220 : vector<16xf32>
        %get3A_222 = arith.index_cast %add3A_161 : i32 to index
        %get3A_223 = arith.constant 192 : index
        %get3A_224 = tpu.vector_load %arg8[%get3A_222, %get3A_223] {strides = array<i32>} : memref<32x256xf32, #tpu.memory_space<vmem>>, vector<16xf32>,
        %mul3A_225 = arith.mulf %get3A_224, %get3A_28 : vector<16xf32>
        %add3A_226 = arith.addf %add3A_221, %mul3A_225 : vector<16xf32>
        %get3A_227 = arith.index_cast %add3A_161 : i32 to index
        %get3A_228 = arith.constant 208 : index
        %get3A_229 = tpu.vector_load %arg8[%get3A_227, %get3A_228] {strides = array<i32>} : memref<32x256xf32, #tpu.memory_space<vmem>>, vector<16xf32>,
        %mul3A_230 = arith.mulf %get3A_229, %get3A_30 : vector<16xf32>
        %add3A_231 = arith.addf %add3A_226, %mul3A_230 : vector<16xf32>
        %get3A_232 = arith.index_cast %add3A_161 : i32 to index
        %get3A_233 = arith.constant 224 : index
        %get3A_234 = tpu.vector_load %arg8[%get3A_232, %get3A_233] {strides = array<i32>} : memref<32x256xf32, #tpu.memory_space<vmem>>, vector<16xf32>,
        %mul3A_235 = arith.mulf %get3A_234, %get3A_32 : vector<16xf32>
        %add3A_236 = arith.addf %add3A_231, %mul3A_235 : vector<16xf32>
        %get3A_237 = arith.index_cast %add3A_161 : i32 to index
        %get3A_238 = arith.constant 240 : index
        %get3A_239 = tpu.vector_load %arg8[%get3A_237, %get3A_238] {strides = array<i32>} : memref<32x256xf32, #tpu.memory_space<vmem>>, vector<16xf32>,
        %mul3A_240 = arith.mulf %get3A_239, %get3A_34 : vector<16xf32>
        %add3A_241 = arith.addf %add3A_236, %mul3A_240 : vector<16xf32>
        %reduce_sum3A = arith.constant true
        %reduce_sum3A_242 = vector.broadcast %reduce_sum3A : i1 to vector<16xi1>
        %reduce_sum3A_243 = tpu.scan <sum>, %add3A_241 masked %reduce_sum3A_242 : vector<16xf32>, vector<16xi1> -> vector<16xf32>
        %reduce_sum3A_244 = vector.extract %reduce_sum3A_243[15] : f32 from vector<16xf32>
        %add3A_245 = arith.addf %reduce_sum3A_244, %squeeze3A : f32
        %eq3A = vector.broadcast %scan3A_158 : i32 to vector<16xi32>
        %eq3A_246 = arith.cmpi eq, %iota3A, %eq3A : vector<16xi32>
        %broadcast_in_dim3A_247 = vector.broadcast %add3A_245 : f32 to vector<16xf32>
        %select_n3A_248 = arith.select %eq3A_246, %broadcast_in_dim3A_247, %scan3A_159 : vector<16xi1>, vector<16xf32>
        scf.yield %select_n3A_248 : vector<16xf32>
      }
      %scan3A_131 = arith.constant 16 : i32
      %neg3A_132 = arith.constant 0.000000e+00 : f32
      %neg3A_133 = vector.broadcast %neg3A_132 : f32 to vector<16xf32>
      %neg3A_134 = arith.subf %neg3A_133, %scan3A_130 : vector<16xf32>
      %exp3A_135 = math.exp %neg3A_134 : vector<16xf32>
      %add3A_136 = arith.constant 1.000000e+00 : f32
      %add3A_137 = vector.broadcast %add3A_136 : f32 to vector<16xf32>
      %add3A_138 = arith.addf %add3A_137, %exp3A_135 : vector<16xf32>
      %div3A_139 = arith.constant 1.000000e+00 : f32
      %div3A_140 = vector.broadcast %div3A_139 : f32 to vector<16xf32>
      %div3A_141 = arith.divf %div3A_140, %add3A_138 : vector<16xf32>
      %swap3A_142 = arith.constant 16 : index
      %swap3A_143 = tpu.vector_load %arg10[%swap3A_142] {strides = array<i32>} : memref<48xf32, #tpu.memory_space<vmem>>, vector<16xf32>,
      tpu.vector_store %arg10[%swap3A_142], %div3A_141 {strides = array<i32>} : memref<48xf32, #tpu.memory_space<vmem>>, vector<16xf32>,
      %ge3A = arith.cmpi sge, %mul3A_110, %squeeze3A_42 : i32
      %convert_element_type3A = arith.extui %ge3A : i1 to i32
      %cond3A = arith.constant 0 : i32
      %cond3A_144 = arith.cmpi ne, %convert_element_type3A, %cond3A : i32
      scf.if %cond3A_144 {
        "tpu.region"() ({
          %run_scoped3A = tpu.sem_alloc : memref<!tpu.dma_semaphore, #tpu.memory_space<semaphore_mem>>
          %dma_start3A = arith.constant 0 : i32
          %dma_start3A_158 = tpu.memref_slice %arg10[%dma_start3A] : memref<48xf32, #tpu.memory_space<vmem>> -> memref<32xf32, #tpu.memory_space<vmem>>
          %dma_start3A_159 = tpu.memref_slice %arg7[%mul3A_110] : memref<160000xf32, #tpu.memory_space<hbm>> -> memref<32xf32, #tpu.memory_space<hbm>>
          %dma_start3A_160 = tpu.memref_slice %arg7[%mul3A_110] : memref<160000xf32, #tpu.memory_space<hbm>> -> memref<32xf32, #tpu.memory_space<hbm>>
          %dma_start3A_161 = arith.constant 0 : i32
          %dma_start3A_162 = tpu.memref_slice %arg10[%dma_start3A_161] : memref<48xf32, #tpu.memory_space<vmem>> -> memref<32xf32, #tpu.memory_space<vmem>>
          tpu.enqueue_dma source(%dma_start3A_162 : memref<32xf32, #tpu.memory_space<vmem>>) target(%dma_start3A_160 : memref<32xf32, #tpu.memory_space<hbm>>) target_semaphore(%run_scoped3A : memref<!tpu.dma_semaphore, #tpu.memory_space<semaphore_mem>>)
          %dma_wait3A = arith.constant 0 : i32
          %dma_wait3A_163 = tpu.memref_slice %arg10[%dma_wait3A] : memref<48xf32, #tpu.memory_space<vmem>> -> memref<32xf32, #tpu.memory_space<vmem>>
          %dma_wait3A_164 = tpu.memref_slice %arg7[%mul3A_110] : memref<160000xf32, #tpu.memory_space<hbm>> -> memref<32xf32, #tpu.memory_space<hbm>>
          %dma_wait3A_165 = tpu.memref_slice %arg7[%mul3A_110] : memref<160000xf32, #tpu.memory_space<hbm>> -> memref<32xf32, #tpu.memory_space<hbm>>
          %dma_wait3A_166 = arith.constant 0 : i32
          %dma_wait3A_167 = tpu.memref_slice %arg10[%dma_wait3A_166] : memref<48xf32, #tpu.memory_space<vmem>> -> memref<32xf32, #tpu.memory_space<vmem>>
          tpu.wait_dma2 semaphore(%run_scoped3A : memref<!tpu.dma_semaphore, #tpu.memory_space<semaphore_mem>>) src(%dma_wait3A_167 : memref<32xf32, #tpu.memory_space<vmem>>) dst(%dma_wait3A_165 : memref<32xf32, #tpu.memory_space<hbm>>)
          tpu.yield
        }) : () -> ()
      } else {
      }
      %sub3A_145 = arith.subi %squeeze3A_42, %mul3A_110 : i32
      %max3A = arith.constant 0 : i32
      %max3A_146 = arith.maxsi %sub3A_145, %max3A : i32
      %sub3A_147 = arith.subi %squeeze3A_48, %mul3A_110 : i32
      %min3A = arith.constant 32 : i32
      %min3A_148 = arith.minsi %sub3A_147, %min3A : i32
      %while3A_149 = arith.constant 0 : i32
      %while3A_150 = arith.subi %min3A_148, %max3A_146 : i32
      %while3A_151 = arith.addi %max3A_146, %while3A_150 : i32
      %while3A_152 = arith.constant 1 : i32
      %while3A_153 = arith.divsi %while3A_150, %while3A_152 : i32
      %while3A_154 = arith.muli %while3A_153, %while3A_152 : i32
      %while3A_155 = arith.addi %max3A_146, %while3A_154 : i32
      %while3A_156 = arith.constant 1 : i32
      scf.for %while3A_158 = %max3A_146 to %while3A_155 step %while3A_156  : i32 {
        %get3A_159 = arith.index_cast %while3A_158 : i32 to index
        %get3A_160 = tpu.vector_load %arg9[%get3A_159] {strides = array<i32>} : memref<48xi32, #tpu.memory_space<vmem>>, vector<16xi32>,
        %slice3A_161 = vector.extract_strided_slice %get3A_160 {offsets = [0], sizes = [1], strides = [1]} : vector<16xi32> to vector<1xi32>
        %squeeze3A_162 = vector.extract %slice3A_161[0] : i32 from vector<1xi32>
        %sub3A_163 = arith.subi %squeeze3A_162, %mul3A_50 : i32
        %get3A_164 = arith.index_cast %while3A_158 : i32 to index
        %get3A_165 = tpu.vector_load %arg10[%get3A_164] {strides = array<i32>} : memref<48xf32, #tpu.memory_space<vmem>>, vector<16xf32>,
        %slice3A_166 = vector.extract_strided_slice %get3A_165 {offsets = [0], sizes = [1], strides = [1]} : vector<16xf32> to vector<1xf32>
        %squeeze3A_167 = vector.extract %slice3A_166[0] : f32 from vector<1xf32>
        %broadcast_in_dim3A_168 = vector.broadcast %squeeze3A_167 : f32 to vector<16xf32>
        %get3A_169 = arith.index_cast %sub3A_163 : i32 to index
        %get3A_170 = arith.constant 0 : index
        %get3A_171 = tpu.vector_load %arg13[%get3A_169, %get3A_170] {strides = array<i32>} : memref<320x256xf32, #tpu.memory_space<vmem>>, vector<16xf32>,
        %get3A_172 = arith.index_cast %while3A_158 : i32 to index
        %get3A_173 = arith.constant 0 : index
        %get3A_174 = tpu.vector_load %arg8[%get3A_172, %get3A_173] {strides = array<i32>} : memref<32x256xf32, #tpu.memory_space<vmem>>, vector<16xf32>,
        %mul3A_175 = arith.mulf %broadcast_in_dim3A_168, %get3A_174 : vector<16xf32>
        %add3A_176 = arith.addf %get3A_171, %mul3A_175 : vector<16xf32>
        %swap3A_177 = arith.index_cast %sub3A_163 : i32 to index
        %swap3A_178 = arith.constant 0 : index
        %swap3A_179 = tpu.vector_load %arg13[%swap3A_177, %swap3A_178] {strides = array<i32>} : memref<320x256xf32, #tpu.memory_space<vmem>>, vector<16xf32>,
        tpu.vector_store %arg13[%swap3A_177, %swap3A_178], %add3A_176 {strides = array<i32>} : memref<320x256xf32, #tpu.memory_space<vmem>>, vector<16xf32>,
        %get3A_180 = arith.index_cast %sub3A_163 : i32 to index
        %get3A_181 = arith.constant 16 : index
        %get3A_182 = tpu.vector_load %arg13[%get3A_180, %get3A_181] {strides = array<i32>} : memref<320x256xf32, #tpu.memory_space<vmem>>, vector<16xf32>,
        %get3A_183 = arith.index_cast %while3A_158 : i32 to index
        %get3A_184 = arith.constant 16 : index
        %get3A_185 = tpu.vector_load %arg8[%get3A_183, %get3A_184] {strides = array<i32>} : memref<32x256xf32, #tpu.memory_space<vmem>>, vector<16xf32>,
        %mul3A_186 = arith.mulf %broadcast_in_dim3A_168, %get3A_185 : vector<16xf32>
        %add3A_187 = arith.addf %get3A_182, %mul3A_186 : vector<16xf32>
        %swap3A_188 = arith.index_cast %sub3A_163 : i32 to index
        %swap3A_189 = arith.constant 16 : index
        %swap3A_190 = tpu.vector_load %arg13[%swap3A_188, %swap3A_189] {strides = array<i32>} : memref<320x256xf32, #tpu.memory_space<vmem>>, vector<16xf32>,
        tpu.vector_store %arg13[%swap3A_188, %swap3A_189], %add3A_187 {strides = array<i32>} : memref<320x256xf32, #tpu.memory_space<vmem>>, vector<16xf32>,
        %get3A_191 = arith.index_cast %sub3A_163 : i32 to index
        %get3A_192 = arith.constant 32 : index
        %get3A_193 = tpu.vector_load %arg13[%get3A_191, %get3A_192] {strides = array<i32>} : memref<320x256xf32, #tpu.memory_space<vmem>>, vector<16xf32>,
        %get3A_194 = arith.index_cast %while3A_158 : i32 to index
        %get3A_195 = arith.constant 32 : index
        %get3A_196 = tpu.vector_load %arg8[%get3A_194, %get3A_195] {strides = array<i32>} : memref<32x256xf32, #tpu.memory_space<vmem>>, vector<16xf32>,
        %mul3A_197 = arith.mulf %broadcast_in_dim3A_168, %get3A_196 : vector<16xf32>
        %add3A_198 = arith.addf %get3A_193, %mul3A_197 : vector<16xf32>
        %swap3A_199 = arith.index_cast %sub3A_163 : i32 to index
        %swap3A_200 = arith.constant 32 : index
        %swap3A_201 = tpu.vector_load %arg13[%swap3A_199, %swap3A_200] {strides = array<i32>} : memref<320x256xf32, #tpu.memory_space<vmem>>, vector<16xf32>,
        tpu.vector_store %arg13[%swap3A_199, %swap3A_200], %add3A_198 {strides = array<i32>} : memref<320x256xf32, #tpu.memory_space<vmem>>, vector<16xf32>,
        %get3A_202 = arith.index_cast %sub3A_163 : i32 to index
        %get3A_203 = arith.constant 48 : index
        %get3A_204 = tpu.vector_load %arg13[%get3A_202, %get3A_203] {strides = array<i32>} : memref<320x256xf32, #tpu.memory_space<vmem>>, vector<16xf32>,
        %get3A_205 = arith.index_cast %while3A_158 : i32 to index
        %get3A_206 = arith.constant 48 : index
        %get3A_207 = tpu.vector_load %arg8[%get3A_205, %get3A_206] {strides = array<i32>} : memref<32x256xf32, #tpu.memory_space<vmem>>, vector<16xf32>,
        %mul3A_208 = arith.mulf %broadcast_in_dim3A_168, %get3A_207 : vector<16xf32>
        %add3A_209 = arith.addf %get3A_204, %mul3A_208 : vector<16xf32>
        %swap3A_210 = arith.index_cast %sub3A_163 : i32 to index
        %swap3A_211 = arith.constant 48 : index
        %swap3A_212 = tpu.vector_load %arg13[%swap3A_210, %swap3A_211] {strides = array<i32>} : memref<320x256xf32, #tpu.memory_space<vmem>>, vector<16xf32>,
        tpu.vector_store %arg13[%swap3A_210, %swap3A_211], %add3A_209 {strides = array<i32>} : memref<320x256xf32, #tpu.memory_space<vmem>>, vector<16xf32>,
        %get3A_213 = arith.index_cast %sub3A_163 : i32 to index
        %get3A_214 = arith.constant 64 : index
        %get3A_215 = tpu.vector_load %arg13[%get3A_213, %get3A_214] {strides = array<i32>} : memref<320x256xf32, #tpu.memory_space<vmem>>, vector<16xf32>,
        %get3A_216 = arith.index_cast %while3A_158 : i32 to index
        %get3A_217 = arith.constant 64 : index
        %get3A_218 = tpu.vector_load %arg8[%get3A_216, %get3A_217] {strides = array<i32>} : memref<32x256xf32, #tpu.memory_space<vmem>>, vector<16xf32>,
        %mul3A_219 = arith.mulf %broadcast_in_dim3A_168, %get3A_218 : vector<16xf32>
        %add3A_220 = arith.addf %get3A_215, %mul3A_219 : vector<16xf32>
        %swap3A_221 = arith.index_cast %sub3A_163 : i32 to index
        %swap3A_222 = arith.constant 64 : index
        %swap3A_223 = tpu.vector_load %arg13[%swap3A_221, %swap3A_222] {strides = array<i32>} : memref<320x256xf32, #tpu.memory_space<vmem>>, vector<16xf32>,
        tpu.vector_store %arg13[%swap3A_221, %swap3A_222], %add3A_220 {strides = array<i32>} : memref<320x256xf32, #tpu.memory_space<vmem>>, vector<16xf32>,
        %get3A_224 = arith.index_cast %sub3A_163 : i32 to index
        %get3A_225 = arith.constant 80 : index
        %get3A_226 = tpu.vector_load %arg13[%get3A_224, %get3A_225] {strides = array<i32>} : memref<320x256xf32, #tpu.memory_space<vmem>>, vector<16xf32>,
        %get3A_227 = arith.index_cast %while3A_158 : i32 to index
        %get3A_228 = arith.constant 80 : index
        %get3A_229 = tpu.vector_load %arg8[%get3A_227, %get3A_228] {strides = array<i32>} : memref<32x256xf32, #tpu.memory_space<vmem>>, vector<16xf32>,
        %mul3A_230 = arith.mulf %broadcast_in_dim3A_168, %get3A_229 : vector<16xf32>
        %add3A_231 = arith.addf %get3A_226, %mul3A_230 : vector<16xf32>
        %swap3A_232 = arith.index_cast %sub3A_163 : i32 to index
        %swap3A_233 = arith.constant 80 : index
        %swap3A_234 = tpu.vector_load %arg13[%swap3A_232, %swap3A_233] {strides = array<i32>} : memref<320x256xf32, #tpu.memory_space<vmem>>, vector<16xf32>,
        tpu.vector_store %arg13[%swap3A_232, %swap3A_233], %add3A_231 {strides = array<i32>} : memref<320x256xf32, #tpu.memory_space<vmem>>, vector<16xf32>,
        %get3A_235 = arith.index_cast %sub3A_163 : i32 to index
        %get3A_236 = arith.constant 96 : index
        %get3A_237 = tpu.vector_load %arg13[%get3A_235, %get3A_236] {strides = array<i32>} : memref<320x256xf32, #tpu.memory_space<vmem>>, vector<16xf32>,
        %get3A_238 = arith.index_cast %while3A_158 : i32 to index
        %get3A_239 = arith.constant 96 : index
        %get3A_240 = tpu.vector_load %arg8[%get3A_238, %get3A_239] {strides = array<i32>} : memref<32x256xf32, #tpu.memory_space<vmem>>, vector<16xf32>,
        %mul3A_241 = arith.mulf %broadcast_in_dim3A_168, %get3A_240 : vector<16xf32>
        %add3A_242 = arith.addf %get3A_237, %mul3A_241 : vector<16xf32>
        %swap3A_243 = arith.index_cast %sub3A_163 : i32 to index
        %swap3A_244 = arith.constant 96 : index
        %swap3A_245 = tpu.vector_load %arg13[%swap3A_243, %swap3A_244] {strides = array<i32>} : memref<320x256xf32, #tpu.memory_space<vmem>>, vector<16xf32>,
        tpu.vector_store %arg13[%swap3A_243, %swap3A_244], %add3A_242 {strides = array<i32>} : memref<320x256xf32, #tpu.memory_space<vmem>>, vector<16xf32>,
        %get3A_246 = arith.index_cast %sub3A_163 : i32 to index
        %get3A_247 = arith.constant 112 : index
        %get3A_248 = tpu.vector_load %arg13[%get3A_246, %get3A_247] {strides = array<i32>} : memref<320x256xf32, #tpu.memory_space<vmem>>, vector<16xf32>,
        %get3A_249 = arith.index_cast %while3A_158 : i32 to index
        %get3A_250 = arith.constant 112 : index
        %get3A_251 = tpu.vector_load %arg8[%get3A_249, %get3A_250] {strides = array<i32>} : memref<32x256xf32, #tpu.memory_space<vmem>>, vector<16xf32>,
        %mul3A_252 = arith.mulf %broadcast_in_dim3A_168, %get3A_251 : vector<16xf32>
        %add3A_253 = arith.addf %get3A_248, %mul3A_252 : vector<16xf32>
        %swap3A_254 = arith.index_cast %sub3A_163 : i32 to index
        %swap3A_255 = arith.constant 112 : index
        %swap3A_256 = tpu.vector_load %arg13[%swap3A_254, %swap3A_255] {strides = array<i32>} : memref<320x256xf32, #tpu.memory_space<vmem>>, vector<16xf32>,
        tpu.vector_store %arg13[%swap3A_254, %swap3A_255], %add3A_253 {strides = array<i32>} : memref<320x256xf32, #tpu.memory_space<vmem>>, vector<16xf32>,
        %get3A_257 = arith.index_cast %sub3A_163 : i32 to index
        %get3A_258 = arith.constant 128 : index
        %get3A_259 = tpu.vector_load %arg13[%get3A_257, %get3A_258] {strides = array<i32>} : memref<320x256xf32, #tpu.memory_space<vmem>>, vector<16xf32>,
        %get3A_260 = arith.index_cast %while3A_158 : i32 to index
        %get3A_261 = arith.constant 128 : index
        %get3A_262 = tpu.vector_load %arg8[%get3A_260, %get3A_261] {strides = array<i32>} : memref<32x256xf32, #tpu.memory_space<vmem>>, vector<16xf32>,
        %mul3A_263 = arith.mulf %broadcast_in_dim3A_168, %get3A_262 : vector<16xf32>
        %add3A_264 = arith.addf %get3A_259, %mul3A_263 : vector<16xf32>
        %swap3A_265 = arith.index_cast %sub3A_163 : i32 to index
        %swap3A_266 = arith.constant 128 : index
        %swap3A_267 = tpu.vector_load %arg13[%swap3A_265, %swap3A_266] {strides = array<i32>} : memref<320x256xf32, #tpu.memory_space<vmem>>, vector<16xf32>,
        tpu.vector_store %arg13[%swap3A_265, %swap3A_266], %add3A_264 {strides = array<i32>} : memref<320x256xf32, #tpu.memory_space<vmem>>, vector<16xf32>,
        %get3A_268 = arith.index_cast %sub3A_163 : i32 to index
        %get3A_269 = arith.constant 144 : index
        %get3A_270 = tpu.vector_load %arg13[%get3A_268, %get3A_269] {strides = array<i32>} : memref<320x256xf32, #tpu.memory_space<vmem>>, vector<16xf32>,
        %get3A_271 = arith.index_cast %while3A_158 : i32 to index
        %get3A_272 = arith.constant 144 : index
        %get3A_273 = tpu.vector_load %arg8[%get3A_271, %get3A_272] {strides = array<i32>} : memref<32x256xf32, #tpu.memory_space<vmem>>, vector<16xf32>,
        %mul3A_274 = arith.mulf %broadcast_in_dim3A_168, %get3A_273 : vector<16xf32>
        %add3A_275 = arith.addf %get3A_270, %mul3A_274 : vector<16xf32>
        %swap3A_276 = arith.index_cast %sub3A_163 : i32 to index
        %swap3A_277 = arith.constant 144 : index
        %swap3A_278 = tpu.vector_load %arg13[%swap3A_276, %swap3A_277] {strides = array<i32>} : memref<320x256xf32, #tpu.memory_space<vmem>>, vector<16xf32>,
        tpu.vector_store %arg13[%swap3A_276, %swap3A_277], %add3A_275 {strides = array<i32>} : memref<320x256xf32, #tpu.memory_space<vmem>>, vector<16xf32>,
        %get3A_279 = arith.index_cast %sub3A_163 : i32 to index
        %get3A_280 = arith.constant 160 : index
        %get3A_281 = tpu.vector_load %arg13[%get3A_279, %get3A_280] {strides = array<i32>} : memref<320x256xf32, #tpu.memory_space<vmem>>, vector<16xf32>,
        %get3A_282 = arith.index_cast %while3A_158 : i32 to index
        %get3A_283 = arith.constant 160 : index
        %get3A_284 = tpu.vector_load %arg8[%get3A_282, %get3A_283] {strides = array<i32>} : memref<32x256xf32, #tpu.memory_space<vmem>>, vector<16xf32>,
        %mul3A_285 = arith.mulf %broadcast_in_dim3A_168, %get3A_284 : vector<16xf32>
        %add3A_286 = arith.addf %get3A_281, %mul3A_285 : vector<16xf32>
        %swap3A_287 = arith.index_cast %sub3A_163 : i32 to index
        %swap3A_288 = arith.constant 160 : index
        %swap3A_289 = tpu.vector_load %arg13[%swap3A_287, %swap3A_288] {strides = array<i32>} : memref<320x256xf32, #tpu.memory_space<vmem>>, vector<16xf32>,
        tpu.vector_store %arg13[%swap3A_287, %swap3A_288], %add3A_286 {strides = array<i32>} : memref<320x256xf32, #tpu.memory_space<vmem>>, vector<16xf32>,
        %get3A_290 = arith.index_cast %sub3A_163 : i32 to index
        %get3A_291 = arith.constant 176 : index
        %get3A_292 = tpu.vector_load %arg13[%get3A_290, %get3A_291] {strides = array<i32>} : memref<320x256xf32, #tpu.memory_space<vmem>>, vector<16xf32>,
        %get3A_293 = arith.index_cast %while3A_158 : i32 to index
        %get3A_294 = arith.constant 176 : index
        %get3A_295 = tpu.vector_load %arg8[%get3A_293, %get3A_294] {strides = array<i32>} : memref<32x256xf32, #tpu.memory_space<vmem>>, vector<16xf32>,
        %mul3A_296 = arith.mulf %broadcast_in_dim3A_168, %get3A_295 : vector<16xf32>
        %add3A_297 = arith.addf %get3A_292, %mul3A_296 : vector<16xf32>
        %swap3A_298 = arith.index_cast %sub3A_163 : i32 to index
        %swap3A_299 = arith.constant 176 : index
        %swap3A_300 = tpu.vector_load %arg13[%swap3A_298, %swap3A_299] {strides = array<i32>} : memref<320x256xf32, #tpu.memory_space<vmem>>, vector<16xf32>,
        tpu.vector_store %arg13[%swap3A_298, %swap3A_299], %add3A_297 {strides = array<i32>} : memref<320x256xf32, #tpu.memory_space<vmem>>, vector<16xf32>,
        %get3A_301 = arith.index_cast %sub3A_163 : i32 to index
        %get3A_302 = arith.constant 192 : index
        %get3A_303 = tpu.vector_load %arg13[%get3A_301, %get3A_302] {strides = array<i32>} : memref<320x256xf32, #tpu.memory_space<vmem>>, vector<16xf32>,
        %get3A_304 = arith.index_cast %while3A_158 : i32 to index
        %get3A_305 = arith.constant 192 : index
        %get3A_306 = tpu.vector_load %arg8[%get3A_304, %get3A_305] {strides = array<i32>} : memref<32x256xf32, #tpu.memory_space<vmem>>, vector<16xf32>,
        %mul3A_307 = arith.mulf %broadcast_in_dim3A_168, %get3A_306 : vector<16xf32>
        %add3A_308 = arith.addf %get3A_303, %mul3A_307 : vector<16xf32>
        %swap3A_309 = arith.index_cast %sub3A_163 : i32 to index
        %swap3A_310 = arith.constant 192 : index
        %swap3A_311 = tpu.vector_load %arg13[%swap3A_309, %swap3A_310] {strides = array<i32>} : memref<320x256xf32, #tpu.memory_space<vmem>>, vector<16xf32>,
        tpu.vector_store %arg13[%swap3A_309, %swap3A_310], %add3A_308 {strides = array<i32>} : memref<320x256xf32, #tpu.memory_space<vmem>>, vector<16xf32>,
        %get3A_312 = arith.index_cast %sub3A_163 : i32 to index
        %get3A_313 = arith.constant 208 : index
        %get3A_314 = tpu.vector_load %arg13[%get3A_312, %get3A_313] {strides = array<i32>} : memref<320x256xf32, #tpu.memory_space<vmem>>, vector<16xf32>,
        %get3A_315 = arith.index_cast %while3A_158 : i32 to index
        %get3A_316 = arith.constant 208 : index
        %get3A_317 = tpu.vector_load %arg8[%get3A_315, %get3A_316] {strides = array<i32>} : memref<32x256xf32, #tpu.memory_space<vmem>>, vector<16xf32>,
        %mul3A_318 = arith.mulf %broadcast_in_dim3A_168, %get3A_317 : vector<16xf32>
        %add3A_319 = arith.addf %get3A_314, %mul3A_318 : vector<16xf32>
        %swap3A_320 = arith.index_cast %sub3A_163 : i32 to index
        %swap3A_321 = arith.constant 208 : index
        %swap3A_322 = tpu.vector_load %arg13[%swap3A_320, %swap3A_321] {strides = array<i32>} : memref<320x256xf32, #tpu.memory_space<vmem>>, vector<16xf32>,
        tpu.vector_store %arg13[%swap3A_320, %swap3A_321], %add3A_319 {strides = array<i32>} : memref<320x256xf32, #tpu.memory_space<vmem>>, vector<16xf32>,
        %get3A_323 = arith.index_cast %sub3A_163 : i32 to index
        %get3A_324 = arith.constant 224 : index
        %get3A_325 = tpu.vector_load %arg13[%get3A_323, %get3A_324] {strides = array<i32>} : memref<320x256xf32, #tpu.memory_space<vmem>>, vector<16xf32>,
        %get3A_326 = arith.index_cast %while3A_158 : i32 to index
        %get3A_327 = arith.constant 224 : index
        %get3A_328 = tpu.vector_load %arg8[%get3A_326, %get3A_327] {strides = array<i32>} : memref<32x256xf32, #tpu.memory_space<vmem>>, vector<16xf32>,
        %mul3A_329 = arith.mulf %broadcast_in_dim3A_168, %get3A_328 : vector<16xf32>
        %add3A_330 = arith.addf %get3A_325, %mul3A_329 : vector<16xf32>
        %swap3A_331 = arith.index_cast %sub3A_163 : i32 to index
        %swap3A_332 = arith.constant 224 : index
        %swap3A_333 = tpu.vector_load %arg13[%swap3A_331, %swap3A_332] {strides = array<i32>} : memref<320x256xf32, #tpu.memory_space<vmem>>, vector<16xf32>,
        tpu.vector_store %arg13[%swap3A_331, %swap3A_332], %add3A_330 {strides = array<i32>} : memref<320x256xf32, #tpu.memory_space<vmem>>, vector<16xf32>,
        %get3A_334 = arith.index_cast %sub3A_163 : i32 to index
        %get3A_335 = arith.constant 240 : index
        %get3A_336 = tpu.vector_load %arg13[%get3A_334, %get3A_335] {strides = array<i32>} : memref<320x256xf32, #tpu.memory_space<vmem>>, vector<16xf32>,
        %get3A_337 = arith.index_cast %while3A_158 : i32 to index
        %get3A_338 = arith.constant 240 : index
        %get3A_339 = tpu.vector_load %arg8[%get3A_337, %get3A_338] {strides = array<i32>} : memref<32x256xf32, #tpu.memory_space<vmem>>, vector<16xf32>,
        %mul3A_340 = arith.mulf %broadcast_in_dim3A_168, %get3A_339 : vector<16xf32>
        %add3A_341 = arith.addf %get3A_336, %mul3A_340 : vector<16xf32>
        %swap3A_342 = arith.index_cast %sub3A_163 : i32 to index
        %swap3A_343 = arith.constant 240 : index
        %swap3A_344 = tpu.vector_load %arg13[%swap3A_342, %swap3A_343] {strides = array<i32>} : memref<320x256xf32, #tpu.memory_space<vmem>>, vector<16xf32>,
        tpu.vector_store %arg13[%swap3A_342, %swap3A_343], %add3A_341 {strides = array<i32>} : memref<320x256xf32, #tpu.memory_space<vmem>>, vector<16xf32>,
        %get3A_345 = arith.index_cast %sub3A_163 : i32 to index
        %get3A_346 = arith.constant 0 : index
        %get3A_347 = tpu.vector_load %arg14[%get3A_345, %get3A_346] {strides = array<i32>} : memref<320x16xf32, #tpu.memory_space<vmem>>, vector<16xf32>,
        %add3A_348 = arith.constant 1.000000e+00 : f32
        %add3A_349 = vector.broadcast %add3A_348 : f32 to vector<16xf32>
        %add3A_350 = arith.addf %get3A_347, %add3A_349 : vector<16xf32>
        %swap3A_351 = arith.index_cast %sub3A_163 : i32 to index
        %swap3A_352 = arith.constant 0 : index
        %swap3A_353 = tpu.vector_load %arg14[%swap3A_351, %swap3A_352] {strides = array<i32>} : memref<320x16xf32, #tpu.memory_space<vmem>>, vector<16xf32>,
        tpu.vector_store %arg14[%swap3A_351, %swap3A_352], %add3A_350 {strides = array<i32>} : memref<320x16xf32, #tpu.memory_space<vmem>>, vector<16xf32>,
      }
      %while3A_157 = arith.constant 1 : i32
      scf.for %while3A_158 = %while3A_155 to %while3A_151 step %while3A_157  : i32 {
        %get3A_159 = arith.index_cast %while3A_158 : i32 to index
        %get3A_160 = tpu.vector_load %arg9[%get3A_159] {strides = array<i32>} : memref<48xi32, #tpu.memory_space<vmem>>, vector<16xi32>,
        %slice3A_161 = vector.extract_strided_slice %get3A_160 {offsets = [0], sizes = [1], strides = [1]} : vector<16xi32> to vector<1xi32>
        %squeeze3A_162 = vector.extract %slice3A_161[0] : i32 from vector<1xi32>
        %sub3A_163 = arith.subi %squeeze3A_162, %mul3A_50 : i32
        %get3A_164 = arith.index_cast %while3A_158 : i32 to index
        %get3A_165 = tpu.vector_load %arg10[%get3A_164] {strides = array<i32>} : memref<48xf32, #tpu.memory_space<vmem>>, vector<16xf32>,
        %slice3A_166 = vector.extract_strided_slice %get3A_165 {offsets = [0], sizes = [1], strides = [1]} : vector<16xf32> to vector<1xf32>
        %squeeze3A_167 = vector.extract %slice3A_166[0] : f32 from vector<1xf32>
        %broadcast_in_dim3A_168 = vector.broadcast %squeeze3A_167 : f32 to vector<16xf32>
        %get3A_169 = arith.index_cast %sub3A_163 : i32 to index
        %get3A_170 = arith.constant 0 : index
        %get3A_171 = tpu.vector_load %arg13[%get3A_169, %get3A_170] {strides = array<i32>} : memref<320x256xf32, #tpu.memory_space<vmem>>, vector<16xf32>,
        %get3A_172 = arith.index_cast %while3A_158 : i32 to index
        %get3A_173 = arith.constant 0 : index
        %get3A_174 = tpu.vector_load %arg8[%get3A_172, %get3A_173] {strides = array<i32>} : memref<32x256xf32, #tpu.memory_space<vmem>>, vector<16xf32>,
        %mul3A_175 = arith.mulf %broadcast_in_dim3A_168, %get3A_174 : vector<16xf32>
        %add3A_176 = arith.addf %get3A_171, %mul3A_175 : vector<16xf32>
        %swap3A_177 = arith.index_cast %sub3A_163 : i32 to index
        %swap3A_178 = arith.constant 0 : index
        %swap3A_179 = tpu.vector_load %arg13[%swap3A_177, %swap3A_178] {strides = array<i32>} : memref<320x256xf32, #tpu.memory_space<vmem>>, vector<16xf32>,
        tpu.vector_store %arg13[%swap3A_177, %swap3A_178], %add3A_176 {strides = array<i32>} : memref<320x256xf32, #tpu.memory_space<vmem>>, vector<16xf32>,
        %get3A_180 = arith.index_cast %sub3A_163 : i32 to index
        %get3A_181 = arith.constant 16 : index
        %get3A_182 = tpu.vector_load %arg13[%get3A_180, %get3A_181] {strides = array<i32>} : memref<320x256xf32, #tpu.memory_space<vmem>>, vector<16xf32>,
        %get3A_183 = arith.index_cast %while3A_158 : i32 to index
        %get3A_184 = arith.constant 16 : index
        %get3A_185 = tpu.vector_load %arg8[%get3A_183, %get3A_184] {strides = array<i32>} : memref<32x256xf32, #tpu.memory_space<vmem>>, vector<16xf32>,
        %mul3A_186 = arith.mulf %broadcast_in_dim3A_168, %get3A_185 : vector<16xf32>
        %add3A_187 = arith.addf %get3A_182, %mul3A_186 : vector<16xf32>
        %swap3A_188 = arith.index_cast %sub3A_163 : i32 to index
        %swap3A_189 = arith.constant 16 : index
        %swap3A_190 = tpu.vector_load %arg13[%swap3A_188, %swap3A_189] {strides = array<i32>} : memref<320x256xf32, #tpu.memory_space<vmem>>, vector<16xf32>,
        tpu.vector_store %arg13[%swap3A_188, %swap3A_189], %add3A_187 {strides = array<i32>} : memref<320x256xf32, #tpu.memory_space<vmem>>, vector<16xf32>,
        %get3A_191 = arith.index_cast %sub3A_163 : i32 to index
        %get3A_192 = arith.constant 32 : index
        %get3A_193 = tpu.vector_load %arg13[%get3A_191, %get3A_192] {strides = array<i32>} : memref<320x256xf32, #tpu.memory_space<vmem>>, vector<16xf32>,
        %get3A_194 = arith.index_cast %while3A_158 : i32 to index
        %get3A_195 = arith.constant 32 : index
        %get3A_196 = tpu.vector_load %arg8[%get3A_194, %get3A_195] {strides = array<i32>} : memref<32x256xf32, #tpu.memory_space<vmem>>, vector<16xf32>,
        %mul3A_197 = arith.mulf %broadcast_in_dim3A_168, %get3A_196 : vector<16xf32>
        %add3A_198 = arith.addf %get3A_193, %mul3A_197 : vector<16xf32>
        %swap3A_199 = arith.index_cast %sub3A_163 : i32 to index
        %swap3A_200 = arith.constant 32 : index
        %swap3A_201 = tpu.vector_load %arg13[%swap3A_199, %swap3A_200] {strides = array<i32>} : memref<320x256xf32, #tpu.memory_space<vmem>>, vector<16xf32>,
        tpu.vector_store %arg13[%swap3A_199, %swap3A_200], %add3A_198 {strides = array<i32>} : memref<320x256xf32, #tpu.memory_space<vmem>>, vector<16xf32>,
        %get3A_202 = arith.index_cast %sub3A_163 : i32 to index
        %get3A_203 = arith.constant 48 : index
        %get3A_204 = tpu.vector_load %arg13[%get3A_202, %get3A_203] {strides = array<i32>} : memref<320x256xf32, #tpu.memory_space<vmem>>, vector<16xf32>,
        %get3A_205 = arith.index_cast %while3A_158 : i32 to index
        %get3A_206 = arith.constant 48 : index
        %get3A_207 = tpu.vector_load %arg8[%get3A_205, %get3A_206] {strides = array<i32>} : memref<32x256xf32, #tpu.memory_space<vmem>>, vector<16xf32>,
        %mul3A_208 = arith.mulf %broadcast_in_dim3A_168, %get3A_207 : vector<16xf32>
        %add3A_209 = arith.addf %get3A_204, %mul3A_208 : vector<16xf32>
        %swap3A_210 = arith.index_cast %sub3A_163 : i32 to index
        %swap3A_211 = arith.constant 48 : index
        %swap3A_212 = tpu.vector_load %arg13[%swap3A_210, %swap3A_211] {strides = array<i32>} : memref<320x256xf32, #tpu.memory_space<vmem>>, vector<16xf32>,
        tpu.vector_store %arg13[%swap3A_210, %swap3A_211], %add3A_209 {strides = array<i32>} : memref<320x256xf32, #tpu.memory_space<vmem>>, vector<16xf32>,
        %get3A_213 = arith.index_cast %sub3A_163 : i32 to index
        %get3A_214 = arith.constant 64 : index
        %get3A_215 = tpu.vector_load %arg13[%get3A_213, %get3A_214] {strides = array<i32>} : memref<320x256xf32, #tpu.memory_space<vmem>>, vector<16xf32>,
        %get3A_216 = arith.index_cast %while3A_158 : i32 to index
        %get3A_217 = arith.constant 64 : index
        %get3A_218 = tpu.vector_load %arg8[%get3A_216, %get3A_217] {strides = array<i32>} : memref<32x256xf32, #tpu.memory_space<vmem>>, vector<16xf32>,
        %mul3A_219 = arith.mulf %broadcast_in_dim3A_168, %get3A_218 : vector<16xf32>
        %add3A_220 = arith.addf %get3A_215, %mul3A_219 : vector<16xf32>
        %swap3A_221 = arith.index_cast %sub3A_163 : i32 to index
        %swap3A_222 = arith.constant 64 : index
        %swap3A_223 = tpu.vector_load %arg13[%swap3A_221, %swap3A_222] {strides = array<i32>} : memref<320x256xf32, #tpu.memory_space<vmem>>, vector<16xf32>,
        tpu.vector_store %arg13[%swap3A_221, %swap3A_222], %add3A_220 {strides = array<i32>} : memref<320x256xf32, #tpu.memory_space<vmem>>, vector<16xf32>,
        %get3A_224 = arith.index_cast %sub3A_163 : i32 to index
        %get3A_225 = arith.constant 80 : index
        %get3A_226 = tpu.vector_load %arg13[%get3A_224, %get3A_225] {strides = array<i32>} : memref<320x256xf32, #tpu.memory_space<vmem>>, vector<16xf32>,
        %get3A_227 = arith.index_cast %while3A_158 : i32 to index
        %get3A_228 = arith.constant 80 : index
        %get3A_229 = tpu.vector_load %arg8[%get3A_227, %get3A_228] {strides = array<i32>} : memref<32x256xf32, #tpu.memory_space<vmem>>, vector<16xf32>,
        %mul3A_230 = arith.mulf %broadcast_in_dim3A_168, %get3A_229 : vector<16xf32>
        %add3A_231 = arith.addf %get3A_226, %mul3A_230 : vector<16xf32>
        %swap3A_232 = arith.index_cast %sub3A_163 : i32 to index
        %swap3A_233 = arith.constant 80 : index
        %swap3A_234 = tpu.vector_load %arg13[%swap3A_232, %swap3A_233] {strides = array<i32>} : memref<320x256xf32, #tpu.memory_space<vmem>>, vector<16xf32>,
        tpu.vector_store %arg13[%swap3A_232, %swap3A_233], %add3A_231 {strides = array<i32>} : memref<320x256xf32, #tpu.memory_space<vmem>>, vector<16xf32>,
        %get3A_235 = arith.index_cast %sub3A_163 : i32 to index
        %get3A_236 = arith.constant 96 : index
        %get3A_237 = tpu.vector_load %arg13[%get3A_235, %get3A_236] {strides = array<i32>} : memref<320x256xf32, #tpu.memory_space<vmem>>, vector<16xf32>,
        %get3A_238 = arith.index_cast %while3A_158 : i32 to index
        %get3A_239 = arith.constant 96 : index
        %get3A_240 = tpu.vector_load %arg8[%get3A_238, %get3A_239] {strides = array<i32>} : memref<32x256xf32, #tpu.memory_space<vmem>>, vector<16xf32>,
        %mul3A_241 = arith.mulf %broadcast_in_dim3A_168, %get3A_240 : vector<16xf32>
        %add3A_242 = arith.addf %get3A_237, %mul3A_241 : vector<16xf32>
        %swap3A_243 = arith.index_cast %sub3A_163 : i32 to index
        %swap3A_244 = arith.constant 96 : index
        %swap3A_245 = tpu.vector_load %arg13[%swap3A_243, %swap3A_244] {strides = array<i32>} : memref<320x256xf32, #tpu.memory_space<vmem>>, vector<16xf32>,
        tpu.vector_store %arg13[%swap3A_243, %swap3A_244], %add3A_242 {strides = array<i32>} : memref<320x256xf32, #tpu.memory_space<vmem>>, vector<16xf32>,
        %get3A_246 = arith.index_cast %sub3A_163 : i32 to index
        %get3A_247 = arith.constant 112 : index
        %get3A_248 = tpu.vector_load %arg13[%get3A_246, %get3A_247] {strides = array<i32>} : memref<320x256xf32, #tpu.memory_space<vmem>>, vector<16xf32>,
        %get3A_249 = arith.index_cast %while3A_158 : i32 to index
        %get3A_250 = arith.constant 112 : index
        %get3A_251 = tpu.vector_load %arg8[%get3A_249, %get3A_250] {strides = array<i32>} : memref<32x256xf32, #tpu.memory_space<vmem>>, vector<16xf32>,
        %mul3A_252 = arith.mulf %broadcast_in_dim3A_168, %get3A_251 : vector<16xf32>
        %add3A_253 = arith.addf %get3A_248, %mul3A_252 : vector<16xf32>
        %swap3A_254 = arith.index_cast %sub3A_163 : i32 to index
        %swap3A_255 = arith.constant 112 : index
        %swap3A_256 = tpu.vector_load %arg13[%swap3A_254, %swap3A_255] {strides = array<i32>} : memref<320x256xf32, #tpu.memory_space<vmem>>, vector<16xf32>,
        tpu.vector_store %arg13[%swap3A_254, %swap3A_255], %add3A_253 {strides = array<i32>} : memref<320x256xf32, #tpu.memory_space<vmem>>, vector<16xf32>,
        %get3A_257 = arith.index_cast %sub3A_163 : i32 to index
        %get3A_258 = arith.constant 128 : index
        %get3A_259 = tpu.vector_load %arg13[%get3A_257, %get3A_258] {strides = array<i32>} : memref<320x256xf32, #tpu.memory_space<vmem>>, vector<16xf32>,
        %get3A_260 = arith.index_cast %while3A_158 : i32 to index
        %get3A_261 = arith.constant 128 : index
        %get3A_262 = tpu.vector_load %arg8[%get3A_260, %get3A_261] {strides = array<i32>} : memref<32x256xf32, #tpu.memory_space<vmem>>, vector<16xf32>,
        %mul3A_263 = arith.mulf %broadcast_in_dim3A_168, %get3A_262 : vector<16xf32>
        %add3A_264 = arith.addf %get3A_259, %mul3A_263 : vector<16xf32>
        %swap3A_265 = arith.index_cast %sub3A_163 : i32 to index
        %swap3A_266 = arith.constant 128 : index
        %swap3A_267 = tpu.vector_load %arg13[%swap3A_265, %swap3A_266] {strides = array<i32>} : memref<320x256xf32, #tpu.memory_space<vmem>>, vector<16xf32>,
        tpu.vector_store %arg13[%swap3A_265, %swap3A_266], %add3A_264 {strides = array<i32>} : memref<320x256xf32, #tpu.memory_space<vmem>>, vector<16xf32>,
        %get3A_268 = arith.index_cast %sub3A_163 : i32 to index
        %get3A_269 = arith.constant 144 : index
        %get3A_270 = tpu.vector_load %arg13[%get3A_268, %get3A_269] {strides = array<i32>} : memref<320x256xf32, #tpu.memory_space<vmem>>, vector<16xf32>,
        %get3A_271 = arith.index_cast %while3A_158 : i32 to index
        %get3A_272 = arith.constant 144 : index
        %get3A_273 = tpu.vector_load %arg8[%get3A_271, %get3A_272] {strides = array<i32>} : memref<32x256xf32, #tpu.memory_space<vmem>>, vector<16xf32>,
        %mul3A_274 = arith.mulf %broadcast_in_dim3A_168, %get3A_273 : vector<16xf32>
        %add3A_275 = arith.addf %get3A_270, %mul3A_274 : vector<16xf32>
        %swap3A_276 = arith.index_cast %sub3A_163 : i32 to index
        %swap3A_277 = arith.constant 144 : index
        %swap3A_278 = tpu.vector_load %arg13[%swap3A_276, %swap3A_277] {strides = array<i32>} : memref<320x256xf32, #tpu.memory_space<vmem>>, vector<16xf32>,
        tpu.vector_store %arg13[%swap3A_276, %swap3A_277], %add3A_275 {strides = array<i32>} : memref<320x256xf32, #tpu.memory_space<vmem>>, vector<16xf32>,
        %get3A_279 = arith.index_cast %sub3A_163 : i32 to index
        %get3A_280 = arith.constant 160 : index
        %get3A_281 = tpu.vector_load %arg13[%get3A_279, %get3A_280] {strides = array<i32>} : memref<320x256xf32, #tpu.memory_space<vmem>>, vector<16xf32>,
        %get3A_282 = arith.index_cast %while3A_158 : i32 to index
        %get3A_283 = arith.constant 160 : index
        %get3A_284 = tpu.vector_load %arg8[%get3A_282, %get3A_283] {strides = array<i32>} : memref<32x256xf32, #tpu.memory_space<vmem>>, vector<16xf32>,
        %mul3A_285 = arith.mulf %broadcast_in_dim3A_168, %get3A_284 : vector<16xf32>
        %add3A_286 = arith.addf %get3A_281, %mul3A_285 : vector<16xf32>
        %swap3A_287 = arith.index_cast %sub3A_163 : i32 to index
        %swap3A_288 = arith.constant 160 : index
        %swap3A_289 = tpu.vector_load %arg13[%swap3A_287, %swap3A_288] {strides = array<i32>} : memref<320x256xf32, #tpu.memory_space<vmem>>, vector<16xf32>,
        tpu.vector_store %arg13[%swap3A_287, %swap3A_288], %add3A_286 {strides = array<i32>} : memref<320x256xf32, #tpu.memory_space<vmem>>, vector<16xf32>,
        %get3A_290 = arith.index_cast %sub3A_163 : i32 to index
        %get3A_291 = arith.constant 176 : index
        %get3A_292 = tpu.vector_load %arg13[%get3A_290, %get3A_291] {strides = array<i32>} : memref<320x256xf32, #tpu.memory_space<vmem>>, vector<16xf32>,
        %get3A_293 = arith.index_cast %while3A_158 : i32 to index
        %get3A_294 = arith.constant 176 : index
        %get3A_295 = tpu.vector_load %arg8[%get3A_293, %get3A_294] {strides = array<i32>} : memref<32x256xf32, #tpu.memory_space<vmem>>, vector<16xf32>,
        %mul3A_296 = arith.mulf %broadcast_in_dim3A_168, %get3A_295 : vector<16xf32>
        %add3A_297 = arith.addf %get3A_292, %mul3A_296 : vector<16xf32>
        %swap3A_298 = arith.index_cast %sub3A_163 : i32 to index
        %swap3A_299 = arith.constant 176 : index
        %swap3A_300 = tpu.vector_load %arg13[%swap3A_298, %swap3A_299] {strides = array<i32>} : memref<320x256xf32, #tpu.memory_space<vmem>>, vector<16xf32>,
        tpu.vector_store %arg13[%swap3A_298, %swap3A_299], %add3A_297 {strides = array<i32>} : memref<320x256xf32, #tpu.memory_space<vmem>>, vector<16xf32>,
        %get3A_301 = arith.index_cast %sub3A_163 : i32 to index
        %get3A_302 = arith.constant 192 : index
        %get3A_303 = tpu.vector_load %arg13[%get3A_301, %get3A_302] {strides = array<i32>} : memref<320x256xf32, #tpu.memory_space<vmem>>, vector<16xf32>,
        %get3A_304 = arith.index_cast %while3A_158 : i32 to index
        %get3A_305 = arith.constant 192 : index
        %get3A_306 = tpu.vector_load %arg8[%get3A_304, %get3A_305] {strides = array<i32>} : memref<32x256xf32, #tpu.memory_space<vmem>>, vector<16xf32>,
        %mul3A_307 = arith.mulf %broadcast_in_dim3A_168, %get3A_306 : vector<16xf32>
        %add3A_308 = arith.addf %get3A_303, %mul3A_307 : vector<16xf32>
        %swap3A_309 = arith.index_cast %sub3A_163 : i32 to index
        %swap3A_310 = arith.constant 192 : index
        %swap3A_311 = tpu.vector_load %arg13[%swap3A_309, %swap3A_310] {strides = array<i32>} : memref<320x256xf32, #tpu.memory_space<vmem>>, vector<16xf32>,
        tpu.vector_store %arg13[%swap3A_309, %swap3A_310], %add3A_308 {strides = array<i32>} : memref<320x256xf32, #tpu.memory_space<vmem>>, vector<16xf32>,
        %get3A_312 = arith.index_cast %sub3A_163 : i32 to index
        %get3A_313 = arith.constant 208 : index
        %get3A_314 = tpu.vector_load %arg13[%get3A_312, %get3A_313] {strides = array<i32>} : memref<320x256xf32, #tpu.memory_space<vmem>>, vector<16xf32>,
        %get3A_315 = arith.index_cast %while3A_158 : i32 to index
        %get3A_316 = arith.constant 208 : index
        %get3A_317 = tpu.vector_load %arg8[%get3A_315, %get3A_316] {strides = array<i32>} : memref<32x256xf32, #tpu.memory_space<vmem>>, vector<16xf32>,
        %mul3A_318 = arith.mulf %broadcast_in_dim3A_168, %get3A_317 : vector<16xf32>
        %add3A_319 = arith.addf %get3A_314, %mul3A_318 : vector<16xf32>
        %swap3A_320 = arith.index_cast %sub3A_163 : i32 to index
        %swap3A_321 = arith.constant 208 : index
        %swap3A_322 = tpu.vector_load %arg13[%swap3A_320, %swap3A_321] {strides = array<i32>} : memref<320x256xf32, #tpu.memory_space<vmem>>, vector<16xf32>,
        tpu.vector_store %arg13[%swap3A_320, %swap3A_321], %add3A_319 {strides = array<i32>} : memref<320x256xf32, #tpu.memory_space<vmem>>, vector<16xf32>,
        %get3A_323 = arith.index_cast %sub3A_163 : i32 to index
        %get3A_324 = arith.constant 224 : index
        %get3A_325 = tpu.vector_load %arg13[%get3A_323, %get3A_324] {strides = array<i32>} : memref<320x256xf32, #tpu.memory_space<vmem>>, vector<16xf32>,
        %get3A_326 = arith.index_cast %while3A_158 : i32 to index
        %get3A_327 = arith.constant 224 : index
        %get3A_328 = tpu.vector_load %arg8[%get3A_326, %get3A_327] {strides = array<i32>} : memref<32x256xf32, #tpu.memory_space<vmem>>, vector<16xf32>,
        %mul3A_329 = arith.mulf %broadcast_in_dim3A_168, %get3A_328 : vector<16xf32>
        %add3A_330 = arith.addf %get3A_325, %mul3A_329 : vector<16xf32>
        %swap3A_331 = arith.index_cast %sub3A_163 : i32 to index
        %swap3A_332 = arith.constant 224 : index
        %swap3A_333 = tpu.vector_load %arg13[%swap3A_331, %swap3A_332] {strides = array<i32>} : memref<320x256xf32, #tpu.memory_space<vmem>>, vector<16xf32>,
        tpu.vector_store %arg13[%swap3A_331, %swap3A_332], %add3A_330 {strides = array<i32>} : memref<320x256xf32, #tpu.memory_space<vmem>>, vector<16xf32>,
        %get3A_334 = arith.index_cast %sub3A_163 : i32 to index
        %get3A_335 = arith.constant 240 : index
        %get3A_336 = tpu.vector_load %arg13[%get3A_334, %get3A_335] {strides = array<i32>} : memref<320x256xf32, #tpu.memory_space<vmem>>, vector<16xf32>,
        %get3A_337 = arith.index_cast %while3A_158 : i32 to index
        %get3A_338 = arith.constant 240 : index
        %get3A_339 = tpu.vector_load %arg8[%get3A_337, %get3A_338] {strides = array<i32>} : memref<32x256xf32, #tpu.memory_space<vmem>>, vector<16xf32>,
        %mul3A_340 = arith.mulf %broadcast_in_dim3A_168, %get3A_339 : vector<16xf32>
        %add3A_341 = arith.addf %get3A_336, %mul3A_340 : vector<16xf32>
        %swap3A_342 = arith.index_cast %sub3A_163 : i32 to index
        %swap3A_343 = arith.constant 240 : index
        %swap3A_344 = tpu.vector_load %arg13[%swap3A_342, %swap3A_343] {strides = array<i32>} : memref<320x256xf32, #tpu.memory_space<vmem>>, vector<16xf32>,
        tpu.vector_store %arg13[%swap3A_342, %swap3A_343], %add3A_341 {strides = array<i32>} : memref<320x256xf32, #tpu.memory_space<vmem>>, vector<16xf32>,
        %get3A_345 = arith.index_cast %sub3A_163 : i32 to index
        %get3A_346 = arith.constant 0 : index
        %get3A_347 = tpu.vector_load %arg14[%get3A_345, %get3A_346] {strides = array<i32>} : memref<320x16xf32, #tpu.memory_space<vmem>>, vector<16xf32>,
        %add3A_348 = arith.constant 1.000000e+00 : f32
        %add3A_349 = vector.broadcast %add3A_348 : f32 to vector<16xf32>
        %add3A_350 = arith.addf %get3A_347, %add3A_349 : vector<16xf32>
        %swap3A_351 = arith.index_cast %sub3A_163 : i32 to index
        %swap3A_352 = arith.constant 0 : index
        %swap3A_353 = tpu.vector_load %arg14[%swap3A_351, %swap3A_352] {strides = array<i32>} : memref<320x16xf32, #tpu.memory_space<vmem>>, vector<16xf32>,
        tpu.vector_store %arg14[%swap3A_351, %swap3A_352], %add3A_350 {strides = array<i32>} : memref<320x16xf32, #tpu.memory_space<vmem>>, vector<16xf32>,
      }
    }
    %scan3A_103 = arith.constant 0 : i32
    %scan3A_104 = arith.constant 320 : i32
    %scan3A_105 = arith.addi %scan3A_103, %scan3A_104 : i32
    %scan3A_106 = arith.constant 1 : i32
    scf.for %scan3A_108 = %scan3A_103 to %scan3A_105 step %scan3A_106  : i32 {
      %mul3A_109 = arith.constant 1 : i32
      %mul3A_110 = arith.muli %scan3A_108, %mul3A_109 : i32
      %add3A_111 = arith.constant 0 : i32
      %add3A_112 = arith.addi %add3A_111, %mul3A_110 : i32
      %get3A_113 = arith.index_cast %add3A_112 : i32 to index
      %get3A_114 = arith.constant 0 : index
      %get3A_115 = tpu.vector_load %arg14[%get3A_113, %get3A_114] {strides = array<i32>} : memref<320x16xf32, #tpu.memory_space<vmem>>, vector<16xf32>,
      %div3A_116 = arith.constant 1.000000e+00 : f32
      %div3A_117 = vector.broadcast %div3A_116 : f32 to vector<16xf32>
      %div3A_118 = arith.divf %div3A_117, %get3A_115 : vector<16xf32>
      %get3A_119 = arith.index_cast %add3A_112 : i32 to index
      %get3A_120 = arith.constant 0 : index
      %get3A_121 = tpu.vector_load %arg13[%get3A_119, %get3A_120] {strides = array<i32>} : memref<320x256xf32, #tpu.memory_space<vmem>>, vector<16xf32>,
      %mul3A_122 = arith.mulf %get3A_121, %div3A_118 : vector<16xf32>
      %swap3A = arith.index_cast %add3A_112 : i32 to index
      %swap3A_123 = arith.constant 0 : index
      %swap3A_124 = tpu.vector_load %arg13[%swap3A, %swap3A_123] {strides = array<i32>} : memref<320x256xf32, #tpu.memory_space<vmem>>, vector<16xf32>,
      tpu.vector_store %arg13[%swap3A, %swap3A_123], %mul3A_122 {strides = array<i32>} : memref<320x256xf32, #tpu.memory_space<vmem>>, vector<16xf32>,
      %get3A_125 = arith.index_cast %add3A_112 : i32 to index
      %get3A_126 = arith.constant 16 : index
      %get3A_127 = tpu.vector_load %arg13[%get3A_125, %get3A_126] {strides = array<i32>} : memref<320x256xf32, #tpu.memory_space<vmem>>, vector<16xf32>,
      %mul3A_128 = arith.mulf %get3A_127, %div3A_118 : vector<16xf32>
      %swap3A_129 = arith.index_cast %add3A_112 : i32 to index
      %swap3A_130 = arith.constant 16 : index
      %swap3A_131 = tpu.vector_load %arg13[%swap3A_129, %swap3A_130] {strides = array<i32>} : memref<320x256xf32, #tpu.memory_space<vmem>>, vector<16xf32>,
      tpu.vector_store %arg13[%swap3A_129, %swap3A_130], %mul3A_128 {strides = array<i32>} : memref<320x256xf32, #tpu.memory_space<vmem>>, vector<16xf32>,
      %get3A_132 = arith.index_cast %add3A_112 : i32 to index
      %get3A_133 = arith.constant 32 : index
      %get3A_134 = tpu.vector_load %arg13[%get3A_132, %get3A_133] {strides = array<i32>} : memref<320x256xf32, #tpu.memory_space<vmem>>, vector<16xf32>,
      %mul3A_135 = arith.mulf %get3A_134, %div3A_118 : vector<16xf32>
      %swap3A_136 = arith.index_cast %add3A_112 : i32 to index
      %swap3A_137 = arith.constant 32 : index
      %swap3A_138 = tpu.vector_load %arg13[%swap3A_136, %swap3A_137] {strides = array<i32>} : memref<320x256xf32, #tpu.memory_space<vmem>>, vector<16xf32>,
      tpu.vector_store %arg13[%swap3A_136, %swap3A_137], %mul3A_135 {strides = array<i32>} : memref<320x256xf32, #tpu.memory_space<vmem>>, vector<16xf32>,
      %get3A_139 = arith.index_cast %add3A_112 : i32 to index
      %get3A_140 = arith.constant 48 : index
      %get3A_141 = tpu.vector_load %arg13[%get3A_139, %get3A_140] {strides = array<i32>} : memref<320x256xf32, #tpu.memory_space<vmem>>, vector<16xf32>,
      %mul3A_142 = arith.mulf %get3A_141, %div3A_118 : vector<16xf32>
      %swap3A_143 = arith.index_cast %add3A_112 : i32 to index
      %swap3A_144 = arith.constant 48 : index
      %swap3A_145 = tpu.vector_load %arg13[%swap3A_143, %swap3A_144] {strides = array<i32>} : memref<320x256xf32, #tpu.memory_space<vmem>>, vector<16xf32>,
      tpu.vector_store %arg13[%swap3A_143, %swap3A_144], %mul3A_142 {strides = array<i32>} : memref<320x256xf32, #tpu.memory_space<vmem>>, vector<16xf32>,
      %get3A_146 = arith.index_cast %add3A_112 : i32 to index
      %get3A_147 = arith.constant 64 : index
      %get3A_148 = tpu.vector_load %arg13[%get3A_146, %get3A_147] {strides = array<i32>} : memref<320x256xf32, #tpu.memory_space<vmem>>, vector<16xf32>,
      %mul3A_149 = arith.mulf %get3A_148, %div3A_118 : vector<16xf32>
      %swap3A_150 = arith.index_cast %add3A_112 : i32 to index
      %swap3A_151 = arith.constant 64 : index
      %swap3A_152 = tpu.vector_load %arg13[%swap3A_150, %swap3A_151] {strides = array<i32>} : memref<320x256xf32, #tpu.memory_space<vmem>>, vector<16xf32>,
      tpu.vector_store %arg13[%swap3A_150, %swap3A_151], %mul3A_149 {strides = array<i32>} : memref<320x256xf32, #tpu.memory_space<vmem>>, vector<16xf32>,
      %get3A_153 = arith.index_cast %add3A_112 : i32 to index
      %get3A_154 = arith.constant 80 : index
      %get3A_155 = tpu.vector_load %arg13[%get3A_153, %get3A_154] {strides = array<i32>} : memref<320x256xf32, #tpu.memory_space<vmem>>, vector<16xf32>,
      %mul3A_156 = arith.mulf %get3A_155, %div3A_118 : vector<16xf32>
      %swap3A_157 = arith.index_cast %add3A_112 : i32 to index
      %swap3A_158 = arith.constant 80 : index
      %swap3A_159 = tpu.vector_load %arg13[%swap3A_157, %swap3A_158] {strides = array<i32>} : memref<320x256xf32, #tpu.memory_space<vmem>>, vector<16xf32>,
      tpu.vector_store %arg13[%swap3A_157, %swap3A_158], %mul3A_156 {strides = array<i32>} : memref<320x256xf32, #tpu.memory_space<vmem>>, vector<16xf32>,
      %get3A_160 = arith.index_cast %add3A_112 : i32 to index
      %get3A_161 = arith.constant 96 : index
      %get3A_162 = tpu.vector_load %arg13[%get3A_160, %get3A_161] {strides = array<i32>} : memref<320x256xf32, #tpu.memory_space<vmem>>, vector<16xf32>,
      %mul3A_163 = arith.mulf %get3A_162, %div3A_118 : vector<16xf32>
      %swap3A_164 = arith.index_cast %add3A_112 : i32 to index
      %swap3A_165 = arith.constant 96 : index
      %swap3A_166 = tpu.vector_load %arg13[%swap3A_164, %swap3A_165] {strides = array<i32>} : memref<320x256xf32, #tpu.memory_space<vmem>>, vector<16xf32>,
      tpu.vector_store %arg13[%swap3A_164, %swap3A_165], %mul3A_163 {strides = array<i32>} : memref<320x256xf32, #tpu.memory_space<vmem>>, vector<16xf32>,
      %get3A_167 = arith.index_cast %add3A_112 : i32 to index
      %get3A_168 = arith.constant 112 : index
      %get3A_169 = tpu.vector_load %arg13[%get3A_167, %get3A_168] {strides = array<i32>} : memref<320x256xf32, #tpu.memory_space<vmem>>, vector<16xf32>,
      %mul3A_170 = arith.mulf %get3A_169, %div3A_118 : vector<16xf32>
      %swap3A_171 = arith.index_cast %add3A_112 : i32 to index
      %swap3A_172 = arith.constant 112 : index
      %swap3A_173 = tpu.vector_load %arg13[%swap3A_171, %swap3A_172] {strides = array<i32>} : memref<320x256xf32, #tpu.memory_space<vmem>>, vector<16xf32>,
      tpu.vector_store %arg13[%swap3A_171, %swap3A_172], %mul3A_170 {strides = array<i32>} : memref<320x256xf32, #tpu.memory_space<vmem>>, vector<16xf32>,
      %get3A_174 = arith.index_cast %add3A_112 : i32 to index
      %get3A_175 = arith.constant 128 : index
      %get3A_176 = tpu.vector_load %arg13[%get3A_174, %get3A_175] {strides = array<i32>} : memref<320x256xf32, #tpu.memory_space<vmem>>, vector<16xf32>,
      %mul3A_177 = arith.mulf %get3A_176, %div3A_118 : vector<16xf32>
      %swap3A_178 = arith.index_cast %add3A_112 : i32 to index
      %swap3A_179 = arith.constant 128 : index
      %swap3A_180 = tpu.vector_load %arg13[%swap3A_178, %swap3A_179] {strides = array<i32>} : memref<320x256xf32, #tpu.memory_space<vmem>>, vector<16xf32>,
      tpu.vector_store %arg13[%swap3A_178, %swap3A_179], %mul3A_177 {strides = array<i32>} : memref<320x256xf32, #tpu.memory_space<vmem>>, vector<16xf32>,
      %get3A_181 = arith.index_cast %add3A_112 : i32 to index
      %get3A_182 = arith.constant 144 : index
      %get3A_183 = tpu.vector_load %arg13[%get3A_181, %get3A_182] {strides = array<i32>} : memref<320x256xf32, #tpu.memory_space<vmem>>, vector<16xf32>,
      %mul3A_184 = arith.mulf %get3A_183, %div3A_118 : vector<16xf32>
      %swap3A_185 = arith.index_cast %add3A_112 : i32 to index
      %swap3A_186 = arith.constant 144 : index
      %swap3A_187 = tpu.vector_load %arg13[%swap3A_185, %swap3A_186] {strides = array<i32>} : memref<320x256xf32, #tpu.memory_space<vmem>>, vector<16xf32>,
      tpu.vector_store %arg13[%swap3A_185, %swap3A_186], %mul3A_184 {strides = array<i32>} : memref<320x256xf32, #tpu.memory_space<vmem>>, vector<16xf32>,
      %get3A_188 = arith.index_cast %add3A_112 : i32 to index
      %get3A_189 = arith.constant 160 : index
      %get3A_190 = tpu.vector_load %arg13[%get3A_188, %get3A_189] {strides = array<i32>} : memref<320x256xf32, #tpu.memory_space<vmem>>, vector<16xf32>,
      %mul3A_191 = arith.mulf %get3A_190, %div3A_118 : vector<16xf32>
      %swap3A_192 = arith.index_cast %add3A_112 : i32 to index
      %swap3A_193 = arith.constant 160 : index
      %swap3A_194 = tpu.vector_load %arg13[%swap3A_192, %swap3A_193] {strides = array<i32>} : memref<320x256xf32, #tpu.memory_space<vmem>>, vector<16xf32>,
      tpu.vector_store %arg13[%swap3A_192, %swap3A_193], %mul3A_191 {strides = array<i32>} : memref<320x256xf32, #tpu.memory_space<vmem>>, vector<16xf32>,
      %get3A_195 = arith.index_cast %add3A_112 : i32 to index
      %get3A_196 = arith.constant 176 : index
      %get3A_197 = tpu.vector_load %arg13[%get3A_195, %get3A_196] {strides = array<i32>} : memref<320x256xf32, #tpu.memory_space<vmem>>, vector<16xf32>,
      %mul3A_198 = arith.mulf %get3A_197, %div3A_118 : vector<16xf32>
      %swap3A_199 = arith.index_cast %add3A_112 : i32 to index
      %swap3A_200 = arith.constant 176 : index
      %swap3A_201 = tpu.vector_load %arg13[%swap3A_199, %swap3A_200] {strides = array<i32>} : memref<320x256xf32, #tpu.memory_space<vmem>>, vector<16xf32>,
      tpu.vector_store %arg13[%swap3A_199, %swap3A_200], %mul3A_198 {strides = array<i32>} : memref<320x256xf32, #tpu.memory_space<vmem>>, vector<16xf32>,
      %get3A_202 = arith.index_cast %add3A_112 : i32 to index
      %get3A_203 = arith.constant 192 : index
      %get3A_204 = tpu.vector_load %arg13[%get3A_202, %get3A_203] {strides = array<i32>} : memref<320x256xf32, #tpu.memory_space<vmem>>, vector<16xf32>,
      %mul3A_205 = arith.mulf %get3A_204, %div3A_118 : vector<16xf32>
      %swap3A_206 = arith.index_cast %add3A_112 : i32 to index
      %swap3A_207 = arith.constant 192 : index
      %swap3A_208 = tpu.vector_load %arg13[%swap3A_206, %swap3A_207] {strides = array<i32>} : memref<320x256xf32, #tpu.memory_space<vmem>>, vector<16xf32>,
      tpu.vector_store %arg13[%swap3A_206, %swap3A_207], %mul3A_205 {strides = array<i32>} : memref<320x256xf32, #tpu.memory_space<vmem>>, vector<16xf32>,
      %get3A_209 = arith.index_cast %add3A_112 : i32 to index
      %get3A_210 = arith.constant 208 : index
      %get3A_211 = tpu.vector_load %arg13[%get3A_209, %get3A_210] {strides = array<i32>} : memref<320x256xf32, #tpu.memory_space<vmem>>, vector<16xf32>,
      %mul3A_212 = arith.mulf %get3A_211, %div3A_118 : vector<16xf32>
      %swap3A_213 = arith.index_cast %add3A_112 : i32 to index
      %swap3A_214 = arith.constant 208 : index
      %swap3A_215 = tpu.vector_load %arg13[%swap3A_213, %swap3A_214] {strides = array<i32>} : memref<320x256xf32, #tpu.memory_space<vmem>>, vector<16xf32>,
      tpu.vector_store %arg13[%swap3A_213, %swap3A_214], %mul3A_212 {strides = array<i32>} : memref<320x256xf32, #tpu.memory_space<vmem>>, vector<16xf32>,
      %get3A_216 = arith.index_cast %add3A_112 : i32 to index
      %get3A_217 = arith.constant 224 : index
      %get3A_218 = tpu.vector_load %arg13[%get3A_216, %get3A_217] {strides = array<i32>} : memref<320x256xf32, #tpu.memory_space<vmem>>, vector<16xf32>,
      %mul3A_219 = arith.mulf %get3A_218, %div3A_118 : vector<16xf32>
      %swap3A_220 = arith.index_cast %add3A_112 : i32 to index
      %swap3A_221 = arith.constant 224 : index
      %swap3A_222 = tpu.vector_load %arg13[%swap3A_220, %swap3A_221] {strides = array<i32>} : memref<320x256xf32, #tpu.memory_space<vmem>>, vector<16xf32>,
      tpu.vector_store %arg13[%swap3A_220, %swap3A_221], %mul3A_219 {strides = array<i32>} : memref<320x256xf32, #tpu.memory_space<vmem>>, vector<16xf32>,
      %get3A_223 = arith.index_cast %add3A_112 : i32 to index
      %get3A_224 = arith.constant 240 : index
      %get3A_225 = tpu.vector_load %arg13[%get3A_223, %get3A_224] {strides = array<i32>} : memref<320x256xf32, #tpu.memory_space<vmem>>, vector<16xf32>,
      %mul3A_226 = arith.mulf %get3A_225, %div3A_118 : vector<16xf32>
      %swap3A_227 = arith.index_cast %add3A_112 : i32 to index
      %swap3A_228 = arith.constant 240 : index
      %swap3A_229 = tpu.vector_load %arg13[%swap3A_227, %swap3A_228] {strides = array<i32>} : memref<320x256xf32, #tpu.memory_space<vmem>>, vector<16xf32>,
      tpu.vector_store %arg13[%swap3A_227, %swap3A_228], %mul3A_226 {strides = array<i32>} : memref<320x256xf32, #tpu.memory_space<vmem>>, vector<16xf32>,
    }
    %scan3A_107 = arith.constant 320 : i32
    "tpu.region"() ({
      %run_scoped3A = tpu.sem_alloc : memref<!tpu.dma_semaphore, #tpu.memory_space<semaphore_mem>>
      %dma_start3A = arith.constant 0 : i32
      %dma_start3A_108 = tpu.memref_slice %arg6[%mul3A_50, %dma_start3A] : memref<10240x256xf32, #tpu.memory_space<hbm>> -> memref<320x256xf32, #tpu.memory_space<hbm>>
      %dma_start3A_109 = arith.constant 0 : i32
      %dma_start3A_110 = tpu.memref_slice %arg6[%mul3A_50, %dma_start3A_109] : memref<10240x256xf32, #tpu.memory_space<hbm>> -> memref<320x256xf32, #tpu.memory_space<hbm>>
      tpu.enqueue_dma source(%arg13 : memref<320x256xf32, #tpu.memory_space<vmem>>) target(%dma_start3A_110 : memref<320x256xf32, #tpu.memory_space<hbm>>) target_semaphore(%run_scoped3A : memref<!tpu.dma_semaphore, #tpu.memory_space<semaphore_mem>>)
      %dma_wait3A = arith.constant 0 : i32
      %dma_wait3A_111 = tpu.memref_slice %arg6[%mul3A_50, %dma_wait3A] : memref<10240x256xf32, #tpu.memory_space<hbm>> -> memref<320x256xf32, #tpu.memory_space<hbm>>
      %dma_wait3A_112 = arith.constant 0 : i32
      %dma_wait3A_113 = tpu.memref_slice %arg6[%mul3A_50, %dma_wait3A_112] : memref<10240x256xf32, #tpu.memory_space<hbm>> -> memref<320x256xf32, #tpu.memory_space<hbm>>
      tpu.wait_dma2 semaphore(%run_scoped3A : memref<!tpu.dma_semaphore, #tpu.memory_space<semaphore_mem>>) src(%arg13 : memref<320x256xf32, #tpu.memory_space<vmem>>) dst(%dma_wait3A_113 : memref<320x256xf32, #tpu.memory_space<hbm>>)
      tpu.yield
    }) : () -> ()
    return
  }
}

</mosaic_0001>

<sc_bundles>
// kernel: kernel.3.cloned.1.call-start
scs
__scs_entry_jumppad:
0x0: {  	(pc) =	sbr.rel $0x88, $3  }
0x1: {  	(tag) =	ssettag $0x0;
	lr =	simm.s32 $0x1  }
0x2: {  	[smem:$0x3F9D] =	sst lr;
	_ =	strace $0xD0000000  }
0x3: {  	_ = 	snop  }
0x4: {  	_ = 	snop  }
0x5: {  	_ = 	snop  }
0x6: {  	_ = 	snop  }
0x7: {  	_ = 	snop  }
__scs_overlays_trampoline_lowered:
0x8: {  	[smem:$0x3FAC] =	sst s0  }
0x9: {  	[smem:$0x3FAD] =	sst s1  }
0xa: {  	[smem:$0x3FAE] =	sst s2  }
0xb: {  	[smem:$0x3FAF] =	sst s3  }
0xc: {  	[smem:$0x3FB0] =	sst s4  }
0xd: {  	[smem:$0x3FB1] =	sst s5  }
0xe: {  	[smem:$0x3FB2] =	sst s6  }
0xf: {  	[smem:$0x3FB3] =	sst s7  }
0x10: {  	[smem:$0x3FB4] =	sst s8  }
0x11: {  	[smem:$0x3FB5] =	sst s9;
	s0 =	simm.s32 @!p0 $0x0  }
0x12: {  	s1 =	sld [smem:$0x3F9B];
	s0 =	simm.s32 @p0 $0x1  }
0x13: {  	[smem:$0x3FB6] =	sst s0;
	s0 =	simm.s32 @!p1 $0x0  }
0x14: {  	s2 =	sld [smem:$0x3F9A];
	s0 =	simm.s32 @p1 $0x1  }
0x15: {  	[smem:$0x3FB7] =	sst s0;
	s0 =	simm.s32 @!p2 $0x0  }
0x16: {  	s3 =	sld [smem:$0x3FDB];
	s0 =	simm.s32 @p2 $0x1  }
0x17: {  	s4 =	simm.s32 $0x1BF5;
	[smem:$0x3FB9] =	sst s0  }
0x18: {  	s0 =	sld [smem:$0x3F9C];
	_ =	swait.ge [sflag:s4], $0x0  }
0x19: {  	s7 =	sld [smem:$0x3F9D]  }
0x1a: {  	s8 =	sadd.s32 $0xFFFFE003, lr  }
0x1b: {  	s9 =	sadd.s32 $0xFFFFFEF7, lr;
	s5 =	simm.s32 $0xFFFFFFFF;
	p2 =	slt.u32 s8, $0xFFFFF086  }
0x1c: {  	p1 =	slt.u32 s9, $0xF7A;
	s5 =	simm.s32 @!p2 $0x0  }
0x1d: {  	s5 =	simm.s32 @p1 $0x1;
	p0 =	seq.s32 s7, s2  }
0x1e: {  	s7 =	smul.u32 @!p0 $0xF7A, s2;
	p2 =	seq.s32 @!p0 s5, $0x0  }
0x1f: {  	s9 =	smul.u32 $0xF7A, s1;
	s8 =	simm.s32 @!p0 $0x1BF5;
	p2 =	por !p2, p0  }
0x20: {  	[sflag:s8] =	ssyncset.s32 @!p0 $0xFFFFF086;
	s6 =	sadd.s32 @!p0 s3, s7;
	s7 =	simm.s32 @!p0 $0x108  }
0x21: {  	s3 =	sadd.s32 s3, s9;
	s6 =	sadd.s32 @!p0 $0x88, s6;
	s7 =	simm.s32 @p2 $0x1082  }
0x22: {  	[simem:s7], [sflag:s8] =	dma.local @!p0 [hbm:s6], $0xF7A  }
0x23: {  	s9 =	sor.u32 $0xD0000000, s2;
	s6 =	simm.s32 $0x108;
	_ =	swait.ge @!p0 [sflag:s8], $0x0  }
0x24: {  	s3 =	sadd.s32 $0x88, s3;
	s6 =	simm.s32 @!p1 $0x1082;
	[sflag:s4] =	ssyncset.s32 $0xFFFFF086  }
0x25: {  	[simem:s6], [sflag:s4] =	dma.local [hbm:s3], $0xF7A  }
0x26: {  	[smem:$0x3F9D] =	sst s1;
	(tag) =	ssettag s2;
	_ =	strace s9  }
0x27: {  	s1 =	sld [smem:$0x3FAD]  }
0x28: {  	s2 =	sld [smem:$0x3FAE]  }
0x29: {  	s4 =	sld [smem:$0x3FB0]  }
0x2a: {  	p0 =	seq.s32 s5, $0x0;
	s5 =	sld [smem:$0x3FB1]  }
0x2b: {  	s6 =	sld [smem:$0x3FB2]  }
0x2c: {  	s7 =	sld [smem:$0x3FB3]  }
0x2d: {  	s3 =	simm.s32 $0x108;
	s8 =	sld [smem:$0x3FB4]  }
0x2e: {  	s3 =	simm.s32 @!p0 $0x1082;
	s9 =	sld [smem:$0x3FB5]  }
0x2f: {  	lr =	sadd.s32 s0, s3;
	s0 =	sld [smem:$0x3FAC]  }
0x30: {  	s3 =	sld [smem:$0x3FAF]  }
0x31: {  	[smem:$0x3FB8] =	sst s10  }
0x32: {  	s10 =	sld [smem:$0x3FB6];
	_ =	sdelay $0x3  }
0x33: {  	p0 =	seq.s32 s10, $0x1;
	s10 =	sld [smem:$0x3FB8];
	_ =	sdelay $0x3  }
0x34: {  	[smem:$0x3FB8] =	sst s10  }
0x35: {  	s10 =	sld [smem:$0x3FB7];
	_ =	sdelay $0x3  }
0x36: {  	p1 =	seq.s32 s10, $0x1;
	s10 =	sld [smem:$0x3FB8];
	_ =	sdelay $0x3  }
0x37: {  	[smem:$0x3FB8] =	sst s10  }
0x38: {  	s10 =	sld [smem:$0x3FB9]  }
0x39: {  	_ = 	snop;
	(pc) =	sbr.ind lr, $3  }
0x3a: {  	_ = 	snop  }
0x3b: {  	_ = 	snop  }
0x3c: {  	p2 =	seq.s32 s10, $0x1;
	s10 =	sld [smem:$0x3FB8]  }
0x3d: {  	_ =	shalt  }
0x3e: {  	_ =	shalt  }
0x3f: {  	_ =	shalt  }
0x40: {  	_ =	shalt  }
0x41: {  	_ =	shalt  }
0x42: {  	_ =	shalt  }
0x43: {  	_ =	shalt  }
0x44: {  	_ =	shalt  }
0x45: {  	_ =	shalt  }
0x46: {  	_ =	shalt  }
0x47: {  	_ =	shalt  }
0x48: {  	_ =	shalt  }
0x49: {  	_ =	shalt  }
0x4a: {  	_ =	shalt  }
0x4b: {  	_ =	shalt  }
0x4c: {  	_ =	shalt  }
0x4d: {  	_ =	shalt  }
0x4e: {  	_ =	shalt  }
0x4f: {  	_ =	shalt  }
0x50: {  	_ =	shalt  }
0x51: {  	_ =	shalt  }
0x52: {  	_ =	shalt  }
0x53: {  	_ =	shalt  }
0x54: {  	_ =	shalt  }
0x55: {  	_ =	shalt  }
0x56: {  	_ =	shalt  }
0x57: {  	_ =	shalt  }
0x58: {  	_ =	shalt  }
0x59: {  	_ =	shalt  }
0x5a: {  	_ =	shalt  }
0x5b: {  	_ =	shalt  }
0x5c: {  	_ =	shalt  }
0x5d: {  	_ =	shalt  }
0x5e: {  	_ =	shalt  }
0x5f: {  	_ =	shalt  }
0x60: {  	_ =	shalt  }
0x61: {  	_ =	shalt  }
0x62: {  	_ =	shalt  }
0x63: {  	_ =	shalt  }
0x64: {  	_ =	shalt  }
0x65: {  	_ =	shalt  }
0x66: {  	_ =	shalt  }
0x67: {  	_ =	shalt  }
0x68: {  	_ =	shalt  }
0x69: {  	_ =	shalt  }
0x6a: {  	_ =	shalt  }
0x6b: {  	_ =	shalt  }
0x6c: {  	_ =	shalt  }
0x6d: {  	_ =	shalt  }
0x6e: {  	_ =	shalt  }
0x6f: {  	_ =	shalt  }
0x70: {  	_ =	shalt  }
0x71: {  	_ =	shalt  }
0x72: {  	_ =	shalt  }
0x73: {  	_ =	shalt  }
0x74: {  	_ =	shalt  }
0x75: {  	_ =	shalt  }
0x76: {  	_ =	shalt  }
0x77: {  	_ =	shalt  }
0x78: {  	_ =	shalt  }
0x79: {  	_ =	shalt  }
0x7a: {  	_ =	shalt  }
0x7b: {  	_ =	shalt  }
0x7c: {  	_ =	shalt  }
0x7d: {  	_ =	shalt  }
0x7e: {  	_ =	shalt  }
0x7f: {  	_ =	shalt  }
0x80: {  	_ =	shalt  }
0x81: {  	_ =	shalt  }
0x82: {  	_ =	shalt  }
0x83: {  	_ =	shalt  }
0x84: {  	_ =	shalt  }
0x85: {  	_ =	shalt  }
0x86: {  	_ =	shalt  }
0x87: {  	_ =	shalt  }
.Lfunc_end0:
.L_simem_size_0:
called_computation.1_lowered:
.L_overlay_start_0:
0x88: {  	s2 =	sld [smem:$0x3FD9]  }
0x89: {  	s3 =	sld [smem:$0x3FFE];
	_ =	sdelay $0x1  }
0x8a: {  	s1 =	srdreg.scid  }
0x8b: {  	s0 =	sand.u32 $0x1, s1  }
0x8c: {  	s14 =	sshll.u32 s0, $0xA;
	s2 =	sadd.s32 s3, s2  }
0x8d: {  	s2 =	sadd.s32 s2, s14  }
0x8e: {  	[smem:$0x3FC4] =	sst s2  }
0x8f: {  	_ = 	snop  }
0x90: {  	s2 =	sld [smem:$0x3FD0];
	_ =	sdelay $0x2  }
0x91: {  	s4 =	simm.s32 $0xA;
	s5 =	simm.s32 $0x10;
	s15 =	sld [smem:$0x3FC8]  }
0x92: {  	[smem:s5], [sflag:s4] =	dma.local [hbm:s2], $0x1  }
0x93: {  	_ =	swait.eq [sflag:s4], $0x1  }
0x94: {  	[sflag:s4] =	ssyncset.done $0x0  }
0x95: {  	s16 =	sld [smem:$0x10];
	[sflag:s4] =	ssyncadd.s32 $0xFFFFFFFF  }
0x96: {  	s17 =	sld [smem:$0x11];
	(tm) =	ssettm $0x1  }
0x97: {  	s18 =	sld [smem:$0x3FFB];
	_ =	sdelay $0x3  }
0x98: {  	_ =	strace s18  }
0x99: {  	s5 =	sld [smem:$0x3FFC];
	_ =	sdelay $0x3  }
0x9a: {  	_ =	strace s5  }
0x9b: {  	s5 =	sld [smem:$0x3FFD];
	_ =	sdelay $0x3  }
0x9c: {  	_ =	strace s5  }
0x9d: {  	_ =	strace $0x8FFFFFFF  }
0x9e: {  	s19 =	sld [smem:$0x3FDB];
	_ =	sdelay $0x1  }
0x9f: {  	s6 =	simm.s32 $_scs_section_size  }
0xa0: {  	s7 =	simm.s32 $_size__tile_overlayer_lowered;
	s8 =	simm.s32 $_tile_overlayer_lowered  }
0xa1: {  	s22 =	simm.s32 $0x1BFF;
	s21 =	sshll.u32 s8, $0x1;
	s5 =	sadd.s32 s6, s19  }
0xa2: {  	s9 =	simm.s32 $0x0;
	s20 =	sshll.u32 s7, $0x1;
	s7 =	sadd.s32 s21, s5  }
0xa3: {  	[timem:s9], [sflag:s22] =	dma.local [hbm:s7], s20  }
0xa4: {  	_ =	swait.ge [sflag:s22], s20  }
0xa5: {  	s6 =	ssub.s32 $0x0, s20;
	[sflag:s22] =	ssyncset.done $0x0  }
0xa6: {  	[sflag:s22] =	ssyncadd.s32 s6;
	_ =	sdelay $0x1  }
0xa7: {  	s23 =	simm.s32 $0x1B8B  }
0xa8: {  	_ =	swait.ge [sflag:s23], $0x1  }
0xa9: {  	[sflag:s23] =	ssyncset.done $0x0  }
0xaa: {  	s25 =	simm.s32 $0x1B8E;
	s24 =	sld [smem:$0x3FFE];
	[sflag:s23] =	ssyncadd.s32 $0xFFFFFFFF  }
0xab: {  	s26 =	simm.s32 $execute0_lowered;
	[smem:$0x3FD2] =	sst s25  }
0xac: {  	s7 =	sshll.u32 s26, $0x1;
	_ =	strace $0x80000049;
	[dreg:$0x1] =	wrdreg $0xFFFFFFFF  }
0xad: {  	s28 =	simm.s32 $_size_execute0_lowered;
	s5 =	sadd.s32 s5, s7;
	[dreg:$0x0] =	wrdreg $0x0  }
0xae: {  	s7 =	sshll.u32 s28, $0x1;
	[dreg:$0x2] =	wrdreg s5  }
0xaf: {  	[dreg:$0x3] =	wrdreg s7  }
0xb0: {  	[dreg:$0x4] =	wrdreg $0xC0  }
0xb1: {  	_ =	task [dreg:s9], $0x5FFFF  }
0xb2: {  	[dreg:$0x1] =	wrdreg $0xFFFFFFFF  }
0xb3: {  	[dreg:$0x0] =	wrdreg $0x60  }
0xb4: {  	[dreg:$0x2] =	wrdreg s24  }
0xb5: {  	[dreg:$0x3] =	wrdreg s15  }
0xb6: {  	[dreg:$0x4] =	wrdreg s17  }
0xb7: {  	[dreg:$0x5] =	wrdreg s16  }
0xb8: {  	[dreg:$0x6] =	wrdreg $0x9  }
0xb9: {  	_ =	task.clear_ibuf [dreg:s9], $0x7FFFF;
	_ =	strace $0x90000049  }
0xba: {  	s29 =	simm.s32 $0x9;
	_ =	strace $0x8000004B  }
0xbb: {  	_ =	swait.ge [sflag:s29], $0x1  }
0xbc: {  	[sflag:s29] =	ssyncadd.s32 $0xFFFFFFFF  }
0xbd: {  	_ =	strace $0x9000004B  }
0xbe: {  	_ =	sfence  }
0xbf: {  	s30 =	sld [smem:$0x0];
	_ =	sdelay $0x2  }
0xc0: {  	s31 =	sshll.u32 s1, $0xD;
	s1 =	sshrl.u32 s1, $0x2  }
0xc1: {  	s3 =	sand.u32 $0x4000, s31;
	s1 =	sadd.s32 s1, s30  }
0xc2: {  	s0 =	sor.u32 s3, s0;
	s1 =	sshll.u32 s1, $0x11  }
0xc3: {  	s0 =	sor.u32 s1, s0  }
0xc4: {  	s0 =	sadd.s32 $0x8F2B, s0  }
0xc5: {  	[sflag:s0] =	ssyncadd.remote.s32 $0x1  }
0xc6: {  	_ =	sfence.sel $0xFFFF  }
0xc7: {  	[dreg:$0x0] =	wrdreg $0xFFFFFFFF;
	(pc) =	sbr.abs _section_cstart, $3  }
0xc8: {  	[dreg:$0x1] =	wrdreg $0xFFFFFFFF  }
0xc9: {  	_ =	task.clear_ibuf [dreg:s9], $0x2FFFF;
	_ =	strace $0x9FFFFFFF  }
0xca: {  	(tm) =	ssettm $0x7FFFFFFF  }
0xcb: {  	_ =	shalt  }
tec
execute0_lowered:
.L_overlay_start_1:
0x0: {  	(tag) =	ssettag $0x1  }
0x1: {  	s1 =	rddreg [dreg:$0x0];
	s2 =	srdreg.scid  }
0x2: {  	s0 =	rddreg [dreg:$0x1];
	s4 =	stileid.u32;
	s2 =	sand.u32 $0x1, s2  }
0x3: {  	s5 =	simm.s32 $0x0;
	s13 =	simm.s32 $0x1;
	s3 =	sshll.u32 s2, $0x4  }
0x4: {  	s15 =	simm.s32 $0x2000;
	s17 =	simm.s32 $0x0;
	s6 =	sor.u32 s4, s3  }
0x5: {  	[smem:$0x7FF] =	sst s5;
	s2 =	ssub.s32 $0x2, s2;
	s3 =	smul.u32 $0x2800, s6  }
0x6: {  	s7 =	sadd.s32 $0x1600, s1;
	s8 =	sadd.s32 $0x533600, s1;
	s30 =	sshrl.u32 s2, $0x1  }
0x7: {  	_ =	strace $0x8000004A;
	s31 =	ssub.s32 s2, s30;
	s3 =	sadd.s32 s3, s1  }
0x8: {  	v0 =	vimm.f32 $0.0e+00;
	v1 =	vlaneseq.u32;
	s9 =	smul.u32 $0xFFFFFEC0, s6;
	s11 =	smax.u32 s31, $0x1;
	s10 =	sadd.s32 $0x4E3600, s3  }
.LBB2_1:
0x9: {  	s1 =	rddreg [dreg:$0x2];
	s2 =	simm.s32 $0x2060  }
0xa: {  	[tilespmem:s2], [sflag:$0x1] =	stream.linear.gather [hbm4b:s1+s5], $0x108, $0x38;
	[tilespmem:$0x175B0] =	vst v63  }
0xb: {  	_ =	swait.ge [sflag:s13], $0x108  }
0xc: {  	[sflag:s13] =	ssyncset.done $0x0  }
0xd: {  	[sflag:s13] =	ssyncadd.s32 $0xFFFFFEF8  }
0xe: {  	s31 =	simm.s32 $0x2178;
	s30 =	rddreg [dreg:$0x3]  }
0xf: {  	[tilespmem:s31], [sflag:$0x1] =	stream.linear.gather [hbm4b:s30+s5], $0x28, $0x38;
	[tilespmem:$0x175B0] =	vst v63  }
0x10: {  	_ =	swait.ge [sflag:s13], $0x28  }
0x11: {  	[sflag:s13] =	ssyncset.done $0x0  }
0x12: {  	[sflag:s13] =	ssyncadd.s32 $0xFFFFFFD8  }
0x13: {  	v18 =	vld [tilespmem:$0x2160]  }
0x14: {  	v2 =	vld [tilespmem:$0x2060]  }
0x15: {  	v3 =	vld [tilespmem:$0x2070]  }
0x16: {  	v4 =	vld [tilespmem:$0x2080]  }
0x17: {  	v5 =	vld [tilespmem:$0x2090]  }
0x18: {  	v6 =	vld [tilespmem:$0x20A0]  }
0x19: {  	v7 =	vld [tilespmem:$0x20B0]  }
0x1a: {  	v8 =	vld [tilespmem:$0x20C0]  }
0x1b: {  	v9 =	vld [tilespmem:$0x20D0]  }
0x1c: {  	v10 =	vld [tilespmem:$0x20E0]  }
0x1d: {  	v11 =	vld [tilespmem:$0x20F0]  }
0x1e: {  	v12 =	vld [tilespmem:$0x2100]  }
0x1f: {  	v13 =	vld [tilespmem:$0x2110]  }
0x20: {  	v14 =	vld [tilespmem:$0x2120]  }
0x21: {  	v15 =	vld [tilespmem:$0x2130]  }
0x22: {  	s1 =	simm.s32 $0x2230;
	v16 =	vld [tilespmem:$0x2140]  }
0x23: {  	v17 =	vld [tilespmem:$0x2150];
	[tilespmem:s1+$0xFFFFFF90] =	vst v0  }
0x24: {  	[tilespmem:s1+$0xFFFFFFA0] =	vst v0  }
0x25: {  	[tilespmem:s1+$0xFFFFFFB0] =	vst v0  }
0x26: {  	[tilespmem:s1+$0xFFFFFFC0] =	vst v0  }
0x27: {  	[tilespmem:s1+$0xFFFFFFD0] =	vst v0  }
0x28: {  	[tilespmem:s1+$0xFFFFFFE0] =	vst v0  }
0x29: {  	[tilespmem:s1+$0xFFFFFFF0] =	vst v0  }
0x2a: {  	[tilespmem:s1+$0x0] =	vst v0  }
0x2b: {  	[tilespmem:s1+$0x10] =	vst v0  }
0x2c: {  	[tilespmem:s1+$0x20] =	vst v0  }
0x2d: {  	[tilespmem:s1+$0x30] =	vst v0  }
0x2e: {  	[tilespmem:s1+$0x40] =	vst v0  }
0x2f: {  	[tilespmem:s1+$0x50] =	vst v0  }
0x30: {  	[tilespmem:s1+$0x60] =	vst v0  }
0x31: {  	[tilespmem:s1+$0x70] =	vst v0  }
0x32: {  	s3 =	simm.s32 $0x0;
	s2 =	simm.s32 $0x40;
	[tilespmem:s1+$0xFFFFFF80] =	vst v0  }
.LBB2_2:
0x33: {  	p0 =	sne.s32 s2, $0x4FC0;
	[tilespmem:s3+$0x161B0] =	vst v0;
	s1 =	sadd.s32 $0x100, s1  }
0x34: {  	[tilespmem:s1+$0xFFFFFF90] =	vst v0  }
0x35: {  	[tilespmem:s1+$0xFFFFFFA0] =	vst v0  }
0x36: {  	[tilespmem:s1+$0xFFFFFFB0] =	vst v0  }
0x37: {  	[tilespmem:s1+$0xFFFFFFC0] =	vst v0  }
0x38: {  	[tilespmem:s1+$0xFFFFFFD0] =	vst v0  }
0x39: {  	[tilespmem:s1+$0xFFFFFFE0] =	vst v0  }
0x3a: {  	[tilespmem:s1+$0xFFFFFFF0] =	vst v0  }
0x3b: {  	[tilespmem:s1+$0x0] =	vst v0  }
0x3c: {  	[tilespmem:s1+$0x10] =	vst v0  }
0x3d: {  	[tilespmem:s1+$0x20] =	vst v0  }
0x3e: {  	[tilespmem:s1+$0x30] =	vst v0  }
.Ltmp0:
0x3f: {  	[tilespmem:s1+$0x40] =	vst v0;
	(pc) =	sbr.rel @p0 .LBB2_2-.Ltmp0, $4  }
0x40: {  	[tilespmem:s1+$0x50] =	vst v0  }
0x41: {  	[tilespmem:s1+$0x60] =	vst v0  }
0x42: {  	[tilespmem:s1+$0x70] =	vst v0  }
0x43: {  	s3 =	sshra.s32 s2, $0x2;
	s2 =	sadd.s32 $0x40, s2;
	[tilespmem:s1+$0xFFFFFF80] =	vst v0  }
0x44: {  	[tilespmem:s3+$0x161B0] =	vst v0  }
0x45: {  	v19 =	vld [tilespmem:s6+$0x2178];
	_ =	sdelay $0x1  }
0x46: {  	v20 =	vld [tilespmem:s6+$0x2179];
	_ =	sdelay $0x1  }
0x47: {  	(v2sf) =	vpush v18, $0x0  }
0x48: {  	(v2sf) =	vpush v19, $0x0;
	_ =	sdelay $0x1  }
0x49: {  	(v2sf) =	vpush v20, $0x0;
	_ =	sdelay $0xb  }
0x4a: {  	s18 =	spop (v2sf)  }
0x4b: {  	s19 =	spop (v2sf)  }
0x4c: {  	s4 =	simm.s32 $0x1;
	s3 =	simm.s32 $0x1;
	s1 =	sshra.s32 s19, $0x1F  }
0x4d: {  	s20 =	spop (v2sf);
	s2 =	sand.u32 $0x1F, s19;
	p0 =	slt.s32 s19, $0x1  }
0x4e: {  	s1 =	sshrl.u32 s1, $0x1B;
	s29 =	sadd.s32 $0x1F, s20;
	p1 =	sne.s32 s2, $0x0  }
0x4f: {  	s1 =	sadd.s32 s1, s19;
	s30 =	sand.u32 $0x1F, s29;
	p0 =	por !p0, !p1  }
0x50: {  	p6 =	slt.s32 s29, $0x1;
	s31 =	sshra.s32 s29, $0x1F;
	p2 =	sne.s32 s30, $0x0  }
0x51: {  	s1 =	sshra.s32 s1, $0x5;
	s2 =	sshrl.u32 s31, $0x1B;
	p1 =	por !p6, !p2  }
0x52: {  	p0 =	por !p0, !p0;
	s2 =	sadd.s32 s2, s29;
	p1 =	por !p1, !p1  }
0x53: {  	s4 =	simm.s32 @!p0 $0x0;
	s2 =	sshra.s32 s2, $0x5;
	s3 =	simm.s32 @!p1 $0x0  }
0x54: {  	s21 =	ssub.s32 s1, s4;
	s22 =	ssub.s32 s2, s3  }
0x55: {  	p0 =	sge.s32 s21, s22  }
.Ltmp1:
0x56: {  	_ = 	snop;
	(pc) =	sbr.rel @p0 .LBB2_14-.Ltmp1, $1  }
0x57: {  	_ =	sdelay $0x3  }
.Ltmp2:
0x58: {  	(pc) =	sbr.rel .LBB2_5-.Ltmp2, $3  }
0x59: {  	_ =	sdelay $0x1  }
0x5a: {  	s1 =	sshll.u32 s21, $0x5  }
0x5b: {  	s23 =	ssub.s32 s19, s1  }
.LBB2_12:
0x5c: {  	[tilespmem:s2+$0x161B0] =	vst v18  }
.LBB2_13:
0x5d: {  	s21 =	sadd.s32 $0x1, s21  }
0x5e: {  	p0 =	slt.s32 s21, s22  }
.Ltmp3:
0x5f: {  	_ = 	snop;
	(pc) =	sbr.rel @!p0 .LBB2_14-.Ltmp3, $2  }
0x60: {  	_ =	sdelay $0x2  }
0x61: {  	s23 =	sadd.s32 $0xFFFFFFE0, s23  }
.LBB2_5:
0x62: {  	s1 =	sshll.u32 s21, $0xA  }
0x63: {  	s1 =	sand.u32 $0x1FFFFC00, s1  }
0x64: {  	s2 =	simm.s32 $0x0;
	s1 =	sadd.s32 s7, s1  }
0x65: {  	[tilespmem:s2], [sflag:$0x1] =	stream.linear.gather [hbm4b:s1+s2], $0x2000, $0x38;
	[tilespmem:$0x175B0] =	vst v63  }
0x66: {  	s26 =	sshll.u32 s21, $0x5;
	_ =	swait.ge [sflag:s13], $0x2000  }
0x67: {  	s28 =	sshrl.u32 s26, $0x3;
	[sflag:s13] =	ssyncset.done $0x0  }
0x68: {  	s16 =	sadd.s32 s0, s28;
	[sflag:s13] =	ssyncadd.s32 $0xFFFFE000  }
0x69: {  	[tilespmem:s15], [sflag:$0x1] =	stream.linear.gather [hbm4b:s16+s2], $0x20, $0x38;
	[tilespmem:$0x175B0] =	vst v63  }
0x6a: {  	_ =	swait.ge [sflag:s13], $0x20  }
0x6b: {  	[sflag:s13] =	ssyncset.done $0x0  }
0x6c: {  	s24 =	simm.s32 $0x80;
	[sflag:s13] =	ssyncadd.s32 $0xFFFFFFE0  }
0x6d: {  	v18 =	vld [tilespmem:s24+$0xFFFFFF80];
	_ =	sdelay $0x1  }
0x6e: {  	v19 =	vld [tilespmem:s24+$0xFFFFFF90];
	_ =	sdelay $0x1  }
0x6f: {  	v20 =	vld [tilespmem:s24+$0xFFFFFFA0]  }
0x70: {  	v21 =	vld [tilespmem:s24+$0xFFFFFFB0];
	v18 =	vmul.f32 v18, v2  }
0x71: {  	v22 =	vld [tilespmem:s24+$0xFFFFFFC0]  }
0x72: {  	v23 =	vld [tilespmem:s24+$0xFFFFFFD0];
	v19 =	vmul.f32 v19, v3;
	v18 =	vadd.f32 $0.0e+00, v18  }
0x73: {  	v24 =	vld [tilespmem:s24+$0xFFFFFFE0]  }
0x74: {  	v25 =	vld [tilespmem:s24+$0xFFFFFFF0];
	v18 =	vadd.f32 v19, v18;
	v19 =	vmul.f32 v20, v4  }
0x75: {  	s3 =	simm.s32 $0x180;
	v26 =	vld [tilespmem:s24+$0x0]  }
0x76: {  	v27 =	vld [tilespmem:s3+$0xFFFFFF80];
	v18 =	vadd.f32 v19, v18;
	v19 =	vmul.f32 v21, v5  }
0x77: {  	v28 =	vld [tilespmem:s3+$0xFFFFFF90]  }
0x78: {  	v29 =	vld [tilespmem:s3+$0xFFFFFFA0];
	v18 =	vadd.f32 v19, v18;
	v19 =	vmul.f32 v22, v6  }
0x79: {  	v30 =	vld [tilespmem:s3+$0xFFFFFFB0]  }
0x7a: {  	v31 =	vld [tilespmem:s3+$0xFFFFFFC0];
	v18 =	vadd.f32 v19, v18;
	v19 =	vmul.f32 v23, v7  }
0x7b: {  	v32 =	vld [tilespmem:s3+$0xFFFFFFD0]  }
0x7c: {  	v33 =	vld [tilespmem:s3+$0xFFFFFFE0];
	v18 =	vadd.f32 v19, v18;
	v19 =	vmul.f32 v24, v8  }
0x7d: {  	v20 =	vld [tilespmem:s24+$0x10]  }
0x7e: {  	v34 =	vld [tilespmem:s3+$0xFFFFFFF0];
	v18 =	vadd.f32 v19, v18;
	v19 =	vmul.f32 v25, v9  }
0x7f: {  	s25 =	simm.s32 $0x280;
	v21 =	vld [tilespmem:s24+$0x20];
	v25 =	vmul.f32 v27, v2  }
0x80: {  	v60 =	vld [tilespmem:s25+$0xFFFFFFB0];
	v26 =	vmul.f32 v26, v10;
	v18 =	vadd.f32 v19, v18  }
0x81: {  	v22 =	vld [tilespmem:s24+$0x30];
	v19 =	vadd.f32 $0.0e+00, v25;
	v25 =	vmul.f32 v28, v3  }
0x82: {  	v20 =	vmul.f32 v20, v11;
	v23 =	vld [tilespmem:s24+$0x40];
	v18 =	vadd.f32 v26, v18  }
0x83: {  	v19 =	vadd.f32 v25, v19;
	v25 =	vmul.f32 v29, v4;
	v29 =	vld [tilespmem:s25+$0xFFFFFF80]  }
0x84: {  	v21 =	vmul.f32 v21, v12;
	v24 =	vld [tilespmem:s24+$0x50];
	v18 =	vadd.f32 v20, v18  }
0x85: {  	v19 =	vadd.f32 v25, v19;
	v20 =	vmul.f32 v30, v5;
	v30 =	vld [tilespmem:s25+$0xFFFFFF90]  }
0x86: {  	v22 =	vmul.f32 v22, v13;
	v27 =	vld [tilespmem:s24+$0x60];
	v18 =	vadd.f32 v21, v18  }
0x87: {  	v19 =	vadd.f32 v20, v19;
	v20 =	vmul.f32 v31, v6;
	v31 =	vld [tilespmem:s25+$0xFFFFFFA0]  }
0x88: {  	v61 =	vld [tilespmem:s25+$0xFFFFFFC0];
	v23 =	vmul.f32 v23, v14;
	v29 =	vmul.f32 v29, v2;
	v18 =	vadd.f32 v22, v18  }
0x89: {  	v28 =	vld [tilespmem:s24+$0x70];
	v24 =	vmul.f32 v24, v15;
	v19 =	vadd.f32 v20, v19;
	v20 =	vmul.f32 v32, v7  }
0x8a: {  	v26 =	vld [tilespmem:s3+$0x0];
	v29 =	vadd.f32 $0.0e+00, v29;
	v30 =	vmul.f32 v30, v3;
	v18 =	vadd.f32 v23, v18  }
0x8b: {  	v27 =	vmul.f32 v27, v16;
	v25 =	vld [tilespmem:s3+$0x10];
	v19 =	vadd.f32 v20, v19;
	v20 =	vmul.f32 v33, v8  }
0x8c: {  	v21 =	vld [tilespmem:s3+$0x20];
	v29 =	vadd.f32 v30, v29;
	v30 =	vmul.f32 v31, v4;
	v18 =	vadd.f32 v24, v18  }
0x8d: {  	v31 =	vld [tilespmem:s25+$0xFFFFFFD0];
	v19 =	vadd.f32 v20, v19;
	v20 =	vmul.f32 v34, v9  }
0x8e: {  	v22 =	vld [tilespmem:s3+$0x30];
	v18 =	vadd.f32 v27, v18;
	v27 =	vadd.f32 v30, v29;
	v29 =	vmul.f32 v60, v5  }
0x8f: {  	v26 =	vmul.f32 v26, v10;
	v19 =	vadd.f32 v20, v19;
	v30 =	vld [tilespmem:s25+$0xFFFFFFE0]  }
0x90: {  	v28 =	vmul.f32 v28, v17;
	v27 =	vadd.f32 v29, v27;
	v29 =	vmul.f32 v61, v6  }
0x91: {  	v62 =	vld [tilespmem:s25+$0xFFFFFFF0];
	v25 =	vmul.f32 v25, v11;
	v19 =	vadd.f32 v26, v19  }
0x92: {  	v23 =	vld [tilespmem:s3+$0x40];
	v18 =	vadd.f32 v28, v18;
	v28 =	vmul.f32 v31, v7;
	v27 =	vadd.f32 v29, v27  }
0x93: {  	v21 =	vmul.f32 v21, v12;
	v19 =	vadd.f32 v25, v19;
	v25 =	vld [tilespmem:s25+$0x0]  }
0x94: {  	(xrf2) =	vadd.scan.msk.f32 $0xffff, v18;
	v18 =	vmul.f32 v22, v13;
	v22 =	vadd.f32 v28, v27;
	v27 =	vmul.f32 v30, v8  }
0x95: {  	v24 =	vld [tilespmem:s3+$0x50]  }
0x96: {  	v20 =	vld [tilespmem:s3+$0x60];
	v19 =	vadd.f32 v21, v19;
	v22 =	vadd.f32 v27, v22;
	v27 =	vmul.f32 v62, v9  }
0x97: {  	s30 =	simm.s32 $0x380;
	v23 =	vmul.f32 v23, v14;
	v21 =	vld [tilespmem:s25+$0x10]  }
0x98: {  	v29 =	vld [tilespmem:s30+$0xFFFFFF80];
	v18 =	vadd.f32 v18, v19;
	v25 =	vmul.f32 v25, v10;
	v22 =	vadd.f32 v27, v22;
	_ =	sdelay $0x1  }
0x99: {  	v24 =	vmul.f32 v24, v15;
	v18 =	vadd.f32 v23, v18;
	v22 =	vadd.f32 v25, v22  }
0x9a: {  	v26 =	vld [tilespmem:s3+$0x70]  }
0x9b: {  	v20 =	vmul.f32 v20, v16;
	v21 =	vmul.f32 v21, v11;
	v18 =	vadd.f32 v24, v18  }
0x9c: {  	v23 =	vmul.f32 v29, v2;
	v29 =	vld [tilespmem:s25+$0x30]  }
0x9d: {  	v18 =	vadd.f32 v20, v18;
	v20 =	vadd.f32 v21, v22;
	v22, _, _ =	vpop (xrf2)  }
0x9e: {  	v28 =	vld [tilespmem:s30+$0xFFFFFF90];
	(v2sf) =	vpush v22, $0xF  }
0x9f: {  	v30 =	vld [tilespmem:s30+$0xFFFFFFA0];
	v26 =	vmul.f32 v26, v17  }
0xa0: {  	v19 =	vld [tilespmem:s25+$0x20]  }
0xa1: {  	v22 =	vmul.f32 v29, v13;
	v29 =	vadd.f32 v26, v18  }
0xa2: {  	v27 =	vld [tilespmem:s30+$0xFFFFFFB0]  }
0xa3: {  	v23 =	vadd.f32 $0.0e+00, v23;
	v24 =	vmul.f32 v28, v3;
	v25 =	vld [tilespmem:s30+$0xFFFFFFC0];
	(xrf2) =	vadd.scan.msk.f32 $0xffff, v29  }
0xa4: {  	v28 =	vld [tilespmem:s25+$0x40]  }
0xa5: {  	v19 =	vmul.f32 v19, v12;
	v23 =	vadd.f32 v24, v23;
	v24 =	vmul.f32 v30, v4;
	v30 =	vld [tilespmem:s25+$0x50]  }
0xa6: {  	v21 =	vld [tilespmem:s30+$0xFFFFFFD0]  }
0xa7: {  	p0 =	sgt.s32 s23, $0x0;
	s3 =	smov.u32 s23;
	v31 =	vld [tilespmem:s25+$0x60];
	v27 =	vmul.f32 v27, v5;
	v23 =	vadd.f32 v24, v23;
	v20 =	vadd.f32 v19, v20  }
0xa8: {  	s12 =	simm.s32 $0x480;
	s3 =	simm.s32 @!p0 $0x0;
	v24 =	vld [tilespmem:s30+$0xFFFFFFE0];
	v26 =	vmul.f32 v25, v6  }
0xa9: {  	s31 =	simm.s32 $0x4;
	s4 =	sshll.u32 s3, $0x2;
	s3 =	sshll.u32 s3, $0xA;
	v19 =	vld [tilespmem:s25+$0x70];
	v63 =	vmul.f32 v28, v14;
	v23 =	vadd.f32 v27, v23;
	v20 =	vadd.f32 v22, v20  }
0xaa: {  	s14 =	simm.s32 $0x5;
	s4 =	sshra.s32 s4, $0x2;
	s3 =	sshra.s32 s3, $0x2;
	v25 =	vld [tilespmem:s30+$0xFFFFFFF0];
	v22 =	vmul.f32 v30, v15  }
0xab: {  	s1 =	simm.s32 $0x2;
	s24 =	sadd.s32 $0x2030, s4;
	s29 =	sor.u32 $0x80, s3;
	v28 =	vmul.f32 v21, v7;
	v27 =	vadd.f32 v26, v23;
	v26 =	vld [tilespmem:s30+$0x0];
	v23 =	vadd.f32 v63, v20  }
0xac: {  	s3 =	simm.s32 $0x1;
	s25 =	sadd.s32 $0x2000, s4;
	s4 =	simm.s32 $0x3;
	v18 =	vimm.f32 $0.0e+00;
	v29 =	vld [tilespmem:s12+$0xFFFFFF80];
	v21 =	vmul.f32 v31, v16;
	v20 =	vmov s2  }
.LBB2_6:
0xad: {  	p0 =	sne.s32 s14, $0xF;
	v27 =	vadd.f32 v28, v27;
	v24 =	vmul.f32 v24, v8;
	v28 =	vld [tilespmem:s30+$0x10];
	v22 =	vadd.f32 v22, v23;
	v23, _, _ =	vpop (xrf2);
	s16 =	spop (v2sf);
	s2 =	smov.u32 s4  }
0xae: {  	vm0 =	veq.s32 v20, v1;
	s4 =	smov.u32 s31;
	s31 =	smov.u32 s14;
	v30 =	vld [tilespmem:s12+$0xFFFFFF90];
	v19 =	vmul.f32 v19, v17;
	(v2sf) =	vpush v23, $0xF;
	s16 =	sadd.f32 s16, s18  }
0xaf: {  	v20 =	vadd.f32 v24, v27;
	v23 =	vmul.f32 v25, v9;
	v24 =	vld [tilespmem:s30+$0x20];
	v21 =	vadd.f32 v21, v22  }
0xb0: {  	v22 =	vld [tilespmem:s12+$0xFFFFFFA0];
	v25 =	vmul.f32 v26, v10;
	v18 =	vsel vm0, s16, v18  }
0xb1: {  	v26 =	vmul.f32 v29, v2;
	v20 =	vadd.f32 v23, v20;
	v23 =	vld [tilespmem:s30+$0x30];
	v19 =	vadd.f32 v19, v21  }
0xb2: {  	v21 =	vld [tilespmem:s12+$0xFFFFFFB0];
	v27 =	vmul.f32 v28, v11  }
0xb3: {  	v26 =	vadd.f32 $0.0e+00, v26;
	v28 =	vmul.f32 v30, v3;
	v20 =	vadd.f32 v25, v20;
	v25 =	vld [tilespmem:s30+$0x40];
	(xrf2) =	vadd.scan.msk.f32 $0xffff, v19  }
0xb4: {  	v19 =	vld [tilespmem:s12+$0xFFFFFFC0];
	v24 =	vmul.f32 v24, v12  }
0xb5: {  	v26 =	vadd.f32 v28, v26;
	v22 =	vmul.f32 v22, v4;
	v20 =	vadd.f32 v27, v20;
	v27 =	vld [tilespmem:s30+$0x50]  }
0xb6: {  	v28 =	vld [tilespmem:s12+$0xFFFFFFD0];
	v23 =	vmul.f32 v23, v13  }
0xb7: {  	v22 =	vadd.f32 v22, v26;
	v21 =	vmul.f32 v21, v5;
	v20 =	vadd.f32 v24, v20;
	v30 =	vld [tilespmem:s30+$0x60]  }
.Ltmp4:
0xb8: {  	v24 =	vld [tilespmem:s12+$0xFFFFFFE0];
	v29 =	vmul.f32 v25, v14;
	(pc) =	sbr.rel @p0 .LBB2_6-.Ltmp4, $4  }
0xb9: {  	v21 =	vadd.f32 v21, v22;
	v26 =	vmul.f32 v19, v6;
	v20 =	vadd.f32 v23, v20;
	v19 =	vld [tilespmem:s30+$0x70];
	s30 =	smov.u32 s12  }
0xba: {  	v25 =	vld [tilespmem:s12+$0xFFFFFFF0];
	v22 =	vmul.f32 v27, v15  }
0xbb: {  	s12 =	sadd.s32 $0x100, s12;
	v27 =	vadd.f32 v26, v21;
	v28 =	vmul.f32 v28, v7;
	v26 =	vld [tilespmem:s30+$0x0];
	v23 =	vadd.f32 v29, v20  }
0xbc: {  	s14 =	sadd.s32 $0x1, s14;
	v20 =	vmov s3;
	s3 =	smov.u32 s1;
	s1 =	smov.u32 s2;
	v29 =	vld [tilespmem:s12+$0xFFFFFF80];
	v21 =	vmul.f32 v30, v16  }
0xbd: {  	_ = 	snop  }
0xbe: {  	v30 =	vld [tilespmem:s12+$0xFFFFFF90];
	_ =	sdelay $0x1  }
0xbf: {  	v31 =	vld [tilespmem:s12+$0xFFFFFFA0]  }
0xc0: {  	v29 =	vmul.f32 v29, v2  }
0xc1: {  	v32 =	vld [tilespmem:s12+$0xFFFFFFB0]  }
0xc2: {  	v30 =	vmul.f32 v30, v3;
	v29 =	vadd.f32 $0.0e+00, v29  }
0xc3: {  	v33 =	vld [tilespmem:s12+$0xFFFFFFC0]  }
0xc4: {  	v29 =	vadd.f32 v30, v29;
	v30 =	vmul.f32 v31, v4  }
0xc5: {  	v31 =	vld [tilespmem:s12+$0xFFFFFFD0]  }
0xc6: {  	v29 =	vadd.f32 v30, v29;
	v30 =	vmul.f32 v32, v5  }
0xc7: {  	v53 =	vld [tilespmem:s12+$0xFFFFFFE0]  }
0xc8: {  	v29 =	vadd.f32 v30, v29;
	v30 =	vmul.f32 v33, v6  }
0xc9: {  	v54 =	vld [tilespmem:s12+$0xFFFFFFF0]  }
0xca: {  	v29 =	vadd.f32 v30, v29;
	v30 =	vmul.f32 v31, v7  }
0xcb: {  	v27 =	vadd.f32 v28, v27;
	v24 =	vmul.f32 v24, v8;
	v28 =	vld [tilespmem:s12+$0x0]  }
0xcc: {  	v31 =	vld [tilespmem:s30+$0x10];
	v29 =	vadd.f32 v30, v29;
	v30 =	vmul.f32 v53, v8  }
0xcd: {  	v24 =	vadd.f32 v24, v27;
	v25 =	vmul.f32 v25, v9;
	v27 =	vld [tilespmem:s12+$0x10]  }
0xce: {  	v55 =	vld [tilespmem:s30+$0x20];
	v29 =	vadd.f32 v30, v29;
	v30 =	vmul.f32 v54, v9  }
0xcf: {  	v26 =	vmul.f32 v26, v10;
	v24 =	vadd.f32 v25, v24;
	v25 =	vld [tilespmem:s12+$0x20]  }
0xd0: {  	v56 =	vld [tilespmem:s30+$0x30];
	v28 =	vmul.f32 v28, v10;
	v29 =	vadd.f32 v30, v29  }
0xd1: {  	v24 =	vadd.f32 v26, v24;
	v26 =	vld [tilespmem:s12+$0x30];
	v30 =	vmul.f32 v31, v11  }
0xd2: {  	v27 =	vmul.f32 v27, v11;
	v31 =	vld [tilespmem:s30+$0x40];
	v28 =	vadd.f32 v28, v29  }
0xd3: {  	v29 =	vmul.f32 v55, v12;
	v24 =	vadd.f32 v30, v24;
	v30 =	vld [tilespmem:s12+$0x40]  }
0xd4: {  	v57 =	vld [tilespmem:s30+$0x50];
	v25 =	vmul.f32 v25, v12;
	v27 =	vadd.f32 v27, v28  }
0xd5: {  	v28 =	vmul.f32 v56, v13;
	v24 =	vadd.f32 v29, v24;
	v29 =	vld [tilespmem:s12+$0x50]  }
0xd6: {  	v58 =	vld [tilespmem:s30+$0x60];
	v26 =	vmul.f32 v26, v13;
	v25 =	vadd.f32 v25, v27  }
0xd7: {  	v27 =	vmul.f32 v31, v14;
	v24 =	vadd.f32 v28, v24;
	v28 =	vld [tilespmem:s12+$0x60]  }
0xd8: {  	v31 =	vld [tilespmem:s30+$0x70];
	v30 =	vmul.f32 v30, v14;
	v25 =	vadd.f32 v26, v25  }
0xd9: {  	v26 =	vmul.f32 v57, v15;
	v24 =	vadd.f32 v27, v24;
	v27 =	vld [tilespmem:s12+$0x70]  }
0xda: {  	v22 =	vadd.f32 v22, v23;
	v23 =	vmul.f32 v29, v15;
	v25 =	vadd.f32 v30, v25  }
0xdb: {  	v19 =	vmul.f32 v19, v17;
	v29 =	vmul.f32 v58, v16;
	v24 =	vadd.f32 v26, v24  }
0xdc: {  	v21 =	vadd.f32 v21, v22;
	v22 =	vmul.f32 v28, v16;
	v23 =	vadd.f32 v23, v25  }
0xdd: {  	v25 =	vmul.f32 v31, v17;
	v24 =	vadd.f32 v29, v24  }
0xde: {  	v19 =	vadd.f32 v19, v21;
	v21 =	vmul.f32 v27, v17;
	v22 =	vadd.f32 v22, v23  }
0xdf: {  	v23 =	vadd.f32 v25, v24  }
0xe0: {  	(xrf2) =	vadd.scan.msk.f32 $0xffff, v19;
	v19 =	vadd.f32 v21, v22  }
0xe1: {  	(xrf2) =	vadd.scan.msk.f32 $0xffff, v23  }
0xe2: {  	(xrf2) =	vadd.scan.msk.f32 $0xffff, v19;
	_ =	sdelay $0x6  }
0xe3: {  	v19, _, _ =	vpop (xrf2)  }
0xe4: {  	v21, _, _ =	vpop (xrf2);
	(v2sf) =	vpush v19, $0xF  }
0xe5: {  	(v2sf) =	vpush v21, $0xF;
	v19, _, _ =	vpop (xrf2)  }
0xe6: {  	(v2sf) =	vpush v19, $0xF;
	v19, _, _ =	vpop (xrf2)  }
0xe7: {  	(v2sf) =	vpush v19, $0xF;
	_ =	sdelay $0xa  }
0xe8: {  	s2 =	spop (v2sf)  }
0xe9: {  	s2 =	sadd.f32 s2, s18;
	s16 =	spop (v2sf)  }
0xea: {  	vm0 =	veq.s32 v20, v1;
	v19 =	vmov s3;
	s14 =	spop (v2sf);
	s12 =	sadd.f32 s16, s18  }
0xeb: {  	v18 =	vsel vm0, s2, v18;
	vm12 =	veq.s32 v19, v1;
	v19 =	vmov s1;
	s2 =	sadd.f32 s14, s18;
	s16 =	spop (v2sf)  }
0xec: {  	vm13 =	veq.s32 v19, v1;
	v19 =	vmov s4;
	v18 =	vsel vm12, s12, v18;
	s14 =	sadd.f32 s16, s18;
	s16 =	spop (v2sf)  }
0xed: {  	vm14 =	veq.s32 v19, v1;
	v19 =	vmov s31;
	v18 =	vsel vm13, s2, v18;
	s3 =	sadd.f32 s16, s18  }
0xee: {  	vm15 =	veq.s32 v19, v1;
	v18 =	vsel vm14, s14, v18  }
0xef: {  	v18 =	vsel vm15, s3, v18  }
0xf0: {  	v18 =	vsub.f32 $0.0e+00, v18;
	_ =	sdelay $0x1  }
0xf1: {  	v18 =	vmul.f32 $1.442695020e+00, v18;
	_ =	sdelay $0x1  }
0xf2: {  	(erf) = vpow2.f32 v18;
	_ =	sdelay $0x8  }
0xf3: {  	v18 =	vpop (erf)  }
0xf4: {  	v18 =	vadd.f32 $1.000000000e+00, v18;
	_ =	sdelay $0x1  }
0xf5: {  	(erf) = vrcp.f32 v18;
	_ =	sdelay $0x8  }
0xf6: {  	v18 =	vpop (erf)  }
0xf7: {  	s4 =	simm.s32 $0x10F0;
	[tilespmem:$0x2030] =	vst v18  }
0xf8: {  	v18 =	vld [tilespmem:s4+$0xFFFFFF10];
	_ =	sdelay $0x1  }
0xf9: {  	v19 =	vld [tilespmem:s4+$0xFFFFFF20];
	_ =	sdelay $0x1  }
0xfa: {  	v20 =	vld [tilespmem:s4+$0xFFFFFF30]  }
0xfb: {  	v18 =	vmul.f32 v18, v2  }
0xfc: {  	v21 =	vld [tilespmem:s4+$0xFFFFFF40]  }
0xfd: {  	v22 =	vld [tilespmem:s4+$0xFFFFFF50];
	v19 =	vmul.f32 v19, v3;
	v18 =	vadd.f32 $0.0e+00, v18  }
0xfe: {  	v23 =	vld [tilespmem:s4+$0xFFFFFF60]  }
0xff: {  	v24 =	vld [tilespmem:s4+$0xFFFFFF70];
	v18 =	vadd.f32 v19, v18;
	v19 =	vmul.f32 v20, v4  }
0x100: {  	s12 =	simm.s32 $0x11F0;
	v25 =	vld [tilespmem:s4+$0xFFFFFF80]  }
0x101: {  	v26 =	vld [tilespmem:s12+$0xFFFFFF10];
	v18 =	vadd.f32 v19, v18;
	v19 =	vmul.f32 v21, v5  }
0x102: {  	v27 =	vld [tilespmem:s12+$0xFFFFFF20]  }
0x103: {  	v28 =	vld [tilespmem:s12+$0xFFFFFF30];
	v18 =	vadd.f32 v19, v18;
	v19 =	vmul.f32 v22, v6  }
0x104: {  	v29 =	vld [tilespmem:s12+$0xFFFFFF40]  }
0x105: {  	v30 =	vld [tilespmem:s12+$0xFFFFFF50];
	v18 =	vadd.f32 v19, v18;
	v19 =	vmul.f32 v23, v7  }
0x106: {  	v20 =	vld [tilespmem:s4+$0xFFFFFF90]  }
0x107: {  	v31 =	vld [tilespmem:s12+$0xFFFFFF60];
	v18 =	vadd.f32 v19, v18;
	v19 =	vmul.f32 v24, v8  }
0x108: {  	v26 =	vmul.f32 v26, v2;
	v21 =	vld [tilespmem:s4+$0xFFFFFFA0]  }
0x109: {  	v59 =	vld [tilespmem:s12+$0xFFFFFF70];
	v18 =	vadd.f32 v19, v18;
	v19 =	vmul.f32 v25, v9  }
0x10a: {  	v27 =	vmul.f32 v27, v3;
	v26 =	vadd.f32 $0.0e+00, v26;
	v22 =	vld [tilespmem:s4+$0xFFFFFFB0]  }
0x10b: {  	v60 =	vld [tilespmem:s12+$0xFFFFFF80];
	v20 =	vmul.f32 v20, v10;
	v18 =	vadd.f32 v19, v18  }
0x10c: {  	s14 =	simm.s32 $0x12F0;
	v26 =	vadd.f32 v27, v26;
	v27 =	vmul.f32 v28, v4;
	v23 =	vld [tilespmem:s4+$0xFFFFFFC0]  }
0x10d: {  	v28 =	vld [tilespmem:s14+$0xFFFFFF10];
	v21 =	vmul.f32 v21, v11;
	v18 =	vadd.f32 v20, v18  }
0x10e: {  	v26 =	vadd.f32 v27, v26;
	v27 =	vmul.f32 v29, v5;
	v24 =	vld [tilespmem:s4+$0xFFFFFFD0]  }
0x10f: {  	v29 =	vld [tilespmem:s14+$0xFFFFFF20];
	v22 =	vmul.f32 v22, v12;
	v18 =	vadd.f32 v21, v18  }
0x110: {  	v26 =	vadd.f32 v27, v26;
	v27 =	vmul.f32 v30, v6;
	v25 =	vld [tilespmem:s4+$0xFFFFFFE0]  }
0x111: {  	v30 =	vld [tilespmem:s14+$0xFFFFFF30];
	v23 =	vmul.f32 v23, v13;
	v18 =	vadd.f32 v22, v18  }
0x112: {  	v26 =	vadd.f32 v27, v26;
	v27 =	vmul.f32 v31, v7;
	v19 =	vld [tilespmem:s4+$0xFFFFFFF0]  }
0x113: {  	v28 =	vmul.f32 v28, v2;
	v24 =	vmul.f32 v24, v14;
	v20 =	vld [tilespmem:s4+$0x0];
	v18 =	vadd.f32 v23, v18  }
0x114: {  	v26 =	vadd.f32 v27, v26;
	v27 =	vmul.f32 v59, v8;
	v21 =	vld [tilespmem:s12+$0xFFFFFF90]  }
0x115: {  	v61 =	vld [tilespmem:s14+$0xFFFFFF50];
	v28 =	vadd.f32 $0.0e+00, v28;
	v25 =	vmul.f32 v25, v15;
	v18 =	vadd.f32 v24, v18  }
0x116: {  	v29 =	vmul.f32 v29, v3;
	v26 =	vadd.f32 v27, v26;
	v27 =	vmul.f32 v60, v9;
	v22 =	vld [tilespmem:s12+$0xFFFFFFA0]  }
0x117: {  	v31 =	vld [tilespmem:s14+$0xFFFFFF40];
	v19 =	vmul.f32 v19, v16;
	v18 =	vadd.f32 v25, v18  }
0x118: {  	v28 =	vadd.f32 v29, v28;
	v29 =	vmul.f32 v30, v4;
	v26 =	vadd.f32 v27, v26;
	v23 =	vld [tilespmem:s12+$0xFFFFFFB0]  }
0x119: {  	v30 =	vld [tilespmem:s14+$0xFFFFFF60];
	v20 =	vmul.f32 v20, v17;
	v21 =	vmul.f32 v21, v10;
	v18 =	vadd.f32 v19, v18  }
0x11a: {  	v24 =	vld [tilespmem:s12+$0xFFFFFFC0]  }
0x11b: {  	v27 =	vld [tilespmem:s12+$0xFFFFFFF0];
	v21 =	vadd.f32 v21, v26;
	v22 =	vmul.f32 v22, v11;
	v18 =	vadd.f32 v20, v18  }
0x11c: {  	v25 =	vld [tilespmem:s12+$0xFFFFFFD0];
	v20 =	vadd.f32 v29, v28;
	v28 =	vmul.f32 v31, v5  }
0x11d: {  	s30 =	simm.s32 $0x13F0;
	v23 =	vmul.f32 v23, v12;
	v21 =	vadd.f32 v22, v21;
	v29 =	vld [tilespmem:s14+$0xFFFFFF70];
	(xrf2) =	vadd.scan.msk.f32 $0xffff, v18  }
0x11e: {  	v22 =	vld [tilespmem:s30+$0xFFFFFF10];
	v18 =	vadd.f32 v28, v20;
	v20 =	vmul.f32 v61, v6  }
0x11f: {  	v24 =	vmul.f32 v24, v13;
	v21 =	vadd.f32 v23, v21;
	v28 =	vld [tilespmem:s14+$0xFFFFFF80]  }
0x120: {  	v19 =	vld [tilespmem:s12+$0xFFFFFFE0];
	v18 =	vadd.f32 v20, v18;
	v20 =	vmul.f32 v30, v7  }
0x121: {  	v31 =	vld [tilespmem:s14+$0xFFFFFF90];
	v25 =	vmul.f32 v25, v14;
	v21 =	vadd.f32 v24, v21  }
0x122: {  	v23 =	vld [tilespmem:s30+$0xFFFFFF20];
	v18 =	vadd.f32 v20, v18;
	v20 =	vmul.f32 v29, v8  }
0x123: {  	v21 =	vadd.f32 v25, v21;
	v30 =	vld [tilespmem:s14+$0xFFFFFFA0]  }
0x124: {  	v24 =	vld [tilespmem:s30+$0xFFFFFF30];
	v18 =	vadd.f32 v20, v18;
	v20 =	vmul.f32 v28, v9  }
0x125: {  	v22 =	vmul.f32 v22, v2;
	v19 =	vmul.f32 v19, v15  }
0x126: {  	v26 =	vld [tilespmem:s12+$0x0];
	v25 =	vmul.f32 v31, v10;
	v18 =	vadd.f32 v20, v18  }
0x127: {  	v22 =	vadd.f32 $0.0e+00, v22;
	v23 =	vmul.f32 v23, v3;
	v19 =	vadd.f32 v19, v21;
	v21, _, _ =	vpop (xrf2)  }
0x128: {  	v30 =	vmul.f32 v30, v11;
	v18 =	vadd.f32 v25, v18;
	(v2sf) =	vpush v21, $0xF  }
0x129: {  	v21 =	vadd.f32 v23, v22;
	v22 =	vmul.f32 v24, v4;
	v24 =	vmul.f32 v27, v16  }
0x12a: {  	v18 =	vadd.f32 v30, v18  }
0x12b: {  	v30 =	vmul.f32 v26, v17;
	v21 =	vadd.f32 v22, v21;
	v22 =	vadd.f32 v24, v19  }
0x12c: {  	v29 =	vld [tilespmem:s14+$0xFFFFFFB0]  }
0x12d: {  	v28 =	vld [tilespmem:s14+$0xFFFFFFC0];
	v30 =	vadd.f32 v30, v22  }
0x12e: {  	v20 =	vld [tilespmem:s30+$0xFFFFFF40]  }
0x12f: {  	v31 =	vld [tilespmem:s14+$0xFFFFFFD0];
	(xrf2) =	vadd.scan.msk.f32 $0xffff, v30  }
0x130: {  	v25 =	vld [tilespmem:s30+$0xFFFFFF50]  }
0x131: {  	v23 =	vld [tilespmem:s14+$0xFFFFFFE0];
	v27 =	vmul.f32 v29, v12  }
0x132: {  	v29 =	vld [tilespmem:s30+$0xFFFFFF60]  }
0x133: {  	v62 =	vld [tilespmem:s14+$0xFFFFFFF0];
	v20 =	vmul.f32 v20, v5;
	v24 =	vmul.f32 v28, v13;
	v27 =	vadd.f32 v27, v18  }
0x134: {  	v31 =	vmul.f32 v31, v14;
	v26 =	vld [tilespmem:s30+$0xFFFFFF70]  }
0x135: {  	v19 =	vld [tilespmem:s14+$0x0];
	v20 =	vadd.f32 v20, v21;
	v21 =	vmul.f32 v25, v6;
	v63 =	vadd.f32 v24, v27  }
0x136: {  	s1 =	simm.s32 $0x2;
	v24 =	vld [tilespmem:s30+$0xFFFFFF80];
	v22 =	vmul.f32 v23, v15  }
0x137: {  	s31 =	simm.s32 $0x4;
	s16 =	simm.s32 $0x0;
	s4 =	simm.s32 $0x14F0;
	v25 =	vld [tilespmem:s30+$0xFFFFFF90];
	v28 =	vmul.f32 v29, v7;
	v27 =	vadd.f32 v21, v20;
	v23 =	vadd.f32 v31, v63  }
0x138: {  	s2 =	simm.s32 $0x1;
	s3 =	simm.s32 $0x3;
	s12 =	simm.s32 $0x5;
	v18 =	vimm.f32 $0.0e+00;
	v29 =	vld [tilespmem:s4+$0xFFFFFF10];
	v21 =	vmul.f32 v62, v16;
	v20 =	vmov s16  }
.LBB2_8:
0x139: {  	p0 =	sne.s32 s12, $0xF;
	v27 =	vadd.f32 v28, v27;
	v26 =	vmul.f32 v26, v8;
	v28 =	vld [tilespmem:s30+$0xFFFFFFA0];
	v22 =	vadd.f32 v22, v23;
	v23, _, _ =	vpop (xrf2);
	s16 =	spop (v2sf);
	s14 =	smov.u32 s3  }
0x13a: {  	vm0 =	veq.s32 v20, v1;
	s3 =	smov.u32 s31;
	s31 =	smov.u32 s12;
	v30 =	vld [tilespmem:s4+$0xFFFFFF20];
	v19 =	vmul.f32 v19, v17;
	(v2sf) =	vpush v23, $0xF;
	s16 =	sadd.f32 s16, s18  }
0x13b: {  	v20 =	vadd.f32 v26, v27;
	v23 =	vmul.f32 v24, v9;
	v24 =	vld [tilespmem:s30+$0xFFFFFFB0];
	v21 =	vadd.f32 v21, v22  }
0x13c: {  	v22 =	vld [tilespmem:s4+$0xFFFFFF30];
	v25 =	vmul.f32 v25, v10;
	v18 =	vsel vm0, s16, v18  }
0x13d: {  	v26 =	vmul.f32 v29, v2;
	v20 =	vadd.f32 v23, v20;
	v23 =	vld [tilespmem:s30+$0xFFFFFFC0];
	v19 =	vadd.f32 v19, v21  }
0x13e: {  	v21 =	vld [tilespmem:s4+$0xFFFFFF40];
	v27 =	vmul.f32 v28, v11  }
0x13f: {  	v26 =	vadd.f32 $0.0e+00, v26;
	v28 =	vmul.f32 v30, v3;
	v20 =	vadd.f32 v25, v20;
	v25 =	vld [tilespmem:s30+$0xFFFFFFD0];
	(xrf2) =	vadd.scan.msk.f32 $0xffff, v19  }
0x140: {  	v19 =	vld [tilespmem:s4+$0xFFFFFF50];
	v24 =	vmul.f32 v24, v12  }
0x141: {  	v26 =	vadd.f32 v28, v26;
	v22 =	vmul.f32 v22, v4;
	v20 =	vadd.f32 v27, v20;
	v27 =	vld [tilespmem:s30+$0xFFFFFFE0]  }
0x142: {  	v28 =	vld [tilespmem:s4+$0xFFFFFF60];
	v23 =	vmul.f32 v23, v13  }
0x143: {  	v22 =	vadd.f32 v22, v26;
	v21 =	vmul.f32 v21, v5;
	v20 =	vadd.f32 v24, v20;
	v30 =	vld [tilespmem:s30+$0xFFFFFFF0]  }
.Ltmp5:
0x144: {  	v26 =	vld [tilespmem:s4+$0xFFFFFF70];
	v29 =	vmul.f32 v25, v14;
	(pc) =	sbr.rel @p0 .LBB2_8-.Ltmp5, $4  }
0x145: {  	v21 =	vadd.f32 v21, v22;
	v25 =	vmul.f32 v19, v6;
	v20 =	vadd.f32 v23, v20;
	v19 =	vld [tilespmem:s30+$0x0];
	s30 =	smov.u32 s4  }
0x146: {  	v24 =	vld [tilespmem:s4+$0xFFFFFF80];
	v22 =	vmul.f32 v27, v15  }
0x147: {  	s4 =	sadd.s32 $0x100, s4;
	v27 =	vadd.f32 v25, v21;
	v28 =	vmul.f32 v28, v7;
	v25 =	vld [tilespmem:s30+$0xFFFFFF90];
	v23 =	vadd.f32 v29, v20  }
0x148: {  	s12 =	sadd.s32 $0x1, s12;
	v20 =	vmov s2;
	s2 =	smov.u32 s1;
	s1 =	smov.u32 s14;
	v29 =	vld [tilespmem:s4+$0xFFFFFF10];
	v21 =	vmul.f32 v30, v16  }
0x149: {  	_ = 	snop  }
0x14a: {  	v30 =	vld [tilespmem:s4+$0xFFFFFF20];
	_ =	sdelay $0x1  }
0x14b: {  	v31 =	vld [tilespmem:s4+$0xFFFFFF30]  }
0x14c: {  	v29 =	vmul.f32 v29, v2  }
0x14d: {  	v32 =	vld [tilespmem:s4+$0xFFFFFF40]  }
0x14e: {  	v30 =	vmul.f32 v30, v3;
	v29 =	vadd.f32 $0.0e+00, v29  }
0x14f: {  	v33 =	vld [tilespmem:s4+$0xFFFFFF50]  }
0x150: {  	v61 =	vmul.f32 v31, v4;
	v29 =	vadd.f32 v30, v29  }
0x151: {  	v62 =	vld [tilespmem:s4+$0xFFFFFF60]  }
0x152: {  	v63 =	vmul.f32 v32, v5;
	v29 =	vadd.f32 v61, v29  }
0x153: {  	v36 =	vld [tilespmem:s4+$0xFFFFFF70]  }
0x154: {  	v37 =	vmul.f32 v33, v6;
	v29 =	vadd.f32 v63, v29  }
0x155: {  	v38 =	vld [tilespmem:s4+$0xFFFFFF80]  }
0x156: {  	v39 =	vmul.f32 v62, v7;
	v29 =	vadd.f32 v37, v29  }
0x157: {  	v27 =	vadd.f32 v28, v27;
	v26 =	vmul.f32 v26, v8;
	v40 =	vld [tilespmem:s4+$0xFFFFFF90]  }
0x158: {  	v41 =	vld [tilespmem:s30+$0xFFFFFFA0];
	v42 =	vmul.f32 v36, v8;
	v29 =	vadd.f32 v39, v29  }
0x159: {  	v43 =	vld [tilespmem:s4+$0xFFFFFFA0];
	v26 =	vadd.f32 v26, v27;
	v24 =	vmul.f32 v24, v9  }
0x15a: {  	v44 =	vld [tilespmem:s30+$0xFFFFFFB0];
	v45 =	vmul.f32 v38, v9;
	v29 =	vadd.f32 v42, v29  }
0x15b: {  	v46 =	vld [tilespmem:s4+$0xFFFFFFB0];
	v25 =	vmul.f32 v25, v10;
	v24 =	vadd.f32 v24, v26  }
0x15c: {  	v47 =	vld [tilespmem:s30+$0xFFFFFFC0];
	v28 =	vmul.f32 v40, v10;
	v29 =	vadd.f32 v45, v29  }
0x15d: {  	v48 =	vld [tilespmem:s4+$0xFFFFFFC0];
	v24 =	vadd.f32 v25, v24;
	v30 =	vmul.f32 v41, v11  }
0x15e: {  	v49 =	vld [tilespmem:s30+$0xFFFFFFD0];
	v27 =	vmul.f32 v43, v11;
	v28 =	vadd.f32 v28, v29  }
0x15f: {  	v50 =	vld [tilespmem:s4+$0xFFFFFFD0];
	v31 =	vmul.f32 v44, v12;
	v24 =	vadd.f32 v30, v24  }
0x160: {  	v51 =	vld [tilespmem:s30+$0xFFFFFFE0];
	v26 =	vmul.f32 v46, v12;
	v27 =	vadd.f32 v27, v28  }
0x161: {  	v52 =	vld [tilespmem:s4+$0xFFFFFFE0];
	v32 =	vmul.f32 v47, v13;
	v24 =	vadd.f32 v31, v24  }
0x162: {  	v53 =	vld [tilespmem:s30+$0xFFFFFFF0];
	v25 =	vmul.f32 v48, v13;
	v26 =	vadd.f32 v26, v27  }
0x163: {  	v54 =	vld [tilespmem:s4+$0xFFFFFFF0];
	v24 =	vadd.f32 v32, v24;
	v29 =	vmul.f32 v49, v14  }
0x164: {  	v55 =	vld [tilespmem:s30+$0x0];
	v30 =	vmul.f32 v50, v14;
	v25 =	vadd.f32 v25, v26  }
0x165: {  	v56 =	vld [tilespmem:s4+$0x0];
	v28 =	vmul.f32 v51, v15;
	v24 =	vadd.f32 v29, v24  }
0x166: {  	v22 =	vadd.f32 v22, v23;
	v58 =	vmul.f32 v52, v15;
	v57 =	vadd.f32 v30, v25  }
0x167: {  	v19 =	vmul.f32 v19, v17;
	v27 =	vmul.f32 v53, v16;
	v24 =	vadd.f32 v28, v24  }
0x168: {  	v21 =	vadd.f32 v21, v22;
	v59 =	vmul.f32 v54, v16;
	v23 =	vadd.f32 v58, v57  }
0x169: {  	v60 =	vmul.f32 v55, v17;
	v24 =	vadd.f32 v27, v24  }
0x16a: {  	v19 =	vadd.f32 v19, v21;
	v61 =	vmul.f32 v56, v17;
	v22 =	vadd.f32 v59, v23  }
0x16b: {  	v62 =	vadd.f32 v60, v24  }
0x16c: {  	(xrf2) =	vadd.scan.msk.f32 $0xffff, v19;
	v19 =	vadd.f32 v61, v22  }
0x16d: {  	(xrf2) =	vadd.scan.msk.f32 $0xffff, v62  }
0x16e: {  	(xrf2) =	vadd.scan.msk.f32 $0xffff, v19;
	_ =	sdelay $0x6  }
0x16f: {  	v19, _, _ =	vpop (xrf2)  }
0x170: {  	v63, _, _ =	vpop (xrf2);
	(v2sf) =	vpush v19, $0xF  }
0x171: {  	v19, _, _ =	vpop (xrf2);
	(v2sf) =	vpush v63, $0xF  }
0x172: {  	(v2sf) =	vpush v19, $0xF;
	v19, _, _ =	vpop (xrf2)  }
0x173: {  	(v2sf) =	vpush v19, $0xF;
	_ =	sdelay $0xa  }
0x174: {  	s14 =	spop (v2sf)  }
0x175: {  	s4 =	sadd.f32 s14, s18;
	s12 =	spop (v2sf)  }
0x176: {  	vm0 =	veq.s32 v20, v1;
	v19 =	vmov s2;
	s14 =	spop (v2sf);
	s16 =	sadd.f32 s12, s18  }
0x177: {  	v18 =	vsel vm0, s4, v18;
	vm12 =	veq.s32 v19, v1;
	v19 =	vmov s1;
	s30 =	spop (v2sf);
	s14 =	sadd.f32 s14, s18  }
0x178: {  	vm13 =	veq.s32 v19, v1;
	v19 =	vmov s3;
	v18 =	vsel vm12, s16, v18;
	s16 =	sadd.f32 s30, s18;
	s30 =	spop (v2sf)  }
0x179: {  	vm14 =	veq.s32 v19, v1;
	v19 =	vmov s31;
	v18 =	vsel vm13, s14, v18;
	s31 =	sadd.f32 s30, s18  }
0x17a: {  	vm15 =	veq.s32 v19, v1;
	v18 =	vsel vm14, s16, v18  }
0x17b: {  	v18 =	vsel vm15, s31, v18  }
0x17c: {  	v18 =	vsub.f32 $0.0e+00, v18;
	_ =	sdelay $0x1  }
0x17d: {  	v18 =	vmul.f32 $1.442695020e+00, v18;
	_ =	sdelay $0x1  }
0x17e: {  	(erf) = vpow2.f32 v18;
	_ =	sdelay $0x8  }
0x17f: {  	v18 =	vpop (erf)  }
0x180: {  	v18 =	vadd.f32 $1.000000000e+00, v18;
	_ =	sdelay $0x1  }
0x181: {  	(erf) = vrcp.f32 v18;
	_ =	sdelay $0x8  }
0x182: {  	p0 =	sgt.s32 s19, s26;
	v18 =	vpop (erf)  }
0x183: {  	s2 =	simm.s32 @!p0 $0x0;
	s1 =	sadd.s32 @!p0 s8, s28;
	s3 =	simm.s32 @!p0 $0x2030;
	[tilespmem:$0x2040] =	vst v18  }
0x184: {  	[hbm4b:s1+s2] =	stream.linear.scatter @!p0 [tilespmem:s3], [sflag:$0x1], $0x20, $0x38;
	[tilespmem:$0x175B0] =	vst v63  }
0x185: {  	s1 =	ssub.s32 s19, s26;
	s26 =	ssub.s32 s20, s26  }
0x186: {  	p1 =	sgt.s32 s1, $0x0;
	p2 =	slt.s32 s26, $0x20  }
0x187: {  	s1 =	simm.s32 @!p1 $0x0;
	s26 =	simm.s32 @!p2 $0x20  }
0x188: {  	p1 =	sge.s32 s1, s26  }
.Ltmp6:
0x189: {  	_ = 	snop;
	(pc) =	sbr.rel @p1 .LBB2_13-.Ltmp6, $4  }
0x18a: {  	s2 =	simm.s32 @!p0 $0x1  }
0x18b: {  	_ =	swait.ge @!p0 [sflag:s2], $0x20  }
0x18c: {  	[sflag:s2] =	ssyncset.done @!p0 $0x0  }
0x18d: {  	[sflag:s2] =	ssyncadd.s32 @!p0 $0xFFFFFFE0  }
0x18e: {  	v18 =	vld [tilespmem:s25+$0x0];
	_ =	sdelay $0x4  }
0x18f: {  	(v2sf) =	vpush v18, $0x0;
	_ =	sdelay $0xe  }
0x190: {  	s2 =	spop (v2sf)  }
0x191: {  	v19 =	vld [tilespmem:s29+$0xFFFFFF80];
	s2 =	sadd.s32 s9, s2  }
0x192: {  	v18 =	vld.msk [tilespmem:s24+$0x0 ss:$0x0], $0xffff;
	s3 =	sshll.u32 s2, $0xA  }
0x193: {  	s3 =	sshra.s32 s3, $0x2  }
0x194: {  	v20 =	vld [tilespmem:s3+$0x21B0];
	_ =	sdelay $0x2  }
0x195: {  	v19 =	vmul.f32 v19, v18;
	_ =	sdelay $0x1  }
0x196: {  	v19 =	vadd.f32 v19, v20;
	_ =	sdelay $0x1  }
0x197: {  	[tilespmem:s3+$0x21B0] =	vst v19  }
0x198: {  	v19 =	vld [tilespmem:s29+$0xFFFFFF90];
	_ =	sdelay $0x1  }
0x199: {  	v20 =	vld [tilespmem:s3+$0x21C0];
	_ =	sdelay $0x2  }
0x19a: {  	v19 =	vmul.f32 v19, v18;
	_ =	sdelay $0x1  }
0x19b: {  	v19 =	vadd.f32 v19, v20;
	_ =	sdelay $0x1  }
0x19c: {  	[tilespmem:s3+$0x21C0] =	vst v19  }
0x19d: {  	v19 =	vld [tilespmem:s29+$0xFFFFFFA0];
	_ =	sdelay $0x1  }
0x19e: {  	v20 =	vld [tilespmem:s3+$0x21D0];
	_ =	sdelay $0x2  }
0x19f: {  	v19 =	vmul.f32 v19, v18;
	_ =	sdelay $0x1  }
0x1a0: {  	v19 =	vadd.f32 v19, v20;
	_ =	sdelay $0x1  }
0x1a1: {  	[tilespmem:s3+$0x21D0] =	vst v19  }
0x1a2: {  	v19 =	vld [tilespmem:s29+$0xFFFFFFB0];
	_ =	sdelay $0x1  }
0x1a3: {  	v20 =	vld [tilespmem:s3+$0x21E0];
	_ =	sdelay $0x2  }
0x1a4: {  	v19 =	vmul.f32 v19, v18;
	_ =	sdelay $0x1  }
0x1a5: {  	v19 =	vadd.f32 v19, v20;
	_ =	sdelay $0x1  }
0x1a6: {  	[tilespmem:s3+$0x21E0] =	vst v19  }
0x1a7: {  	v19 =	vld [tilespmem:s29+$0xFFFFFFC0];
	_ =	sdelay $0x1  }
0x1a8: {  	v20 =	vld [tilespmem:s3+$0x21F0];
	_ =	sdelay $0x2  }
0x1a9: {  	v19 =	vmul.f32 v19, v18;
	_ =	sdelay $0x1  }
0x1aa: {  	v19 =	vadd.f32 v19, v20;
	_ =	sdelay $0x1  }
0x1ab: {  	[tilespmem:s3+$0x21F0] =	vst v19  }
0x1ac: {  	v19 =	vld [tilespmem:s29+$0xFFFFFFD0];
	_ =	sdelay $0x1  }
0x1ad: {  	v20 =	vld [tilespmem:s3+$0x2200];
	_ =	sdelay $0x2  }
0x1ae: {  	v19 =	vmul.f32 v19, v18;
	_ =	sdelay $0x1  }
0x1af: {  	v19 =	vadd.f32 v19, v20;
	_ =	sdelay $0x1  }
0x1b0: {  	[tilespmem:s3+$0x2200] =	vst v19  }
0x1b1: {  	v19 =	vld [tilespmem:s29+$0xFFFFFFE0];
	_ =	sdelay $0x1  }
0x1b2: {  	v20 =	vld [tilespmem:s3+$0x2210];
	_ =	sdelay $0x2  }
0x1b3: {  	v19 =	vmul.f32 v19, v18;
	_ =	sdelay $0x1  }
0x1b4: {  	v19 =	vadd.f32 v19, v20;
	_ =	sdelay $0x1  }
0x1b5: {  	[tilespmem:s3+$0x2210] =	vst v19  }
0x1b6: {  	v19 =	vld [tilespmem:s29+$0xFFFFFFF0];
	_ =	sdelay $0x1  }
0x1b7: {  	v20 =	vld [tilespmem:s3+$0x2220];
	_ =	sdelay $0x2  }
0x1b8: {  	v19 =	vmul.f32 v19, v18;
	_ =	sdelay $0x1  }
0x1b9: {  	v19 =	vadd.f32 v19, v20;
	_ =	sdelay $0x1  }
0x1ba: {  	[tilespmem:s3+$0x2220] =	vst v19  }
0x1bb: {  	v19 =	vld [tilespmem:s29+$0x0];
	_ =	sdelay $0x1  }
0x1bc: {  	v20 =	vld [tilespmem:s3+$0x2230];
	_ =	sdelay $0x2  }
0x1bd: {  	v19 =	vmul.f32 v19, v18;
	_ =	sdelay $0x1  }
0x1be: {  	v19 =	vadd.f32 v19, v20;
	_ =	sdelay $0x1  }
0x1bf: {  	[tilespmem:s3+$0x2230] =	vst v19  }
0x1c0: {  	v19 =	vld [tilespmem:s29+$0x10];
	_ =	sdelay $0x1  }
0x1c1: {  	v20 =	vld [tilespmem:s3+$0x2240];
	_ =	sdelay $0x2  }
0x1c2: {  	v19 =	vmul.f32 v19, v18;
	_ =	sdelay $0x1  }
0x1c3: {  	v19 =	vadd.f32 v19, v20;
	_ =	sdelay $0x1  }
0x1c4: {  	[tilespmem:s3+$0x2240] =	vst v19  }
0x1c5: {  	v19 =	vld [tilespmem:s29+$0x20];
	_ =	sdelay $0x1  }
0x1c6: {  	v20 =	vld [tilespmem:s3+$0x2250];
	_ =	sdelay $0x2  }
0x1c7: {  	v19 =	vmul.f32 v19, v18;
	_ =	sdelay $0x1  }
0x1c8: {  	v19 =	vadd.f32 v19, v20;
	_ =	sdelay $0x1  }
0x1c9: {  	[tilespmem:s3+$0x2250] =	vst v19  }
0x1ca: {  	v19 =	vld [tilespmem:s29+$0x30];
	_ =	sdelay $0x1  }
0x1cb: {  	v20 =	vld [tilespmem:s3+$0x2260];
	_ =	sdelay $0x2  }
0x1cc: {  	v19 =	vmul.f32 v19, v18;
	_ =	sdelay $0x1  }
0x1cd: {  	v19 =	vadd.f32 v19, v20;
	_ =	sdelay $0x1  }
0x1ce: {  	[tilespmem:s3+$0x2260] =	vst v19  }
0x1cf: {  	v19 =	vld [tilespmem:s29+$0x40];
	_ =	sdelay $0x1  }
0x1d0: {  	v20 =	vld [tilespmem:s3+$0x2270];
	_ =	sdelay $0x2  }
0x1d1: {  	v19 =	vmul.f32 v19, v18;
	_ =	sdelay $0x1  }
0x1d2: {  	v19 =	vadd.f32 v19, v20;
	_ =	sdelay $0x1  }
0x1d3: {  	[tilespmem:s3+$0x2270] =	vst v19  }
0x1d4: {  	v19 =	vld [tilespmem:s29+$0x50];
	_ =	sdelay $0x1  }
0x1d5: {  	v20 =	vld [tilespmem:s3+$0x2280];
	_ =	sdelay $0x2  }
0x1d6: {  	v19 =	vmul.f32 v19, v18;
	_ =	sdelay $0x1  }
0x1d7: {  	v19 =	vadd.f32 v19, v20;
	_ =	sdelay $0x1  }
0x1d8: {  	[tilespmem:s3+$0x2280] =	vst v19  }
0x1d9: {  	v19 =	vld [tilespmem:s29+$0x60];
	_ =	sdelay $0x1  }
0x1da: {  	v20 =	vld [tilespmem:s3+$0x2290];
	_ =	sdelay $0x2  }
0x1db: {  	v19 =	vmul.f32 v19, v18;
	_ =	sdelay $0x1  }
0x1dc: {  	v19 =	vadd.f32 v19, v20;
	_ =	sdelay $0x1  }
0x1dd: {  	[tilespmem:s3+$0x2290] =	vst v19  }
0x1de: {  	v19 =	vld [tilespmem:s29+$0x70];
	_ =	sdelay $0x1  }
0x1df: {  	v20 =	vld [tilespmem:s3+$0x22A0];
	_ =	sdelay $0x2  }
0x1e0: {  	v18 =	vmul.f32 v19, v18;
	_ =	sdelay $0x1  }
0x1e1: {  	v18 =	vadd.f32 v18, v20  }
0x1e2: {  	s2 =	sshll.u32 s2, $0x6  }
0x1e3: {  	s2 =	sshra.s32 s2, $0x2;
	[tilespmem:s3+$0x22A0] =	vst v18  }
0x1e4: {  	s28 =	sadd.s32 $0x1, s1;
	v18 =	vld [tilespmem:s2+$0x161B0]  }
0x1e5: {  	p0 =	slt.s32 s28, s26  }
.Ltmp7:
0x1e6: {  	_ = 	snop;
	(pc) =	sbr.rel @!p0 .LBB2_12-.Ltmp7, $3  }
0x1e7: {  	_ =	sdelay $0x1  }
0x1e8: {  	v18 =	vadd.f32 $1.000000000e+00, v18  }
0x1e9: {  	s29 =	sadd.s32 $0x100, s29  }
.LBB2_11:
0x1ea: {  	s28 =	sadd.s32 $0x1, s28;
	[tilespmem:s2+$0x161B0] =	vst v18;
	s24 =	sadd.s32 $0x1, s24;
	s25 =	sadd.s32 $0x1, s25  }
0x1eb: {  	v18 =	vld [tilespmem:s25+$0x0];
	p0 =	slt.s32 s28, s26;
	_ =	sdelay $0x4  }
0x1ec: {  	(v2sf) =	vpush v18, $0x0;
	_ =	sdelay $0xe  }
0x1ed: {  	s1 =	spop (v2sf)  }
0x1ee: {  	s1 =	sadd.s32 s9, s1;
	v18 =	vld.msk [tilespmem:s24+$0x0 ss:$0x0], $0xffff  }
0x1ef: {  	s2 =	sshll.u32 s1, $0xA;
	v19 =	vld [tilespmem:s29+$0xFFFFFF80];
	s30 =	sshll.u32 s1, $0x6  }
0x1f0: {  	s31 =	sshra.s32 s2, $0x2  }
0x1f1: {  	v20 =	vld [tilespmem:s31+$0x21B0];
	_ =	sdelay $0x2  }
0x1f2: {  	v19 =	vmul.f32 v19, v18;
	_ =	sdelay $0x1  }
0x1f3: {  	v19 =	vadd.f32 v19, v20;
	_ =	sdelay $0x1  }
0x1f4: {  	[tilespmem:s31+$0x21B0] =	vst v19  }
0x1f5: {  	v19 =	vld [tilespmem:s29+$0xFFFFFF90];
	_ =	sdelay $0x1  }
0x1f6: {  	v20 =	vld [tilespmem:s31+$0x21C0];
	_ =	sdelay $0x2  }
0x1f7: {  	v19 =	vmul.f32 v19, v18;
	_ =	sdelay $0x1  }
0x1f8: {  	v19 =	vadd.f32 v19, v20;
	_ =	sdelay $0x1  }
0x1f9: {  	[tilespmem:s31+$0x21C0] =	vst v19  }
0x1fa: {  	v19 =	vld [tilespmem:s29+$0xFFFFFFA0];
	_ =	sdelay $0x1  }
0x1fb: {  	v20 =	vld [tilespmem:s31+$0x21D0];
	_ =	sdelay $0x2  }
0x1fc: {  	v19 =	vmul.f32 v19, v18;
	_ =	sdelay $0x1  }
0x1fd: {  	v19 =	vadd.f32 v19, v20;
	_ =	sdelay $0x1  }
0x1fe: {  	[tilespmem:s31+$0x21D0] =	vst v19  }
0x1ff: {  	v19 =	vld [tilespmem:s29+$0xFFFFFFB0];
	_ =	sdelay $0x1  }
0x200: {  	v20 =	vld [tilespmem:s31+$0x21E0];
	_ =	sdelay $0x2  }
0x201: {  	v19 =	vmul.f32 v19, v18;
	_ =	sdelay $0x1  }
0x202: {  	v19 =	vadd.f32 v19, v20;
	_ =	sdelay $0x1  }
0x203: {  	[tilespmem:s31+$0x21E0] =	vst v19  }
0x204: {  	v19 =	vld [tilespmem:s29+$0xFFFFFFC0];
	_ =	sdelay $0x1  }
0x205: {  	v20 =	vld [tilespmem:s31+$0x21F0];
	_ =	sdelay $0x2  }
0x206: {  	v19 =	vmul.f32 v19, v18;
	_ =	sdelay $0x1  }
0x207: {  	v19 =	vadd.f32 v19, v20;
	_ =	sdelay $0x1  }
0x208: {  	[tilespmem:s31+$0x21F0] =	vst v19  }
0x209: {  	v19 =	vld [tilespmem:s29+$0xFFFFFFD0];
	_ =	sdelay $0x1  }
0x20a: {  	v20 =	vld [tilespmem:s31+$0x2200];
	_ =	sdelay $0x2  }
0x20b: {  	v19 =	vmul.f32 v19, v18;
	_ =	sdelay $0x1  }
0x20c: {  	v19 =	vadd.f32 v19, v20;
	_ =	sdelay $0x1  }
0x20d: {  	[tilespmem:s31+$0x2200] =	vst v19  }
0x20e: {  	v19 =	vld [tilespmem:s29+$0xFFFFFFE0];
	_ =	sdelay $0x1  }
0x20f: {  	v20 =	vld [tilespmem:s31+$0x2210];
	_ =	sdelay $0x2  }
0x210: {  	v19 =	vmul.f32 v19, v18;
	_ =	sdelay $0x1  }
0x211: {  	v19 =	vadd.f32 v19, v20;
	_ =	sdelay $0x1  }
0x212: {  	[tilespmem:s31+$0x2210] =	vst v19  }
0x213: {  	v19 =	vld [tilespmem:s29+$0xFFFFFFF0];
	_ =	sdelay $0x1  }
0x214: {  	v20 =	vld [tilespmem:s31+$0x2220];
	_ =	sdelay $0x2  }
0x215: {  	v19 =	vmul.f32 v19, v18;
	_ =	sdelay $0x1  }
0x216: {  	v19 =	vadd.f32 v19, v20;
	_ =	sdelay $0x1  }
0x217: {  	[tilespmem:s31+$0x2220] =	vst v19  }
0x218: {  	v19 =	vld [tilespmem:s29+$0x0];
	_ =	sdelay $0x1  }
0x219: {  	v20 =	vld [tilespmem:s31+$0x2230];
	_ =	sdelay $0x2  }
0x21a: {  	v19 =	vmul.f32 v19, v18;
	_ =	sdelay $0x1  }
0x21b: {  	v19 =	vadd.f32 v19, v20;
	_ =	sdelay $0x1  }
0x21c: {  	[tilespmem:s31+$0x2230] =	vst v19  }
0x21d: {  	v19 =	vld [tilespmem:s29+$0x10];
	_ =	sdelay $0x1  }
0x21e: {  	v20 =	vld [tilespmem:s31+$0x2240];
	_ =	sdelay $0x2  }
0x21f: {  	v19 =	vmul.f32 v19, v18;
	_ =	sdelay $0x1  }
0x220: {  	v19 =	vadd.f32 v19, v20;
	_ =	sdelay $0x1  }
0x221: {  	[tilespmem:s31+$0x2240] =	vst v19  }
0x222: {  	v19 =	vld [tilespmem:s29+$0x20];
	_ =	sdelay $0x1  }
0x223: {  	v20 =	vld [tilespmem:s31+$0x2250];
	_ =	sdelay $0x2  }
0x224: {  	v19 =	vmul.f32 v19, v18;
	_ =	sdelay $0x1  }
0x225: {  	v19 =	vadd.f32 v19, v20;
	_ =	sdelay $0x1  }
0x226: {  	[tilespmem:s31+$0x2250] =	vst v19  }
0x227: {  	v19 =	vld [tilespmem:s29+$0x30];
	_ =	sdelay $0x1  }
0x228: {  	v20 =	vld [tilespmem:s31+$0x2260];
	_ =	sdelay $0x2  }
0x229: {  	v19 =	vmul.f32 v19, v18;
	_ =	sdelay $0x1  }
0x22a: {  	v19 =	vadd.f32 v19, v20;
	_ =	sdelay $0x1  }
0x22b: {  	[tilespmem:s31+$0x2260] =	vst v19  }
0x22c: {  	v19 =	vld [tilespmem:s29+$0x40];
	_ =	sdelay $0x1  }
0x22d: {  	v20 =	vld [tilespmem:s31+$0x2270];
	_ =	sdelay $0x2  }
0x22e: {  	v19 =	vmul.f32 v19, v18;
	_ =	sdelay $0x1  }
0x22f: {  	v19 =	vadd.f32 v19, v20;
	_ =	sdelay $0x1  }
0x230: {  	[tilespmem:s31+$0x2270] =	vst v19  }
0x231: {  	v19 =	vld [tilespmem:s29+$0x50];
	_ =	sdelay $0x1  }
0x232: {  	v20 =	vld [tilespmem:s31+$0x2280];
	_ =	sdelay $0x2  }
0x233: {  	v19 =	vmul.f32 v19, v18;
	_ =	sdelay $0x1  }
0x234: {  	v19 =	vadd.f32 v19, v20;
	_ =	sdelay $0x1  }
0x235: {  	[tilespmem:s31+$0x2280] =	vst v19  }
0x236: {  	v19 =	vld [tilespmem:s29+$0x60];
	_ =	sdelay $0x1  }
0x237: {  	v20 =	vld [tilespmem:s31+$0x2290];
	_ =	sdelay $0x2  }
0x238: {  	v19 =	vmul.f32 v19, v18;
	_ =	sdelay $0x1  }
0x239: {  	v19 =	vadd.f32 v19, v20;
	_ =	sdelay $0x1  }
0x23a: {  	[tilespmem:s31+$0x2290] =	vst v19  }
0x23b: {  	v19 =	vld [tilespmem:s29+$0x70];
	_ =	sdelay $0x1  }
0x23c: {  	v20 =	vld [tilespmem:s31+$0x22A0];
	_ =	sdelay $0x2  }
0x23d: {  	v18 =	vmul.f32 v19, v18;
	_ =	sdelay $0x1  }
0x23e: {  	v18 =	vadd.f32 v18, v20;
	_ =	sdelay $0x1  }
0x23f: {  	s2 =	sshra.s32 s30, $0x2;
	[tilespmem:s31+$0x22A0] =	vst v18  }
0x240: {  	v18 =	vld [tilespmem:s2+$0x161B0];
	_ =	sdelay $0x1  }
.Ltmp8:
0x241: {  	(pc) =	sbr.rel @p0 .LBB2_11-.Ltmp8, $3  }
0x242: {  	_ =	sdelay $0x1  }
0x243: {  	v18 =	vadd.f32 $1.000000000e+00, v18  }
0x244: {  	s29 =	sadd.s32 $0x100, s29  }
.Ltmp9:
0x245: {  	_ = 	snop;
	(pc) =	sbr.rel .LBB2_12-.Ltmp9, $1  }
0x246: {  	_ =	sdelay $0x3  }
.LBB2_14:
0x247: {  	s1 =	simm.s32 $0x0  }
0x248: {  	v2 =	vld [tilespmem:s1+$0x161B0];
	_ =	sdelay $0x4  }
0x249: {  	(erf) = vrcp.f32 v2;
	_ =	sdelay $0x3  }
0x24a: {  	s1 =	simm.s32 $0x2230  }
0x24b: {  	v2 =	vld [tilespmem:s1+$0xFFFFFF80]  }
0x24c: {  	v3 =	vld [tilespmem:s1+$0xFFFFFF90]  }
0x24d: {  	v4 =	vld [tilespmem:s1+$0xFFFFFFA0]  }
0x24e: {  	v5 =	vld [tilespmem:s1+$0xFFFFFFB0]  }
0x24f: {  	v6 =	vld [tilespmem:s1+$0xFFFFFFC0];
	v7 =	vpop (erf)  }
0x250: {  	v8 =	vld [tilespmem:s1+$0xFFFFFFD0];
	v2 =	vmul.f32 v7, v2  }
0x251: {  	v9 =	vld [tilespmem:s1+$0xFFFFFFE0];
	v3 =	vmul.f32 v3, v7  }
0x252: {  	v10 =	vld [tilespmem:s1+$0xFFFFFFF0];
	v4 =	vmul.f32 v4, v7;
	[tilespmem:s1+$0xFFFFFF80] =	vst v2  }
0x253: {  	v60 =	vld [tilespmem:s1+$0x50];
	v5 =	vmul.f32 v5, v7;
	[tilespmem:s1+$0xFFFFFF90] =	vst v3  }
0x254: {  	v57 =	vld [tilespmem:s1+$0x20];
	v6 =	vmul.f32 v6, v7;
	[tilespmem:s1+$0xFFFFFFA0] =	vst v4  }
0x255: {  	v8 =	vmul.f32 v8, v7;
	v2 =	vld [tilespmem:s1+$0x0];
	[tilespmem:s1+$0xFFFFFFB0] =	vst v5  }
0x256: {  	v9 =	vmul.f32 v9, v7;
	v3 =	vld [tilespmem:s1+$0x10];
	[tilespmem:s1+$0xFFFFFFC0] =	vst v6  }
0x257: {  	v58 =	vld [tilespmem:s1+$0x30];
	v10 =	vmul.f32 v10, v7;
	[tilespmem:s1+$0xFFFFFFD0] =	vst v8  }
0x258: {  	v59 =	vld [tilespmem:s1+$0x40];
	v63 =	vmul.f32 v60, v7;
	[tilespmem:s1+$0xFFFFFFE0] =	vst v9  }
0x259: {  	v61 =	vld [tilespmem:s1+$0x60];
	[tilespmem:s1+$0xFFFFFFF0] =	vst v10;
	v4 =	vmul.f32 v57, v7  }
0x25a: {  	v62 =	vld [tilespmem:s1+$0x70];
	[tilespmem:s1+$0x50] =	vst v63;
	v2 =	vmul.f32 v2, v7  }
0x25b: {  	[tilespmem:s1+$0x20] =	vst v4;
	v3 =	vmul.f32 v3, v7  }
0x25c: {  	[tilespmem:s1+$0x0] =	vst v2;
	v2 =	vmul.f32 v58, v7  }
0x25d: {  	[tilespmem:s1+$0x10] =	vst v3;
	v3 =	vmul.f32 v59, v7  }
0x25e: {  	[tilespmem:s1+$0x30] =	vst v2;
	v2 =	vmul.f32 v61, v7  }
0x25f: {  	[tilespmem:s1+$0x40] =	vst v3;
	v3 =	vmul.f32 v62, v7  }
0x260: {  	[tilespmem:s1+$0x60] =	vst v2  }
0x261: {  	s3 =	simm.s32 $0x10;
	s2 =	simm.s32 $0x80;
	[tilespmem:s1+$0x70] =	vst v3  }
.LBB2_15:
0x262: {  	p0 =	sne.s32 s2, $0x4FC0;
	v2 =	vld [tilespmem:s3+$0x161B0]  }
0x263: {  	s1 =	sadd.s32 $0x100, s1  }
0x264: {  	v3 =	vld [tilespmem:s1+$0xFFFFFFF0]  }
0x265: {  	v4 =	vld [tilespmem:s1+$0x70]  }
0x266: {  	v5 =	vld [tilespmem:s1+$0x50]  }
0x267: {  	v6 =	vld [tilespmem:s1+$0x30];
	(erf) = vrcp.f32 v2  }
0x268: {  	v2 =	vld [tilespmem:s1+$0x10]  }
0x269: {  	v7 =	vld [tilespmem:s1+$0xFFFFFFD0]  }
0x26a: {  	v8 =	vld [tilespmem:s1+$0xFFFFFFB0]  }
0x26b: {  	v9 =	vld [tilespmem:s1+$0xFFFFFF90]  }
0x26c: {  	v10 =	vld [tilespmem:s1+$0xFFFFFF80]  }
0x26d: {  	v11 =	vld [tilespmem:s1+$0xFFFFFFA0]  }
0x26e: {  	v12 =	vld [tilespmem:s1+$0xFFFFFFC0]  }
0x26f: {  	v13 =	vld [tilespmem:s1+$0xFFFFFFE0]  }
0x270: {  	v14 =	vld [tilespmem:s1+$0x0];
	v15 =	vpop (erf)  }
0x271: {  	v10 =	vmul.f32 v15, v10;
	v9 =	vmul.f32 v9, v15;
	v16 =	vld [tilespmem:s1+$0x20]  }
0x272: {  	v8 =	vmul.f32 v8, v15;
	v11 =	vmul.f32 v11, v15;
	v17 =	vld [tilespmem:s1+$0x40]  }
0x273: {  	v7 =	vmul.f32 v7, v15;
	[tilespmem:s1+$0xFFFFFF80] =	vst v10;
	v10 =	vmul.f32 v12, v15;
	v12 =	vld [tilespmem:s1+$0x60]  }
0x274: {  	v3 =	vmul.f32 v3, v15;
	[tilespmem:s1+$0xFFFFFF90] =	vst v9;
	v9 =	vmul.f32 v13, v15  }
0x275: {  	v2 =	vmul.f32 v2, v15;
	[tilespmem:s1+$0xFFFFFFA0] =	vst v11;
	v11 =	vmul.f32 v14, v15  }
0x276: {  	v6 =	vmul.f32 v6, v15;
	[tilespmem:s1+$0xFFFFFFB0] =	vst v8;
	v8 =	vmul.f32 v16, v15  }
0x277: {  	v5 =	vmul.f32 v5, v15;
	[tilespmem:s1+$0xFFFFFFC0] =	vst v10;
	v10 =	vmul.f32 v17, v15  }
0x278: {  	v4 =	vmul.f32 v4, v15;
	[tilespmem:s1+$0xFFFFFFD0] =	vst v7;
	v7 =	vmul.f32 v12, v15  }
0x279: {  	[tilespmem:s1+$0xFFFFFFE0] =	vst v9  }
0x27a: {  	[tilespmem:s1+$0xFFFFFFF0] =	vst v3  }
0x27b: {  	[tilespmem:s1+$0x0] =	vst v11  }
0x27c: {  	[tilespmem:s1+$0x10] =	vst v2  }
0x27d: {  	[tilespmem:s1+$0x20] =	vst v8  }
.Ltmp10:
0x27e: {  	[tilespmem:s1+$0x30] =	vst v6;
	(pc) =	sbr.rel @p0 .LBB2_15-.Ltmp10, $4  }
0x27f: {  	[tilespmem:s1+$0x40] =	vst v10  }
0x280: {  	[tilespmem:s1+$0x50] =	vst v5  }
0x281: {  	[tilespmem:s1+$0x60] =	vst v7  }
0x282: {  	s3 =	sshra.s32 s2, $0x2;
	s2 =	sadd.s32 $0x40, s2;
	[tilespmem:s1+$0x70] =	vst v4  }
0x283: {  	v2 =	vld [tilespmem:s3+$0x161B0];
	_ =	sdelay $0x4  }
0x284: {  	(erf) = vrcp.f32 v2;
	_ =	sdelay $0x3  }
0x285: {  	s1 =	sadd.s32 $0x100, s1  }
0x286: {  	v2 =	vld [tilespmem:s1+$0xFFFFFF80]  }
0x287: {  	v3 =	vld [tilespmem:s1+$0xFFFFFF90]  }
0x288: {  	v4 =	vld [tilespmem:s1+$0xFFFFFFA0]  }
0x289: {  	v5 =	vld [tilespmem:s1+$0xFFFFFFB0]  }
0x28a: {  	v6 =	vld [tilespmem:s1+$0xFFFFFFC0];
	v7 =	vpop (erf)  }
0x28b: {  	v8 =	vld [tilespmem:s1+$0xFFFFFFD0];
	v2 =	vmul.f32 v7, v2  }
0x28c: {  	v9 =	vld [tilespmem:s1+$0xFFFFFFE0];
	v3 =	vmul.f32 v3, v7  }
0x28d: {  	v10 =	vld [tilespmem:s1+$0xFFFFFFF0];
	v4 =	vmul.f32 v4, v7;
	[tilespmem:s1+$0xFFFFFF80] =	vst v2  }
0x28e: {  	v60 =	vld [tilespmem:s1+$0x50];
	v5 =	vmul.f32 v5, v7;
	[tilespmem:s1+$0xFFFFFF90] =	vst v3  }
0x28f: {  	v57 =	vld [tilespmem:s1+$0x20];
	v6 =	vmul.f32 v6, v7;
	[tilespmem:s1+$0xFFFFFFA0] =	vst v4  }
0x290: {  	v8 =	vmul.f32 v8, v7;
	v2 =	vld [tilespmem:s1+$0x0];
	[tilespmem:s1+$0xFFFFFFB0] =	vst v5  }
0x291: {  	v9 =	vmul.f32 v9, v7;
	v3 =	vld [tilespmem:s1+$0x10];
	[tilespmem:s1+$0xFFFFFFC0] =	vst v6  }
0x292: {  	v58 =	vld [tilespmem:s1+$0x30];
	v10 =	vmul.f32 v10, v7;
	[tilespmem:s1+$0xFFFFFFD0] =	vst v8  }
0x293: {  	v59 =	vld [tilespmem:s1+$0x40];
	v63 =	vmul.f32 v60, v7;
	[tilespmem:s1+$0xFFFFFFE0] =	vst v9  }
0x294: {  	v61 =	vld [tilespmem:s1+$0x60];
	[tilespmem:s1+$0xFFFFFFF0] =	vst v10;
	v4 =	vmul.f32 v57, v7  }
0x295: {  	v62 =	vld [tilespmem:s1+$0x70];
	[tilespmem:s1+$0x50] =	vst v63;
	v2 =	vmul.f32 v2, v7  }
0x296: {  	[tilespmem:s1+$0x20] =	vst v4;
	v3 =	vmul.f32 v3, v7  }
0x297: {  	[tilespmem:s1+$0x0] =	vst v2;
	v2 =	vmul.f32 v58, v7  }
0x298: {  	[tilespmem:s1+$0x10] =	vst v3;
	v3 =	vmul.f32 v59, v7  }
0x299: {  	[tilespmem:s1+$0x30] =	vst v2;
	v2 =	vmul.f32 v61, v7  }
0x29a: {  	s17 =	sadd.s32 $0x1, s17;
	[tilespmem:s1+$0x40] =	vst v3;
	v3 =	vmul.f32 v62, v7  }
0x29b: {  	p0 =	sne.s32 s17, s11;
	[tilespmem:s1+$0x60] =	vst v2  }
.Ltmp11:
0x29c: {  	s31 =	simm.s32 $0x21B0;
	[tilespmem:s1+$0x70] =	vst v3;
	(pc) =	sbr.rel @p0 .LBB2_1-.Ltmp11, $4  }
0x29d: {  	[hbm4b:s10+s5] =	stream.linear.scatter [tilespmem:s31], [sflag:$0x1], $0x14000, $0x38;
	[tilespmem:$0x175B0] =	vst v63  }
0x29e: {  	_ =	swait.ge [sflag:s13], $0x14000  }
0x29f: {  	[sflag:s13] =	ssyncset.done $0x0  }
0x2a0: {  	[sflag:s13] =	ssyncadd.s32 $0xFFFEC000  }
0x2a1: {  	_ =	sfence.sel $0x180000  }
0x2a2: {  	[bflag:$0x0] =	sbarrier.arrive $0xFFFF  }
0x2a3: {  	_ =	strace $0x9000004A  }
0x2a4: {  	s0 =	stileid.u32;
	[bflag:$0x2] =	sbarrier.arrive $0xFFFF  }
0x2a5: {  	p0 =	sne.s32 s0, $0x0;
	s0 =	rddreg [dreg:$0x4]  }
0x2a6: {  	s0 =	sadd.s32 @!p0 $0x100000, s0  }
0x2a7: {  	[sflag:s0] =	ssyncadd.tile.s32 @!p0 $0x1;
	_ =	shalt  }
.Lfunc_end2:
_tile_overlayer_lowered:
.L_overlay_start_2:
0x2a8: {  	(tag) =	ssettag $0x2  }
0x2a9: {  	s0 =	rddreg [dreg:$0x0];
	s2 =	stileid.u32  }
0x2aa: {  	s1 =	rddreg [dreg:$0x1];
	p0 =	sne.s32 s2, $0x0  }
0x2ab: {  	s3 =	rddreg [dreg:$0x2];
	[bflag:$0x3] =	sbarrier.arrive $0xFFFF;
	s2 =	simm.s32 @!p0 $0x1C01  }
0x2ac: {  	[timem:s3], [sflag:s2] =	dma.local @!p0 [hbm:s0], s1  }
0x2ad: {  	s0 =	simm.s32 @!p0 $0x1  }
0x2ae: {  	_ =	swait.ge @!p0 [sflag:s0], s1  }
0x2af: {  	s1 =	ssub.s32 @!p0 $0x0, s1;
	[sflag:s0] =	ssyncset.done @!p0 $0x0  }
0x2b0: {  	[sflag:s0] =	ssyncadd.s32 @!p0 s1  }
0x2b1: {  	[bflag:$0x3] =	sbarrier.arrive $0xFFFF  }
0x2b2: {  	_ =	shalt  }

// kernel: sparse-core-data-format-call.cloned.1.call-start
scs
called_computation_lowered:
.L_overlay_start_0:
0x0: {  	s2 =	sld [smem:$0x3FD9]  }
0x1: {  	s3 =	sld [smem:$0x3FFE];
	_ =	sdelay $0x1  }
0x2: {  	s1 =	srdreg.scid  }
0x3: {  	s0 =	sand.u32 $0x1, s1  }
0x4: {  	s18 =	sshll.u32 s0, $0xA;
	s2 =	sadd.s32 s3, s2  }
0x5: {  	s2 =	sadd.s32 s2, s18  }
0x6: {  	[smem:$0x3FC4] =	sst s2  }
0x7: {  	_ = 	snop  }
0x8: {  	s2 =	sld [smem:$0x3FC9];
	(tm) =	ssettm $0x1  }
0x9: {  	s19 =	sld [smem:$0x3FFB];
	_ =	sdelay $0x3  }
0xa: {  	_ =	strace s19  }
0xb: {  	s3 =	sld [smem:$0x3FFC];
	_ =	sdelay $0x3  }
0xc: {  	_ =	strace s3  }
0xd: {  	s3 =	sld [smem:$0x3FFD];
	_ =	sdelay $0x3  }
0xe: {  	_ =	strace s3  }
0xf: {  	_ =	strace $0x8FFFFFFF  }
0x10: {  	s20 =	sld [smem:$0x3FDB];
	_ =	sdelay $0x1  }
0x11: {  	s4 =	simm.s32 $_scs_section_size  }
0x12: {  	s5 =	simm.s32 $_size__tile_overlayer_lowered;
	s6 =	simm.s32 $_tile_overlayer_lowered  }
0x13: {  	s23 =	simm.s32 $0x1BFF;
	s22 =	sshll.u32 s6, $0x1;
	s3 =	sadd.s32 s4, s20  }
0x14: {  	s7 =	simm.s32 $0x0;
	s21 =	sshll.u32 s5, $0x1;
	s5 =	sadd.s32 s22, s3  }
0x15: {  	[timem:s7], [sflag:s23] =	dma.local [hbm:s5], s21  }
0x16: {  	_ =	swait.ge [sflag:s23], s21  }
0x17: {  	s4 =	ssub.s32 $0x0, s21;
	[sflag:s23] =	ssyncset.done $0x0  }
0x18: {  	[sflag:s23] =	ssyncadd.s32 s4;
	_ =	sdelay $0x1  }
0x19: {  	s24 =	simm.s32 $0x1B8B  }
0x1a: {  	_ =	swait.ge [sflag:s24], $0x1  }
0x1b: {  	[sflag:s24] =	ssyncset.done $0x0  }
0x1c: {  	s26 =	simm.s32 $0x1B8E;
	s25 =	sld [smem:$0x3FFE];
	[sflag:s24] =	ssyncadd.s32 $0xFFFFFFFF  }
0x1d: {  	s27 =	simm.s32 $execute0_lowered;
	[smem:$0x3FD2] =	sst s26  }
0x1e: {  	s5 =	sshll.u32 s27, $0x1;
	_ =	strace $0x80000046;
	[dreg:$0x1] =	wrdreg $0xFFFFFFFF  }
0x1f: {  	s28 =	simm.s32 $_size_execute0_lowered;
	s3 =	sadd.s32 s3, s5;
	[dreg:$0x0] =	wrdreg $0x0  }
0x20: {  	s5 =	sshll.u32 s28, $0x1;
	[dreg:$0x2] =	wrdreg s3  }
0x21: {  	[dreg:$0x3] =	wrdreg s5  }
0x22: {  	[dreg:$0x4] =	wrdreg $0xC0  }
0x23: {  	_ =	task [dreg:s7], $0x5FFFF  }
0x24: {  	[dreg:$0x1] =	wrdreg $0xFFFFFFFF  }
0x25: {  	[dreg:$0x0] =	wrdreg $0x60  }
0x26: {  	[dreg:$0x2] =	wrdreg s2  }
0x27: {  	[dreg:$0x3] =	wrdreg s25  }
0x28: {  	[dreg:$0x4] =	wrdreg $0x9  }
0x29: {  	_ =	task.clear_ibuf [dreg:s7], $0x5FFFF;
	_ =	strace $0x90000046  }
0x2a: {  	s29 =	simm.s32 $0x9;
	_ =	strace $0x80000048  }
0x2b: {  	_ =	swait.ge [sflag:s29], $0x1  }
0x2c: {  	[sflag:s29] =	ssyncadd.s32 $0xFFFFFFFF  }
0x2d: {  	_ =	strace $0x90000048  }
0x2e: {  	_ =	sfence  }
0x2f: {  	s30 =	sld [smem:$0x0];
	_ =	sdelay $0x2  }
0x30: {  	s31 =	sshll.u32 s1, $0xD;
	s1 =	sshrl.u32 s1, $0x2  }
0x31: {  	s3 =	sand.u32 $0x4000, s31;
	s1 =	sadd.s32 s1, s30  }
0x32: {  	s0 =	sor.u32 s3, s0;
	s1 =	sshll.u32 s1, $0x11  }
0x33: {  	s0 =	sor.u32 s1, s0  }
0x34: {  	s0 =	sadd.s32 $0x8F2B, s0  }
0x35: {  	[sflag:s0] =	ssyncadd.remote.s32 $0x1  }
0x36: {  	_ =	sfence.sel $0xFFFF  }
0x37: {  	[dreg:$0x0] =	wrdreg $0xFFFFFFFF;
	(pc) =	sbr.abs _section_cstart, $3  }
0x38: {  	[dreg:$0x1] =	wrdreg $0xFFFFFFFF  }
0x39: {  	_ =	task.clear_ibuf [dreg:s7], $0x2FFFF;
	_ =	strace $0x9FFFFFFF  }
0x3a: {  	(tm) =	ssettm $0x7FFFFFFF  }
0x3b: {  	_ =	shalt  }
tec
execute0_lowered:
.L_overlay_start_1:
0x0: {  	(tag) =	ssettag $0x1  }
0x1: {  	s0 =	srdreg.scid  }
0x2: {  	s1 =	sshll.u32 s0, $0x4  }
0x3: {  	s2 =	rddreg [dreg:$0x0];
	s0 =	stileid.u32;
	s1 =	sand.u32 $0x10, s1  }
0x4: {  	s4 =	rddreg [dreg:$0x1];
	s7 =	simm.s32 $0x1;
	s1 =	sor.u32 s0, s1  }
0x5: {  	s8 =	simm.s32 $0x2;
	s9 =	simm.s32 $0x0;
	s3 =	sshll.u32 s1, $0x3  }
0x6: {  	s12 =	simm.s32 $0x0;
	s11 =	simm.s32 $0x0;
	s6 =	ssub.s32 $0x4E20, s3  }
.Ltmp0:
0x7: {  	s4 =	sadd.s32 $0x1600, s4;
	s5 =	sand.u32 $0xF8, s6;
	(pc) =	sbr.rel .LBB1_1-.Ltmp0, $4  }
0x8: {  	s1 =	rddreg [dreg:$0x2];
	_ =	strace $0x80000047;
	p0 =	sne.s32 s5, $0x0  }
0x9: {  	s6 =	sshrl.u32 s6, $0x8;
	s5 =	simm.s32 $0x1;
	s7 =	simm.s32 @!p0 $0x0  }
0xa: {  	s10 =	smov.u32 s3;
	[sflag:s5] =	ssyncpa.u1 $0x0;
	s6 =	sadd.s32 s7, s6  }
0xb: {  	[sflag:s8] =	ssyncpa.u1 $0x0;
	s8 =	simm.s32 $0x0;
	s7 =	sadd.s32 $0x1, s6  }
.LBB1_9:
0xc: {  	s14 =	sadd.s32 $0x100, s10  }
0xd: {  	p1 =	sgt.s32 s14, $0x4E1F  }
0xe: {  	s14 =	smov.u32 @p1 s3;
	p1 =	sne.s32 s11, s7  }
.Ltmp1:
0xf: {  	p0 =	slt.u32 s11, $0x2;
	(pc) =	sbr.rel @!p1 .LBB1_10-.Ltmp1, $4  }
0x10: {  	s13 =	simm.s32 @!p0 $0x2  }
0x11: {  	s15 =	sadd.s32 $0x1, s11;
	_ =	swait.ge @!p0 [sflag:s13], $0x4000  }
0x12: {  	s12 =	smov.u32 s10;
	s9 =	sadd.s32 $0x4000, s9;
	[sflag:s13] =	ssyncset.done @!p0 $0x0  }
0x13: {  	s11 =	smov.u32 s15;
	s10 =	smov.u32 s14;
	[sflag:s13] =	ssyncadd.s32 @!p0 $0xFFFFC000  }
.LBB1_1:
0x14: {  	p0 =	sge.u32 s11, s6  }
0x15: {  	s13 =	sxor.u32 @!p0 $0xFFFFFFFF, s11  }
0x16: {  	s31 =	sadd.s32 $0xFFFFFFFF, s11;
	s14 =	sshll.u32 @!p0 s10, $0x8;
	s13 =	sshll.u32 @!p0 s13, $0xE  }
0x17: {  	s15 =	simm.s32 @!p0 $0x0;
	s14 =	sadd.s32 @!p0 s2, s14;
	s13 =	sand.u32 @!p0 $0x4000, s13  }
0x18: {  	[tilespmem:s13], [sflag:$0x1] =	stream.linear.gather @!p0 [hbm4b:s14+s15], $0x4000, $0x38;
	[tilespmem:$0x10000] =	vst v63  }
0x19: {  	p0 =	sge.u32 s31, s6  }
.Ltmp2:
0x1a: {  	_ = 	snop;
	(pc) =	sbr.rel @p0 .LBB1_9-.Ltmp2, $1  }
0x1b: {  	_ =	sdelay $0x3  }
0x1c: {  	s13 =	sshll.u32 s9, $0x2;
	_ =	swait.ge [sflag:s5], $0x4000;
	s14 =	sshll.u32 s11, $0xE  }
0x1d: {  	s16 =	simm.s32 $0x0;
	s17 =	simm.s32 $0x0;
	s15 =	sand.u32 $0x10000, s13  }
0x1e: {  	[sflag:s5] =	ssyncset.done $0x0;
	s31 =	sand.u32 $0x4000, s14;
	s14 =	sshrl.u32 s15, $0x2  }
0x1f: {  	[sflag:s5] =	ssyncadd.s32 $0xFFFFC000;
	s13 =	sor.u32 $0x8000, s31;
	s15 =	sor.u32 $0x8000, s14  }
.LBB1_3:
0x20: {  	s18 =	sshra.s32 s16, $0x2  }
0x21: {  	v0 =	vmov s18;
	_ =	sdelay $0x3  }
0x22: {  	p1 =	por $0x1, $0x1;
	s18 =	simm.s32 $0x0  }
.LBB1_4:
0x23: {  	_ = 	snop  }
0x24: {  	s19 =	sshll.u32 s18, $0xA  }
0x25: {  	s19 =	sand.u32 $0x3FFFFC00, s19  }
0x26: {  	s19 =	sadd.s32 s19, s14  }
0x27: {  	v5 =	vld.idx.msk [tilespmem:v0+s19+$0x70 ss:$0x1], $0xffff  }
0x28: {  	v6 =	vld.idx.msk [tilespmem:v0+s19+$0x10 ss:$0x1], $0xffff  }
0x29: {  	v7 =	vld.idx.msk [tilespmem:v0+s19+$0x20 ss:$0x1], $0xffff  }
0x2a: {  	s31 =	sshll.u32 s18, $0x7;
	v1 =	vld.idx.msk [tilespmem:v0+s19+$0x30 ss:$0x1], $0xffff  }
0x2b: {  	s18 =	sand.u32 $0x3FFFFF80, s31;
	v2 =	vld.idx.msk [tilespmem:v0+s19+$0x40 ss:$0x1], $0xffff  }
0x2c: {  	s18 =	sadd.s32 s18, s15;
	v3 =	vld.idx.msk [tilespmem:v0+s19+$0x50 ss:$0x1], $0xffff  }
0x2d: {  	v4 =	vld.idx.msk [tilespmem:v0+s19+$0x60 ss:$0x1], $0xffff;
	[tilespmem:v0+s18+$0x70 ss:$0x1] =	vst.idx.msk $0xffff, v5  }
0x2e: {  	v5 =	vld.idx.msk [tilespmem:v0+s19+$0x0 ss:$0x1], $0xffff;
	[tilespmem:v0+s18+$0x10 ss:$0x1] =	vst.idx.msk $0xffff, v6;
	s19 =	sadd.s32 $0x80, s19  }
0x2f: {  	p0 =	por p1, p1;
	s20 =	simm.s32 $0x6;
	[tilespmem:v0+s18+$0x20 ss:$0x1] =	vst.idx.msk $0xffff, v7;
	v6 =	vld.idx.msk [tilespmem:v0+s19+$0x70 ss:$0x1], $0xffff  }
.LBB1_5:
0x30: {  	p1 =	sne.s32 s20, $0x1;
	v7 =	vld.idx.msk [tilespmem:v0+s19+$0x10 ss:$0x1], $0xffff;
	[tilespmem:v0+s18+$0x30 ss:$0x1] =	vst.idx.msk $0xffff, v1  }
0x31: {  	v8 =	vld.idx.msk [tilespmem:v0+s19+$0x20 ss:$0x1], $0xffff;
	[tilespmem:v0+s18+$0x40 ss:$0x1] =	vst.idx.msk $0xffff, v2  }
0x32: {  	v1 =	vld.idx.msk [tilespmem:v0+s19+$0x30 ss:$0x1], $0xffff;
	[tilespmem:v0+s18+$0x50 ss:$0x1] =	vst.idx.msk $0xffff, v3  }
.Ltmp3:
0x33: {  	v2 =	vld.idx.msk [tilespmem:v0+s19+$0x40 ss:$0x1], $0xffff;
	[tilespmem:v0+s18+$0x60 ss:$0x1] =	vst.idx.msk $0xffff, v4;
	(pc) =	sbr.rel @p1 .LBB1_5-.Ltmp3, $4  }
0x34: {  	v3 =	vld.idx.msk [tilespmem:v0+s19+$0x50 ss:$0x1], $0xffff;
	[tilespmem:v0+s18+$0x0 ss:$0x1] =	vst.idx.msk $0xffff, v5;
	s18 =	sadd.s32 $0x100, s18  }
0x35: {  	v4 =	vld.idx.msk [tilespmem:v0+s19+$0x60 ss:$0x1], $0xffff;
	[tilespmem:v0+s18+$0x70 ss:$0x1] =	vst.idx.msk $0xffff, v6  }
0x36: {  	v5 =	vld.idx.msk [tilespmem:v0+s19+$0x0 ss:$0x1], $0xffff;
	[tilespmem:v0+s18+$0x10 ss:$0x1] =	vst.idx.msk $0xffff, v7;
	s19 =	sadd.s32 $0x80, s19  }
0x37: {  	s20 =	sadd.s32 $0xFFFFFFFF, s20;
	v6 =	vld.idx.msk [tilespmem:v0+s19+$0x70 ss:$0x1], $0xffff;
	[tilespmem:v0+s18+$0x20 ss:$0x1] =	vst.idx.msk $0xffff, v8  }
0x38: {  	_ =	sdelay $0x3  }
0x39: {  	[tilespmem:v0+s18+$0x30 ss:$0x1] =	vst.idx.msk $0xffff, v1  }
0x3a: {  	v1 =	vld.idx.msk [tilespmem:v0+s19+$0x10 ss:$0x1], $0xffff;
	[tilespmem:v0+s18+$0x40 ss:$0x1] =	vst.idx.msk $0xffff, v2  }
0x3b: {  	v2 =	vld.idx.msk [tilespmem:v0+s19+$0x20 ss:$0x1], $0xffff;
	[tilespmem:v0+s18+$0x50 ss:$0x1] =	vst.idx.msk $0xffff, v3  }
0x3c: {  	v61 =	vld.idx.msk [tilespmem:v0+s19+$0x40 ss:$0x1], $0xffff;
	[tilespmem:v0+s18+$0x60 ss:$0x1] =	vst.idx.msk $0xffff, v4  }
0x3d: {  	s31 =	sadd.s32 $0x100, s18;
	v62 =	vld.idx.msk [tilespmem:v0+s19+$0x50 ss:$0x1], $0xffff;
	[tilespmem:v0+s18+$0x0 ss:$0x1] =	vst.idx.msk $0xffff, v5  }
0x3e: {  	v63 =	vld.idx.msk [tilespmem:v0+s19+$0x60 ss:$0x1], $0xffff;
	[tilespmem:v0+s31+$0x70 ss:$0x1] =	vst.idx.msk $0xffff, v6  }
0x3f: {  	v3 =	vld.idx.msk [tilespmem:v0+s19+$0x30 ss:$0x1], $0xffff;
	[tilespmem:v0+s31+$0x10 ss:$0x1] =	vst.idx.msk $0xffff, v1  }
0x40: {  	v1 =	vld.idx.msk [tilespmem:v0+s19+$0x0 ss:$0x1], $0xffff;
	[tilespmem:v0+s31+$0x20 ss:$0x1] =	vst.idx.msk $0xffff, v2  }
.Ltmp4:
0x41: {  	[tilespmem:v0+s31+$0x40 ss:$0x1] =	vst.idx.msk $0xffff, v61;
	(pc) =	sbr.rel @p0 .LBB1_4-.Ltmp4, $4  }
0x42: {  	[tilespmem:v0+s31+$0x50 ss:$0x1] =	vst.idx.msk $0xffff, v62  }
0x43: {  	[tilespmem:v0+s31+$0x60 ss:$0x1] =	vst.idx.msk $0xffff, v63  }
0x44: {  	[tilespmem:v0+s31+$0x30 ss:$0x1] =	vst.idx.msk $0xffff, v3  }
0x45: {  	p1 =	por $0x0, $0x0;
	s18 =	simm.s32 $0x1;
	[tilespmem:v0+s31+$0x0 ss:$0x1] =	vst.idx.msk $0xffff, v1  }
0x46: {  	s17 =	sadd.s32 $0x1, s17  }
0x47: {  	p0 =	sne.s32 s17, $0x8  }
.Ltmp5:
0x48: {  	_ = 	snop;
	(pc) =	sbr.rel @p0 .LBB1_3-.Ltmp5, $2  }
0x49: {  	_ =	sdelay $0x2  }
0x4a: {  	s16 =	sadd.s32 $0x2000, s16  }
.Ltmp6:
0x4b: {  	(pc) =	sbr.rel .LBB1_9-.Ltmp6, $4  }
0x4c: {  	_ = 	snop  }
0x4d: {  	s12 =	sshll.u32 s12, $0x8  }
0x4e: {  	s12 =	sadd.s32 s4, s12  }
0x4f: {  	[hbm4b:s12+s8] =	stream.linear.scatter [tilespmem:s13], [sflag:$0x2], $0x4000, $0x38;
	[tilespmem:$0x10000] =	vst v63  }
.LBB1_10:
0x50: {  	_ =	sfence.sel $0x180000  }
0x51: {  	s2 =	simm.s32 $0x1;
	[bflag:$0x0] =	sbarrier.arrive $0xFFFF  }
0x52: {  	s31 =	simm.s32 $0x2;
	[sflag:s2] =	ssyncpa.u1 $0x1  }
0x53: {  	[sflag:s31] =	ssyncpa.u1 $0x1  }
0x54: {  	p0 =	sne.s32 s0, $0x0;
	_ =	strace $0x90000047  }
0x55: {  	s0 =	sadd.s32 @!p0 $0x100000, s1;
	[bflag:$0x2] =	sbarrier.arrive $0xFFFF  }
0x56: {  	[sflag:s0] =	ssyncadd.tile.s32 @!p0 $0x1;
	_ =	shalt  }
.Lfunc_end1:
_tile_overlayer_lowered:
.L_overlay_start_2:
0x57: {  	(tag) =	ssettag $0x2  }
0x58: {  	s0 =	rddreg [dreg:$0x0];
	s2 =	stileid.u32  }
0x59: {  	s1 =	rddreg [dreg:$0x1];
	p0 =	sne.s32 s2, $0x0  }
0x5a: {  	s3 =	rddreg [dreg:$0x2];
	[bflag:$0x3] =	sbarrier.arrive $0xFFFF;
	s2 =	simm.s32 @!p0 $0x1C01  }
0x5b: {  	[timem:s3], [sflag:s2] =	dma.local @!p0 [hbm:s0], s1  }
0x5c: {  	s0 =	simm.s32 @!p0 $0x1  }
0x5d: {  	_ =	swait.ge @!p0 [sflag:s0], s1  }
0x5e: {  	s1 =	ssub.s32 @!p0 $0x0, s1;
	[sflag:s0] =	ssyncset.done @!p0 $0x0  }
0x5f: {  	[sflag:s0] =	ssyncadd.s32 @!p0 s1  }
0x60: {  	[bflag:$0x3] =	sbarrier.arrive $0xFFFF  }
0x61: {  	_ =	shalt  }

</sc_bundles>
